<compile_context>
chip_gen: v7x
topology: tpu7x:2x2x1
jax: 0.10.2.dev20260603
libtpu: 0.0.44.dev20260713+nightly
codegen_flags: <defaults>
</compile_context>

<pallas_src>
import functools

import jax
import jax.numpy as jnp
from jax import lax
from jax.experimental import pallas as pl
from jax.experimental.pallas import tpu as pltpu
from jax.experimental.pallas import tpu_sc as plsc

N = 10000
E = 320000
D = 128
NC = 2
NS = 16
NW = NC * NS
R = 10240
TPR = R // NS
CH = 128
NCHUNK = 80
EPT = CH * NCHUNK
TAILC = (E - (NW - 1) * EPT) // CH

DW = 32

_mesh = plsc.VectorSubcoreMesh(core_axis_name="c", subcore_axis_name="s")


def _fill(ref, val, width):
    v = jnp.full((16,), val, jnp.float32)

    def body(r, carry):
        for k in range(width // 16):
            ref[r, pl.ds(k * 16, 16)] = v
        return carry

    lax.fori_loop(0, CH, body, 0)


def _chunk_lim(wid):
    return jnp.where(wid == NW - 1, TAILC, NCHUNK)


@functools.partial(
    pl.kernel,
    out_type=jax.ShapeDtypeStruct((NC, R, DW), jnp.float32),
    mesh=_mesh,
    scratch_types=[
        pltpu.VMEM((CH, DW), jnp.float32),
        pltpu.VMEM((2, CH), jnp.int32),
        pltpu.VMEM_SHARED((R, DW), jnp.float32),
        pltpu.SemaphoreType.DMA,
        pltpu.SemaphoreType.DMA,
    ],
)
def _deg_kernel(ei_hbm, out_hbm, ones_v, didx_v, acc, sem_c, sem_d):
    cid = lax.axis_index("c")
    tid = lax.axis_index("s")
    wid = cid * NS + tid
    base = wid * EPT
    hl = _chunk_lim(wid) // 2

    _fill(ones_v, 0.0, DW)
    for k in range(TPR // CH):
        pltpu.sync_copy(ones_v, acc.at[pl.ds(tid * TPR + k * CH, CH)])
    _fill(ones_v, 1.0, DW)
    plsc.subcore_barrier()

    pltpu.async_copy(ei_hbm.at[1, pl.ds(base, CH)], didx_v.at[0], sem_c)

    def body(i, carry):
        j0 = 2 * i
        j1 = 2 * i + 1
        pltpu.async_copy(ei_hbm.at[1, pl.ds(base + j1 * CH, CH)],
                         didx_v.at[1], sem_d)
        pltpu.make_async_copy(ei_hbm.at[1, pl.ds(base + j0 * CH, CH)],
                              didx_v.at[0], sem_c).wait()
        pltpu.sync_copy(ones_v, acc.at[didx_v.at[0]], add=True)

        @pl.when(i + 1 < hl)
        def _():
            pltpu.async_copy(ei_hbm.at[1, pl.ds(base + (j0 + 2) * CH, CH)],
                             didx_v.at[0], sem_c)

        pltpu.make_async_copy(ei_hbm.at[1, pl.ds(base + j1 * CH, CH)],
                              didx_v.at[1], sem_d).wait()
        pltpu.sync_copy(ones_v, acc.at[didx_v.at[1]], add=True)
        return carry

    lax.fori_loop(0, hl, body, 0)
    plsc.subcore_barrier()
    pltpu.sync_copy(acc.at[pl.ds(tid * TPR, TPR)],
                    out_hbm.at[cid, pl.ds(tid * TPR, TPR)])


@functools.partial(
    pl.kernel,
    out_type=jax.ShapeDtypeStruct((NC, R, D), jnp.float32),
    mesh=_mesh,
    scratch_types=[
        pltpu.VMEM((EPT,), jnp.int32),
        pltpu.VMEM((CH, D), jnp.float32),
        pltpu.VMEM((CH, D), jnp.float32),
        pltpu.VMEM((2, CH), jnp.int32),
        pltpu.VMEM_SHARED((R, D), jnp.float32),
        pltpu.SemaphoreType.DMA,
        pltpu.SemaphoreType.DMA,
        pltpu.SemaphoreType.DMA,
        pltpu.SemaphoreType.DMA,
    ],
)
def _scat_kernel(g_hbm, ei_hbm, out_hbm,
                 src_v, rows0_v, rows1_v, didx_v, acc,
                 sem_a, sem_b, sem_c, sem_d):
    cid = lax.axis_index("c")
    tid = lax.axis_index("s")
    wid = cid * NS + tid
    base = wid * EPT
    hl = _chunk_lim(wid) // 2

    _fill(rows0_v, 0.0, D)
    for k in range(TPR // CH):
        pltpu.sync_copy(rows0_v, acc.at[pl.ds(tid * TPR + k * CH, CH)])

    @pl.when(wid < NW - 1)
    def _():
        pltpu.sync_copy(ei_hbm.at[0, pl.ds(base, EPT)], src_v)

    @pl.when(wid == NW - 1)
    def _():
        pltpu.sync_copy(ei_hbm.at[0, pl.ds((NW - 1) * EPT, TAILC * CH)],
                        src_v.at[pl.ds(0, TAILC * CH)])

    plsc.subcore_barrier()

    pltpu.async_copy(g_hbm.at[src_v.at[pl.ds(0, CH)]], rows0_v, sem_a)
    pltpu.async_copy(ei_hbm.at[1, pl.ds(base, CH)], didx_v.at[0], sem_c)

    def body(i, carry):
        j0 = 2 * i
        j1 = 2 * i + 1
        pltpu.async_copy(g_hbm.at[src_v.at[pl.ds(j1 * CH, CH)]], rows1_v,
                         sem_b)
        pltpu.async_copy(ei_hbm.at[1, pl.ds(base + j1 * CH, CH)],
                         didx_v.at[1], sem_d)
        pltpu.make_async_copy(g_hbm.at[src_v.at[pl.ds(j0 * CH, CH)]],
                              rows0_v, sem_a).wait()
        pltpu.make_async_copy(ei_hbm.at[1, pl.ds(base + j0 * CH, CH)],
                              didx_v.at[0], sem_c).wait()
        pltpu.sync_copy(rows0_v, acc.at[didx_v.at[0]], add=True)

        @pl.when(i + 1 < hl)
        def _():
            pltpu.async_copy(g_hbm.at[src_v.at[pl.ds((j0 + 2) * CH, CH)]],
                             rows0_v, sem_a)
            pltpu.async_copy(ei_hbm.at[1, pl.ds(base + (j0 + 2) * CH, CH)],
                             didx_v.at[0], sem_c)

        pltpu.make_async_copy(g_hbm.at[src_v.at[pl.ds(j1 * CH, CH)]],
                              rows1_v, sem_b).wait()
        pltpu.make_async_copy(ei_hbm.at[1, pl.ds(base + j1 * CH, CH)],
                              didx_v.at[1], sem_d).wait()
        pltpu.sync_copy(rows1_v, acc.at[didx_v.at[1]], add=True)
        return carry

    lax.fori_loop(0, hl, body, 0)
    plsc.subcore_barrier()
    pltpu.sync_copy(acc.at[pl.ds(tid * TPR, TPR)],
                    out_hbm.at[cid, pl.ds(tid * TPR, TPR)])


_B = 512
_G = pl.cdiv(N, _B)


def _dis_of(degp_ref):
    d = degp_ref[0, :, 0:1] + degp_ref[1, :, 0:1] + 1.0
    return lax.rsqrt(d)


def _mm1_body(x_ref, w_ref, o_ref):
    o_ref[...] = jnp.dot(x_ref[...], w_ref[...],
                         preferred_element_type=jnp.float32)


def _scale_body(degp_ref, y_ref, o_ref):
    o_ref[...] = y_ref[...] * _dis_of(degp_ref)


def _mm2_body(degp_ref, s_ref, g_ref, b_ref, w_ref, o_ref):
    dis = _dis_of(degp_ref)
    t = s_ref[0] + s_ref[1] + g_ref[...]
    h = jnp.maximum(t * dis + b_ref[...], 0.0)
    o_ref[...] = jnp.dot(h, w_ref[...],
                         preferred_element_type=jnp.float32) * dis


def _mm3_body(degp_ref, t_ref, g_ref, b_ref, o_ref):
    dis = _dis_of(degp_ref)
    o_ref[...] = (t_ref[0] + t_ref[1] + g_ref[...]) * dis + b_ref[...]


_degp_spec = pl.BlockSpec((2, _B, DW), lambda i: (0, i, 0))
_acc_spec = pl.BlockSpec((2, _B, D), lambda i: (0, i, 0))
_row_spec = pl.BlockSpec((_B, D), lambda i: (i, 0))
_w_spec = pl.BlockSpec((D, D), lambda i: (0, 0))
_b_spec = pl.BlockSpec((1, D), lambda i: (0, 0))
_out_nd = jax.ShapeDtypeStruct((N, D), jnp.float32)

_mm1 = pl.pallas_call(
    _mm1_body, grid=(_G,),
    in_specs=[_row_spec, _w_spec],
    out_specs=_row_spec, out_shape=_out_nd)

_scale = pl.pallas_call(
    _scale_body, grid=(_G,),
    in_specs=[_degp_spec, _row_spec],
    out_specs=_row_spec, out_shape=_out_nd)

_mm2 = pl.pallas_call(
    _mm2_body, grid=(_G,),
    in_specs=[_degp_spec, _acc_spec, _row_spec, _b_spec, _w_spec],
    out_specs=_row_spec, out_shape=_out_nd)

_mm3 = pl.pallas_call(
    _mm3_body, grid=(_G,),
    in_specs=[_degp_spec, _acc_spec, _row_spec, _b_spec],
    out_specs=_row_spec, out_shape=_out_nd)


def kernel(x, edge_index, W1, b1, W2, b2):
    b1r = b1.reshape(1, D)
    b2r = b2.reshape(1, D)

    y1 = _mm1(x, W1)
    degp = _deg_kernel(edge_index)
    g1 = _scale(degp, y1)
    s1 = _scat_kernel(g1, edge_index)
    g2 = _mm2(degp, s1, g1, b1r, W2)
    s2 = _scat_kernel(g2, edge_index)
    return _mm3(degp, s2, g2, b2r)

# --- scband reference (transcript-rebuilt; emitter-appended) ---
"""Pipeline reference for scband-gnnmodel-20572893348413 (READ-ONLY COPY).

The authoritative reference and input builder live on the scoring server;
editing this copy changes nothing except your own understanding.
"""

import jax, jax.numpy as jnp
import numpy as np

N = 10000
E = 320000
D_IN = 128
D_H = 128
D_OUT = 128


def setup_inputs(seed: int = 0) -> dict:
    key = jax.random.key(seed)
    k1, k2, k3, k4 = jax.random.split(key, 4)
    x = jax.random.normal(k1, (N, D_IN), dtype=jnp.float32)
    edge_index = jax.random.randint(k2, (2, E), 0, N, dtype=jnp.int32)
    W1 = jax.random.normal(k3, (D_IN, D_H), dtype=jnp.float32) * (1.0 / np.sqrt(D_IN))
    b1 = jnp.zeros((D_H,), dtype=jnp.float32)
    W2 = jax.random.normal(k4, (D_H, D_OUT), dtype=jnp.float32) * (1.0 / np.sqrt(D_H))
    b2 = jnp.zeros((D_OUT,), dtype=jnp.float32)
    return {"x": x, "edge_index": edge_index, "W1": W1, "b1": b1, "W2": W2, "b2": b2}


def gcn_conv(x, edge_index, W, b):
    # Faithful GCNConv: linear transform, add self-loops, symmetric normalization,
    # scatter-add aggregation, then bias.
    n = x.shape[0]
    h = x @ W
    src = edge_index[0]
    dst = edge_index[1]
    loop = jnp.arange(n, dtype=src.dtype)
    src = jnp.concatenate([src, loop])
    dst = jnp.concatenate([dst, loop])
    ones = jnp.ones(src.shape[0], dtype=h.dtype)
    deg = jnp.zeros((n,), dtype=h.dtype).at[dst].add(ones)
    deg_inv_sqrt = jnp.where(deg > 0, jax.lax.rsqrt(jnp.maximum(deg, 1e-12)), 0.0)
    norm = deg_inv_sqrt[src] * deg_inv_sqrt[dst]
    msg = h[src] * norm[:, None]
    out = jnp.zeros_like(h).at[dst].add(msg)
    return out + b


def reference(x, edge_index, W1, b1, W2, b2):
    h = gcn_conv(x, edge_index, W1, b1)
    h = jax.nn.relu(h)
    out = gcn_conv(h, edge_index, W2, b2)
    return out

if __name__ == "__main__":
    import jax
    _d = setup_inputs()
    print(jax.jit(kernel)(*tuple(_d.values())))

</pallas_src>

<mosaic_0001>
#map = affine_map<(d0, d1) -> (0, 0)>
#map1 = affine_map<(d0, d1) -> (0, 0, 0)>
module attributes {stable_mosaic.version = 14 : i64} {
  func.func @_scat_kernel(%arg0: i32, %arg1: i32, %arg2: memref<10000x128xf32, #tpu.memory_space<hbm>>, %arg3: memref<2x320000xi32, #tpu.memory_space<hbm>>, %arg4: memref<2x10240x128xf32, #tpu.memory_space<hbm>>, %arg5: memref<10240xi32, #tpu.memory_space<vmem>>, %arg6: memref<128x128xf32, #tpu.memory_space<vmem>>, %arg7: memref<128x128xf32, #tpu.memory_space<vmem>>, %arg8: memref<2x128xi32, #tpu.memory_space<vmem>>, %arg9: memref<10240x128xf32, #tpu.memory_space<vmem_shared>>, %arg10: memref<!tpu.dma_semaphore, #tpu.memory_space<semaphore_mem>>, %arg11: memref<!tpu.dma_semaphore, #tpu.memory_space<semaphore_mem>>, %arg12: memref<!tpu.dma_semaphore, #tpu.memory_space<semaphore_mem>>, %arg13: memref<!tpu.dma_semaphore, #tpu.memory_space<semaphore_mem>>) attributes {dimension_semantics = [#tpu.dimension_semantics<core_parallel>, #tpu.dimension_semantics<subcore_parallel>], iteration_bounds = array<i64: 2, 16>, scalar_prefetch = 0 : i64, scratch_operands = 9 : i64, tpu.core_type = #tpu.core_type<sc_vector_subcore>, window_params = [{transform_indices = #map}, {transform_indices = #map}, {transform_indices = #map1}]} {
    %mul3A = arith.constant 16 : i32
    %mul3A_0 = arith.muli %arg0, %mul3A : i32
    %add3A = arith.addi %mul3A_0, %arg1 : i32
    %mul3A_1 = arith.constant 10240 : i32
    %mul3A_2 = arith.muli %add3A, %mul3A_1 : i32
    %eq3A = arith.constant 31 : i32
    %eq3A_3 = arith.cmpi eq, %add3A, %eq3A : i32
    %jit3A = arith.constant 20 : i32
    %jit3A_4 = arith.constant 80 : i32
    %select_n3A = arith.select %eq3A_3, %jit3A, %jit3A_4 : i32
    %jit3A_5 = arith.constant 2 : i32
    %div3A = arith.divsi %select_n3A, %jit3A_5 : i32
    %sign3A = arith.constant 0 : i32
    %sign3A_6 = arith.cmpi sgt, %select_n3A, %sign3A : i32
    %sign3A_7 = arith.extui %sign3A_6 : i1 to i32
    %sign3A_8 = arith.constant 0 : i32
    %sign3A_9 = arith.cmpi slt, %select_n3A, %sign3A_8 : i32
    %sign3A_10 = arith.extui %sign3A_9 : i1 to i32
    %sign3A_11 = arith.subi %sign3A_7, %sign3A_10 : i32
    %sign3A_12 = arith.constant 0 : i32
    %sign3A_13 = arith.cmpi sgt, %jit3A_5, %sign3A_12 : i32
    %sign3A_14 = arith.extui %sign3A_13 : i1 to i32
    %sign3A_15 = arith.constant 0 : i32
    %sign3A_16 = arith.cmpi slt, %jit3A_5, %sign3A_15 : i32
    %sign3A_17 = arith.extui %sign3A_16 : i1 to i32
    %sign3A_18 = arith.subi %sign3A_14, %sign3A_17 : i32
    %ne3A = arith.cmpi ne, %sign3A_11, %sign3A_18 : i32
    %rem3A = arith.remsi %select_n3A, %jit3A_5 : i32
    %ne3A_19 = arith.constant 0 : i32
    %ne3A_20 = arith.cmpi ne, %rem3A, %ne3A_19 : i32
    %and3A = arith.andi %ne3A, %ne3A_20 : i1
    %sub3A = arith.constant 1 : i32
    %sub3A_21 = arith.subi %div3A, %sub3A : i32
    %select_n3A_22 = arith.select %and3A, %sub3A_21, %div3A : i32
    %broadcast_in_dim3A = arith.constant 0.000000e+00 : f32
    %broadcast_in_dim3A_23 = vector.broadcast %broadcast_in_dim3A : f32 to vector<16xf32>
    %scan3A = arith.constant 0 : i32
    %scan3A_24 = arith.constant 0 : i32
    %scan3A_25 = arith.constant 128 : i32
    %scan3A_26 = arith.addi %scan3A_24, %scan3A_25 : i32
    %scan3A_27 = arith.constant 1 : i32
    scf.for %scan3A_86 = %scan3A_24 to %scan3A_26 step %scan3A_27  : i32 {
      %swap3A = arith.index_cast %scan3A_86 : i32 to index
      %swap3A_87 = arith.constant 0 : index
      %swap3A_88 = tpu.vector_load %arg6[%swap3A, %swap3A_87] {strides = array<i32>} : memref<128x128xf32, #tpu.memory_space<vmem>>, vector<1x16xf32>,
      %swap3A_89 = vector.shape_cast %swap3A_88 : vector<1x16xf32> to vector<16xf32>
      %swap3A_90 = vector.shape_cast %broadcast_in_dim3A_23 : vector<16xf32> to vector<1x16xf32>
      tpu.vector_store %arg6[%swap3A, %swap3A_87], %swap3A_90 {strides = array<i32>} : memref<128x128xf32, #tpu.memory_space<vmem>>, vector<1x16xf32>,
      %swap3A_91 = arith.index_cast %scan3A_86 : i32 to index
      %swap3A_92 = arith.constant 16 : index
      %swap3A_93 = tpu.vector_load %arg6[%swap3A_91, %swap3A_92] {strides = array<i32>} : memref<128x128xf32, #tpu.memory_space<vmem>>, vector<1x16xf32>,
      %swap3A_94 = vector.shape_cast %swap3A_93 : vector<1x16xf32> to vector<16xf32>
      %swap3A_95 = vector.shape_cast %broadcast_in_dim3A_23 : vector<16xf32> to vector<1x16xf32>
      tpu.vector_store %arg6[%swap3A_91, %swap3A_92], %swap3A_95 {strides = array<i32>} : memref<128x128xf32, #tpu.memory_space<vmem>>, vector<1x16xf32>,
      %swap3A_96 = arith.index_cast %scan3A_86 : i32 to index
      %swap3A_97 = arith.constant 32 : index
      %swap3A_98 = tpu.vector_load %arg6[%swap3A_96, %swap3A_97] {strides = array<i32>} : memref<128x128xf32, #tpu.memory_space<vmem>>, vector<1x16xf32>,
      %swap3A_99 = vector.shape_cast %swap3A_98 : vector<1x16xf32> to vector<16xf32>
      %swap3A_100 = vector.shape_cast %broadcast_in_dim3A_23 : vector<16xf32> to vector<1x16xf32>
      tpu.vector_store %arg6[%swap3A_96, %swap3A_97], %swap3A_100 {strides = array<i32>} : memref<128x128xf32, #tpu.memory_space<vmem>>, vector<1x16xf32>,
      %swap3A_101 = arith.index_cast %scan3A_86 : i32 to index
      %swap3A_102 = arith.constant 48 : index
      %swap3A_103 = tpu.vector_load %arg6[%swap3A_101, %swap3A_102] {strides = array<i32>} : memref<128x128xf32, #tpu.memory_space<vmem>>, vector<1x16xf32>,
      %swap3A_104 = vector.shape_cast %swap3A_103 : vector<1x16xf32> to vector<16xf32>
      %swap3A_105 = vector.shape_cast %broadcast_in_dim3A_23 : vector<16xf32> to vector<1x16xf32>
      tpu.vector_store %arg6[%swap3A_101, %swap3A_102], %swap3A_105 {strides = array<i32>} : memref<128x128xf32, #tpu.memory_space<vmem>>, vector<1x16xf32>,
      %swap3A_106 = arith.index_cast %scan3A_86 : i32 to index
      %swap3A_107 = arith.constant 64 : index
      %swap3A_108 = tpu.vector_load %arg6[%swap3A_106, %swap3A_107] {strides = array<i32>} : memref<128x128xf32, #tpu.memory_space<vmem>>, vector<1x16xf32>,
      %swap3A_109 = vector.shape_cast %swap3A_108 : vector<1x16xf32> to vector<16xf32>
      %swap3A_110 = vector.shape_cast %broadcast_in_dim3A_23 : vector<16xf32> to vector<1x16xf32>
      tpu.vector_store %arg6[%swap3A_106, %swap3A_107], %swap3A_110 {strides = array<i32>} : memref<128x128xf32, #tpu.memory_space<vmem>>, vector<1x16xf32>,
      %swap3A_111 = arith.index_cast %scan3A_86 : i32 to index
      %swap3A_112 = arith.constant 80 : index
      %swap3A_113 = tpu.vector_load %arg6[%swap3A_111, %swap3A_112] {strides = array<i32>} : memref<128x128xf32, #tpu.memory_space<vmem>>, vector<1x16xf32>,
      %swap3A_114 = vector.shape_cast %swap3A_113 : vector<1x16xf32> to vector<16xf32>
      %swap3A_115 = vector.shape_cast %broadcast_in_dim3A_23 : vector<16xf32> to vector<1x16xf32>
      tpu.vector_store %arg6[%swap3A_111, %swap3A_112], %swap3A_115 {strides = array<i32>} : memref<128x128xf32, #tpu.memory_space<vmem>>, vector<1x16xf32>,
      %swap3A_116 = arith.index_cast %scan3A_86 : i32 to index
      %swap3A_117 = arith.constant 96 : index
      %swap3A_118 = tpu.vector_load %arg6[%swap3A_116, %swap3A_117] {strides = array<i32>} : memref<128x128xf32, #tpu.memory_space<vmem>>, vector<1x16xf32>,
      %swap3A_119 = vector.shape_cast %swap3A_118 : vector<1x16xf32> to vector<16xf32>
      %swap3A_120 = vector.shape_cast %broadcast_in_dim3A_23 : vector<16xf32> to vector<1x16xf32>
      tpu.vector_store %arg6[%swap3A_116, %swap3A_117], %swap3A_120 {strides = array<i32>} : memref<128x128xf32, #tpu.memory_space<vmem>>, vector<1x16xf32>,
      %swap3A_121 = arith.index_cast %scan3A_86 : i32 to index
      %swap3A_122 = arith.constant 112 : index
      %swap3A_123 = tpu.vector_load %arg6[%swap3A_121, %swap3A_122] {strides = array<i32>} : memref<128x128xf32, #tpu.memory_space<vmem>>, vector<1x16xf32>,
      %swap3A_124 = vector.shape_cast %swap3A_123 : vector<1x16xf32> to vector<16xf32>
      %swap3A_125 = vector.shape_cast %broadcast_in_dim3A_23 : vector<16xf32> to vector<1x16xf32>
      tpu.vector_store %arg6[%swap3A_121, %swap3A_122], %swap3A_125 {strides = array<i32>} : memref<128x128xf32, #tpu.memory_space<vmem>>, vector<1x16xf32>,
    }
    %scan3A_28 = arith.constant 128 : i32
    %mul3A_29 = arith.constant 640 : i32
    %mul3A_30 = arith.muli %arg1, %mul3A_29 : i32
    %add3A_31 = arith.constant 0 : i32
    %add3A_32 = arith.addi %mul3A_30, %add3A_31 : i32
    "tpu.region"() ({
      %run_scoped3A = tpu.sem_alloc : memref<!tpu.dma_semaphore, #tpu.memory_space<semaphore_mem>>
      %dma_start3A_86 = arith.constant 0 : i32
      %dma_start3A_87 = tpu.memref_slice %arg9[%add3A_32, %dma_start3A_86] : memref<10240x128xf32, #tpu.memory_space<vmem_shared>> -> memref<128x128xf32, #tpu.memory_space<vmem_shared>>
      %dma_start3A_88 = arith.constant 0 : i32
      %dma_start3A_89 = tpu.memref_slice %arg9[%add3A_32, %dma_start3A_88] : memref<10240x128xf32, #tpu.memory_space<vmem_shared>> -> memref<128x128xf32, #tpu.memory_space<vmem_shared>>
      tpu.enqueue_dma source(%arg6 : memref<128x128xf32, #tpu.memory_space<vmem>>) target(%dma_start3A_89 : memref<128x128xf32, #tpu.memory_space<vmem_shared>>) target_semaphore(%run_scoped3A : memref<!tpu.dma_semaphore, #tpu.memory_space<semaphore_mem>>)
      %dma_wait3A = arith.constant 0 : i32
      %dma_wait3A_90 = tpu.memref_slice %arg9[%add3A_32, %dma_wait3A] : memref<10240x128xf32, #tpu.memory_space<vmem_shared>> -> memref<128x128xf32, #tpu.memory_space<vmem_shared>>
      %dma_wait3A_91 = arith.constant 0 : i32
      %dma_wait3A_92 = tpu.memref_slice %arg9[%add3A_32, %dma_wait3A_91] : memref<10240x128xf32, #tpu.memory_space<vmem_shared>> -> memref<128x128xf32, #tpu.memory_space<vmem_shared>>
      tpu.wait_dma2 semaphore(%run_scoped3A : memref<!tpu.dma_semaphore, #tpu.memory_space<semaphore_mem>>) src(%arg6 : memref<128x128xf32, #tpu.memory_space<vmem>>) dst(%dma_wait3A_92 : memref<128x128xf32, #tpu.memory_space<vmem_shared>>)
      tpu.yield
    }) : () -> ()
    %mul3A_33 = arith.constant 640 : i32
    %mul3A_34 = arith.muli %arg1, %mul3A_33 : i32
    %add3A_35 = arith.constant 128 : i32
    %add3A_36 = arith.addi %mul3A_34, %add3A_35 : i32
    "tpu.region"() ({
      %run_scoped3A = tpu.sem_alloc : memref<!tpu.dma_semaphore, #tpu.memory_space<semaphore_mem>>
      %dma_start3A_86 = arith.constant 0 : i32
      %dma_start3A_87 = tpu.memref_slice %arg9[%add3A_36, %dma_start3A_86] : memref<10240x128xf32, #tpu.memory_space<vmem_shared>> -> memref<128x128xf32, #tpu.memory_space<vmem_shared>>
      %dma_start3A_88 = arith.constant 0 : i32
      %dma_start3A_89 = tpu.memref_slice %arg9[%add3A_36, %dma_start3A_88] : memref<10240x128xf32, #tpu.memory_space<vmem_shared>> -> memref<128x128xf32, #tpu.memory_space<vmem_shared>>
      tpu.enqueue_dma source(%arg6 : memref<128x128xf32, #tpu.memory_space<vmem>>) target(%dma_start3A_89 : memref<128x128xf32, #tpu.memory_space<vmem_shared>>) target_semaphore(%run_scoped3A : memref<!tpu.dma_semaphore, #tpu.memory_space<semaphore_mem>>)
      %dma_wait3A = arith.constant 0 : i32
      %dma_wait3A_90 = tpu.memref_slice %arg9[%add3A_36, %dma_wait3A] : memref<10240x128xf32, #tpu.memory_space<vmem_shared>> -> memref<128x128xf32, #tpu.memory_space<vmem_shared>>
      %dma_wait3A_91 = arith.constant 0 : i32
      %dma_wait3A_92 = tpu.memref_slice %arg9[%add3A_36, %dma_wait3A_91] : memref<10240x128xf32, #tpu.memory_space<vmem_shared>> -> memref<128x128xf32, #tpu.memory_space<vmem_shared>>
      tpu.wait_dma2 semaphore(%run_scoped3A : memref<!tpu.dma_semaphore, #tpu.memory_space<semaphore_mem>>) src(%arg6 : memref<128x128xf32, #tpu.memory_space<vmem>>) dst(%dma_wait3A_92 : memref<128x128xf32, #tpu.memory_space<vmem_shared>>)
      tpu.yield
    }) : () -> ()
    %mul3A_37 = arith.constant 640 : i32
    %mul3A_38 = arith.muli %arg1, %mul3A_37 : i32
    %add3A_39 = arith.constant 256 : i32
    %add3A_40 = arith.addi %mul3A_38, %add3A_39 : i32
    "tpu.region"() ({
      %run_scoped3A = tpu.sem_alloc : memref<!tpu.dma_semaphore, #tpu.memory_space<semaphore_mem>>
      %dma_start3A_86 = arith.constant 0 : i32
      %dma_start3A_87 = tpu.memref_slice %arg9[%add3A_40, %dma_start3A_86] : memref<10240x128xf32, #tpu.memory_space<vmem_shared>> -> memref<128x128xf32, #tpu.memory_space<vmem_shared>>
      %dma_start3A_88 = arith.constant 0 : i32
      %dma_start3A_89 = tpu.memref_slice %arg9[%add3A_40, %dma_start3A_88] : memref<10240x128xf32, #tpu.memory_space<vmem_shared>> -> memref<128x128xf32, #tpu.memory_space<vmem_shared>>
      tpu.enqueue_dma source(%arg6 : memref<128x128xf32, #tpu.memory_space<vmem>>) target(%dma_start3A_89 : memref<128x128xf32, #tpu.memory_space<vmem_shared>>) target_semaphore(%run_scoped3A : memref<!tpu.dma_semaphore, #tpu.memory_space<semaphore_mem>>)
      %dma_wait3A = arith.constant 0 : i32
      %dma_wait3A_90 = tpu.memref_slice %arg9[%add3A_40, %dma_wait3A] : memref<10240x128xf32, #tpu.memory_space<vmem_shared>> -> memref<128x128xf32, #tpu.memory_space<vmem_shared>>
      %dma_wait3A_91 = arith.constant 0 : i32
      %dma_wait3A_92 = tpu.memref_slice %arg9[%add3A_40, %dma_wait3A_91] : memref<10240x128xf32, #tpu.memory_space<vmem_shared>> -> memref<128x128xf32, #tpu.memory_space<vmem_shared>>
      tpu.wait_dma2 semaphore(%run_scoped3A : memref<!tpu.dma_semaphore, #tpu.memory_space<semaphore_mem>>) src(%arg6 : memref<128x128xf32, #tpu.memory_space<vmem>>) dst(%dma_wait3A_92 : memref<128x128xf32, #tpu.memory_space<vmem_shared>>)
      tpu.yield
    }) : () -> ()
    %mul3A_41 = arith.constant 640 : i32
    %mul3A_42 = arith.muli %arg1, %mul3A_41 : i32
    %add3A_43 = arith.constant 384 : i32
    %add3A_44 = arith.addi %mul3A_42, %add3A_43 : i32
    "tpu.region"() ({
      %run_scoped3A = tpu.sem_alloc : memref<!tpu.dma_semaphore, #tpu.memory_space<semaphore_mem>>
      %dma_start3A_86 = arith.constant 0 : i32
      %dma_start3A_87 = tpu.memref_slice %arg9[%add3A_44, %dma_start3A_86] : memref<10240x128xf32, #tpu.memory_space<vmem_shared>> -> memref<128x128xf32, #tpu.memory_space<vmem_shared>>
      %dma_start3A_88 = arith.constant 0 : i32
      %dma_start3A_89 = tpu.memref_slice %arg9[%add3A_44, %dma_start3A_88] : memref<10240x128xf32, #tpu.memory_space<vmem_shared>> -> memref<128x128xf32, #tpu.memory_space<vmem_shared>>
      tpu.enqueue_dma source(%arg6 : memref<128x128xf32, #tpu.memory_space<vmem>>) target(%dma_start3A_89 : memref<128x128xf32, #tpu.memory_space<vmem_shared>>) target_semaphore(%run_scoped3A : memref<!tpu.dma_semaphore, #tpu.memory_space<semaphore_mem>>)
      %dma_wait3A = arith.constant 0 : i32
      %dma_wait3A_90 = tpu.memref_slice %arg9[%add3A_44, %dma_wait3A] : memref<10240x128xf32, #tpu.memory_space<vmem_shared>> -> memref<128x128xf32, #tpu.memory_space<vmem_shared>>
      %dma_wait3A_91 = arith.constant 0 : i32
      %dma_wait3A_92 = tpu.memref_slice %arg9[%add3A_44, %dma_wait3A_91] : memref<10240x128xf32, #tpu.memory_space<vmem_shared>> -> memref<128x128xf32, #tpu.memory_space<vmem_shared>>
      tpu.wait_dma2 semaphore(%run_scoped3A : memref<!tpu.dma_semaphore, #tpu.memory_space<semaphore_mem>>) src(%arg6 : memref<128x128xf32, #tpu.memory_space<vmem>>) dst(%dma_wait3A_92 : memref<128x128xf32, #tpu.memory_space<vmem_shared>>)
      tpu.yield
    }) : () -> ()
    %mul3A_45 = arith.constant 640 : i32
    %mul3A_46 = arith.muli %arg1, %mul3A_45 : i32
    %add3A_47 = arith.constant 512 : i32
    %add3A_48 = arith.addi %mul3A_46, %add3A_47 : i32
    "tpu.region"() ({
      %run_scoped3A = tpu.sem_alloc : memref<!tpu.dma_semaphore, #tpu.memory_space<semaphore_mem>>
      %dma_start3A_86 = arith.constant 0 : i32
      %dma_start3A_87 = tpu.memref_slice %arg9[%add3A_48, %dma_start3A_86] : memref<10240x128xf32, #tpu.memory_space<vmem_shared>> -> memref<128x128xf32, #tpu.memory_space<vmem_shared>>
      %dma_start3A_88 = arith.constant 0 : i32
      %dma_start3A_89 = tpu.memref_slice %arg9[%add3A_48, %dma_start3A_88] : memref<10240x128xf32, #tpu.memory_space<vmem_shared>> -> memref<128x128xf32, #tpu.memory_space<vmem_shared>>
      tpu.enqueue_dma source(%arg6 : memref<128x128xf32, #tpu.memory_space<vmem>>) target(%dma_start3A_89 : memref<128x128xf32, #tpu.memory_space<vmem_shared>>) target_semaphore(%run_scoped3A : memref<!tpu.dma_semaphore, #tpu.memory_space<semaphore_mem>>)
      %dma_wait3A = arith.constant 0 : i32
      %dma_wait3A_90 = tpu.memref_slice %arg9[%add3A_48, %dma_wait3A] : memref<10240x128xf32, #tpu.memory_space<vmem_shared>> -> memref<128x128xf32, #tpu.memory_space<vmem_shared>>
      %dma_wait3A_91 = arith.constant 0 : i32
      %dma_wait3A_92 = tpu.memref_slice %arg9[%add3A_48, %dma_wait3A_91] : memref<10240x128xf32, #tpu.memory_space<vmem_shared>> -> memref<128x128xf32, #tpu.memory_space<vmem_shared>>
      tpu.wait_dma2 semaphore(%run_scoped3A : memref<!tpu.dma_semaphore, #tpu.memory_space<semaphore_mem>>) src(%arg6 : memref<128x128xf32, #tpu.memory_space<vmem>>) dst(%dma_wait3A_92 : memref<128x128xf32, #tpu.memory_space<vmem_shared>>)
      tpu.yield
    }) : () -> ()
    %lt3A = arith.constant 31 : i32
    %lt3A_49 = arith.cmpi slt, %add3A, %lt3A : i32
    %convert_element_type3A = arith.extui %lt3A_49 : i1 to i32
    %cond3A = arith.constant 0 : i32
    %cond3A_50 = arith.cmpi ne, %convert_element_type3A, %cond3A : i32
    scf.if %cond3A_50 {
      %run_scoped3A = arith.constant 0 : i32
      "tpu.region"() ({
        %run_scoped3A_86 = tpu.sem_alloc : memref<!tpu.dma_semaphore, #tpu.memory_space<semaphore_mem>>
        %dma_start3A_87 = tpu.memref_slice %arg3[%run_scoped3A, %mul3A_2] : memref<2x320000xi32, #tpu.memory_space<hbm>> -> memref<1x10240xi32, #tpu.memory_space<hbm>>
        %dma_start3A_88 = tpu.memref_squeeze %dma_start3A_87 : memref<1x10240xi32, #tpu.memory_space<hbm>> -> memref<10240xi32, #tpu.memory_space<hbm>>
        %dma_start3A_89 = tpu.memref_slice %arg3[%run_scoped3A, %mul3A_2] : memref<2x320000xi32, #tpu.memory_space<hbm>> -> memref<1x10240xi32, #tpu.memory_space<hbm>>
        %dma_start3A_90 = tpu.memref_squeeze %dma_start3A_89 : memref<1x10240xi32, #tpu.memory_space<hbm>> -> memref<10240xi32, #tpu.memory_space<hbm>>
        tpu.enqueue_dma source(%dma_start3A_90 : memref<10240xi32, #tpu.memory_space<hbm>>) target(%arg5 : memref<10240xi32, #tpu.memory_space<vmem>>) target_semaphore(%run_scoped3A_86 : memref<!tpu.dma_semaphore, #tpu.memory_space<semaphore_mem>>)
        %dma_wait3A = tpu.memref_slice %arg3[%run_scoped3A, %mul3A_2] : memref<2x320000xi32, #tpu.memory_space<hbm>> -> memref<1x10240xi32, #tpu.memory_space<hbm>>
        %dma_wait3A_91 = tpu.memref_squeeze %dma_wait3A : memref<1x10240xi32, #tpu.memory_space<hbm>> -> memref<10240xi32, #tpu.memory_space<hbm>>
        %dma_wait3A_92 = tpu.memref_slice %arg3[%run_scoped3A, %mul3A_2] : memref<2x320000xi32, #tpu.memory_space<hbm>> -> memref<1x10240xi32, #tpu.memory_space<hbm>>
        %dma_wait3A_93 = tpu.memref_squeeze %dma_wait3A_92 : memref<1x10240xi32, #tpu.memory_space<hbm>> -> memref<10240xi32, #tpu.memory_space<hbm>>
        tpu.wait_dma2 semaphore(%run_scoped3A_86 : memref<!tpu.dma_semaphore, #tpu.memory_space<semaphore_mem>>) src(%dma_wait3A_93 : memref<10240xi32, #tpu.memory_space<hbm>>) dst(%arg5 : memref<10240xi32, #tpu.memory_space<vmem>>)
        tpu.yield
      }) : () -> ()
    } else {
    }
    %eq3A_51 = arith.constant 31 : i32
    %eq3A_52 = arith.cmpi eq, %add3A, %eq3A_51 : i32
    %convert_element_type3A_53 = arith.extui %eq3A_52 : i1 to i32
    %cond3A_54 = arith.constant 0 : i32
    %cond3A_55 = arith.cmpi ne, %convert_element_type3A_53, %cond3A_54 : i32
    scf.if %cond3A_55 {
      %run_scoped3A = arith.constant 0 : i32
      "tpu.region"() ({
        %run_scoped3A_86 = tpu.sem_alloc : memref<!tpu.dma_semaphore, #tpu.memory_space<semaphore_mem>>
        %dma_start3A_87 = arith.constant 0 : i32
        %dma_start3A_88 = tpu.memref_slice %arg5[%dma_start3A_87] : memref<10240xi32, #tpu.memory_space<vmem>> -> memref<2560xi32, #tpu.memory_space<vmem>>
        %dma_start3A_89 = arith.constant 317440 : i32
        %dma_start3A_90 = tpu.memref_slice %arg3[%run_scoped3A, %dma_start3A_89] : memref<2x320000xi32, #tpu.memory_space<hbm>> -> memref<1x2560xi32, #tpu.memory_space<hbm>>
        %dma_start3A_91 = tpu.memref_squeeze %dma_start3A_90 : memref<1x2560xi32, #tpu.memory_space<hbm>> -> memref<2560xi32, #tpu.memory_space<hbm>>
        %dma_start3A_92 = arith.constant 0 : i32
        %dma_start3A_93 = tpu.memref_slice %arg5[%dma_start3A_92] : memref<10240xi32, #tpu.memory_space<vmem>> -> memref<2560xi32, #tpu.memory_space<vmem>>
        %dma_start3A_94 = arith.constant 317440 : i32
        %dma_start3A_95 = tpu.memref_slice %arg3[%run_scoped3A, %dma_start3A_94] : memref<2x320000xi32, #tpu.memory_space<hbm>> -> memref<1x2560xi32, #tpu.memory_space<hbm>>
        %dma_start3A_96 = tpu.memref_squeeze %dma_start3A_95 : memref<1x2560xi32, #tpu.memory_space<hbm>> -> memref<2560xi32, #tpu.memory_space<hbm>>
        tpu.enqueue_dma source(%dma_start3A_96 : memref<2560xi32, #tpu.memory_space<hbm>>) target(%dma_start3A_93 : memref<2560xi32, #tpu.memory_space<vmem>>) target_semaphore(%run_scoped3A_86 : memref<!tpu.dma_semaphore, #tpu.memory_space<semaphore_mem>>)
        %dma_wait3A = arith.constant 0 : i32
        %dma_wait3A_97 = tpu.memref_slice %arg5[%dma_wait3A] : memref<10240xi32, #tpu.memory_space<vmem>> -> memref<2560xi32, #tpu.memory_space<vmem>>
        %dma_wait3A_98 = arith.constant 317440 : i32
        %dma_wait3A_99 = tpu.memref_slice %arg3[%run_scoped3A, %dma_wait3A_98] : memref<2x320000xi32, #tpu.memory_space<hbm>> -> memref<1x2560xi32, #tpu.memory_space<hbm>>
        %dma_wait3A_100 = tpu.memref_squeeze %dma_wait3A_99 : memref<1x2560xi32, #tpu.memory_space<hbm>> -> memref<2560xi32, #tpu.memory_space<hbm>>
        %dma_wait3A_101 = arith.constant 0 : i32
        %dma_wait3A_102 = tpu.memref_slice %arg5[%dma_wait3A_101] : memref<10240xi32, #tpu.memory_space<vmem>> -> memref<2560xi32, #tpu.memory_space<vmem>>
        %dma_wait3A_103 = arith.constant 317440 : i32
        %dma_wait3A_104 = tpu.memref_slice %arg3[%run_scoped3A, %dma_wait3A_103] : memref<2x320000xi32, #tpu.memory_space<hbm>> -> memref<1x2560xi32, #tpu.memory_space<hbm>>
        %dma_wait3A_105 = tpu.memref_squeeze %dma_wait3A_104 : memref<1x2560xi32, #tpu.memory_space<hbm>> -> memref<2560xi32, #tpu.memory_space<hbm>>
        tpu.wait_dma2 semaphore(%run_scoped3A_86 : memref<!tpu.dma_semaphore, #tpu.memory_space<semaphore_mem>>) src(%dma_wait3A_105 : memref<2560xi32, #tpu.memory_space<hbm>>) dst(%dma_wait3A_102 : memref<2560xi32, #tpu.memory_space<vmem>>)
        tpu.yield
      }) : () -> ()
    } else {
    }
    %barrier3A = arith.constant 0 : index
    tpu.barrier barrier_id(%barrier3A)
    %dma_start3A = arith.constant 0 : i32
    %dma_start3A_56 = tpu.memref_slice %arg5[%dma_start3A] : memref<10240xi32, #tpu.memory_space<vmem>> -> memref<128xi32, #tpu.memory_space<vmem>>
    %dma_start3A_57 = arith.constant 0 : i32
    %dma_start3A_58 = arith.constant 0 : i32
    %dma_start3A_59 = tpu.memref_slice %arg2[%dma_start3A_57, %dma_start3A_58] : memref<10000x128xf32, #tpu.memory_space<hbm>> -> memref<10000x128xf32, #tpu.memory_space<hbm>>
    tpu.enqueue_indirect_dma source(%dma_start3A_59 : memref<10000x128xf32, #tpu.memory_space<hbm>>) target(%arg6 : memref<128x128xf32, #tpu.memory_space<vmem>>) offsets(%dma_start3A_56 : memref<128xi32, #tpu.memory_space<vmem>>) semaphore(%arg10 : memref<!tpu.dma_semaphore, #tpu.memory_space<semaphore_mem>>)
    %dma_start3A_60 = arith.constant 1 : i32
    %dma_start3A_61 = arith.constant 0 : i32
    %dma_start3A_62 = arith.constant 0 : i32
    %dma_start3A_63 = tpu.memref_slice %arg8[%dma_start3A_61, %dma_start3A_62] : memref<2x128xi32, #tpu.memory_space<vmem>> -> memref<1x128xi32, #tpu.memory_space<vmem>>
    %dma_start3A_64 = tpu.memref_squeeze %dma_start3A_63 : memref<1x128xi32, #tpu.memory_space<vmem>> -> memref<128xi32, #tpu.memory_space<vmem>>
    %dma_start3A_65 = tpu.memref_slice %arg3[%dma_start3A_60, %mul3A_2] : memref<2x320000xi32, #tpu.memory_space<hbm>> -> memref<1x128xi32, #tpu.memory_space<hbm>>
    %dma_start3A_66 = tpu.memref_squeeze %dma_start3A_65 : memref<1x128xi32, #tpu.memory_space<hbm>> -> memref<128xi32, #tpu.memory_space<hbm>>
    %dma_start3A_67 = arith.constant 0 : i32
    %dma_start3A_68 = tpu.memref_slice %arg8[%dma_start3A_61, %dma_start3A_67] : memref<2x128xi32, #tpu.memory_space<vmem>> -> memref<1x128xi32, #tpu.memory_space<vmem>>
    %dma_start3A_69 = tpu.memref_squeeze %dma_start3A_68 : memref<1x128xi32, #tpu.memory_space<vmem>> -> memref<128xi32, #tpu.memory_space<vmem>>
    %dma_start3A_70 = tpu.memref_slice %arg3[%dma_start3A_60, %mul3A_2] : memref<2x320000xi32, #tpu.memory_space<hbm>> -> memref<1x128xi32, #tpu.memory_space<hbm>>
    %dma_start3A_71 = tpu.memref_squeeze %dma_start3A_70 : memref<1x128xi32, #tpu.memory_space<hbm>> -> memref<128xi32, #tpu.memory_space<hbm>>
    tpu.enqueue_dma source(%dma_start3A_71 : memref<128xi32, #tpu.memory_space<hbm>>) target(%dma_start3A_69 : memref<128xi32, #tpu.memory_space<vmem>>) target_semaphore(%arg12 : memref<!tpu.dma_semaphore, #tpu.memory_space<semaphore_mem>>)
    %while3A = arith.constant 0 : i32
    %while3A_72 = arith.constant 0 : i32
    %while3A_73 = arith.subi %select_n3A_22, %while3A_72 : i32
    %while3A_74 = arith.addi %while3A_72, %while3A_73 : i32
    %while3A_75 = arith.constant 1 : i32
    %while3A_76 = arith.divsi %while3A_73, %while3A_75 : i32
    %while3A_77 = arith.muli %while3A_76, %while3A_75 : i32
    %while3A_78 = arith.addi %while3A_72, %while3A_77 : i32
    %while3A_79 = arith.constant 1 : i32
    scf.for %while3A_86 = %while3A_72 to %while3A_78 step %while3A_79  : i32 {
      %mul3A_87 = arith.constant 2 : i32
      %mul3A_88 = arith.muli %mul3A_87, %while3A_86 : i32
      %mul3A_89 = arith.constant 2 : i32
      %mul3A_90 = arith.muli %mul3A_89, %while3A_86 : i32
      %add3A_91 = arith.constant 1 : i32
      %add3A_92 = arith.addi %mul3A_90, %add3A_91 : i32
      %mul3A_93 = arith.constant 128 : i32
      %mul3A_94 = arith.muli %add3A_92, %mul3A_93 : i32
      %dma_start3A_95 = tpu.memref_slice %arg5[%mul3A_94] : memref<10240xi32, #tpu.memory_space<vmem>> -> memref<128xi32, #tpu.memory_space<vmem>>
      %dma_start3A_96 = arith.constant 0 : i32
      %dma_start3A_97 = arith.constant 0 : i32
      %dma_start3A_98 = tpu.memref_slice %arg2[%dma_start3A_96, %dma_start3A_97] : memref<10000x128xf32, #tpu.memory_space<hbm>> -> memref<10000x128xf32, #tpu.memory_space<hbm>>
      tpu.enqueue_indirect_dma source(%dma_start3A_98 : memref<10000x128xf32, #tpu.memory_space<hbm>>) target(%arg7 : memref<128x128xf32, #tpu.memory_space<vmem>>) offsets(%dma_start3A_95 : memref<128xi32, #tpu.memory_space<vmem>>) semaphore(%arg11 : memref<!tpu.dma_semaphore, #tpu.memory_space<semaphore_mem>>)
      %mul3A_99 = arith.constant 128 : i32
      %mul3A_100 = arith.muli %add3A_92, %mul3A_99 : i32
      %add3A_101 = arith.addi %mul3A_2, %mul3A_100 : i32
      %dma_start3A_102 = arith.constant 1 : i32
      %dma_start3A_103 = arith.constant 1 : i32
      %dma_start3A_104 = arith.constant 0 : i32
      %dma_start3A_105 = tpu.memref_slice %arg8[%dma_start3A_103, %dma_start3A_104] : memref<2x128xi32, #tpu.memory_space<vmem>> -> memref<1x128xi32, #tpu.memory_space<vmem>>
      %dma_start3A_106 = tpu.memref_squeeze %dma_start3A_105 : memref<1x128xi32, #tpu.memory_space<vmem>> -> memref<128xi32, #tpu.memory_space<vmem>>
      %dma_start3A_107 = tpu.memref_slice %arg3[%dma_start3A_102, %add3A_101] : memref<2x320000xi32, #tpu.memory_space<hbm>> -> memref<1x128xi32, #tpu.memory_space<hbm>>
      %dma_start3A_108 = tpu.memref_squeeze %dma_start3A_107 : memref<1x128xi32, #tpu.memory_space<hbm>> -> memref<128xi32, #tpu.memory_space<hbm>>
      %dma_start3A_109 = arith.constant 0 : i32
      %dma_start3A_110 = tpu.memref_slice %arg8[%dma_start3A_103, %dma_start3A_109] : memref<2x128xi32, #tpu.memory_space<vmem>> -> memref<1x128xi32, #tpu.memory_space<vmem>>
      %dma_start3A_111 = tpu.memref_squeeze %dma_start3A_110 : memref<1x128xi32, #tpu.memory_space<vmem>> -> memref<128xi32, #tpu.memory_space<vmem>>
      %dma_start3A_112 = tpu.memref_slice %arg3[%dma_start3A_102, %add3A_101] : memref<2x320000xi32, #tpu.memory_space<hbm>> -> memref<1x128xi32, #tpu.memory_space<hbm>>
      %dma_start3A_113 = tpu.memref_squeeze %dma_start3A_112 : memref<1x128xi32, #tpu.memory_space<hbm>> -> memref<128xi32, #tpu.memory_space<hbm>>
      tpu.enqueue_dma source(%dma_start3A_113 : memref<128xi32, #tpu.memory_space<hbm>>) target(%dma_start3A_111 : memref<128xi32, #tpu.memory_space<vmem>>) target_semaphore(%arg13 : memref<!tpu.dma_semaphore, #tpu.memory_space<semaphore_mem>>)
      %mul3A_114 = arith.constant 128 : i32
      %mul3A_115 = arith.muli %mul3A_88, %mul3A_114 : i32
      %dma_wait3A = tpu.memref_slice %arg5[%mul3A_115] : memref<10240xi32, #tpu.memory_space<vmem>> -> memref<128xi32, #tpu.memory_space<vmem>>
      %dma_wait3A_116 = arith.constant 0 : i32
      %dma_wait3A_117 = arith.constant 0 : i32
      %dma_wait3A_118 = tpu.memref_slice %arg2[%dma_wait3A_116, %dma_wait3A_117] : memref<10000x128xf32, #tpu.memory_space<hbm>> -> memref<10000x128xf32, #tpu.memory_space<hbm>>
      tpu.wait_indirect_dma semaphore(%arg10 : memref<!tpu.dma_semaphore, #tpu.memory_space<semaphore_mem>>) src(%dma_wait3A_118 : memref<10000x128xf32, #tpu.memory_space<hbm>>) dst(%arg6 : memref<128x128xf32, #tpu.memory_space<vmem>>)
      %mul3A_119 = arith.constant 128 : i32
      %mul3A_120 = arith.muli %mul3A_88, %mul3A_119 : i32
      %add3A_121 = arith.addi %mul3A_2, %mul3A_120 : i32
      %dma_wait3A_122 = arith.constant 1 : i32
      %dma_wait3A_123 = arith.constant 0 : i32
      %dma_wait3A_124 = arith.constant 0 : i32
      %dma_wait3A_125 = tpu.memref_slice %arg8[%dma_wait3A_123, %dma_wait3A_124] : memref<2x128xi32, #tpu.memory_space<vmem>> -> memref<1x128xi32, #tpu.memory_space<vmem>>
      %dma_wait3A_126 = tpu.memref_squeeze %dma_wait3A_125 : memref<1x128xi32, #tpu.memory_space<vmem>> -> memref<128xi32, #tpu.memory_space<vmem>>
      %dma_wait3A_127 = tpu.memref_slice %arg3[%dma_wait3A_122, %add3A_121] : memref<2x320000xi32, #tpu.memory_space<hbm>> -> memref<1x128xi32, #tpu.memory_space<hbm>>
      %dma_wait3A_128 = tpu.memref_squeeze %dma_wait3A_127 : memref<1x128xi32, #tpu.memory_space<hbm>> -> memref<128xi32, #tpu.memory_space<hbm>>
      %dma_wait3A_129 = arith.constant 0 : i32
      %dma_wait3A_130 = tpu.memref_slice %arg8[%dma_wait3A_123, %dma_wait3A_129] : memref<2x128xi32, #tpu.memory_space<vmem>> -> memref<1x128xi32, #tpu.memory_space<vmem>>
      %dma_wait3A_131 = tpu.memref_squeeze %dma_wait3A_130 : memref<1x128xi32, #tpu.memory_space<vmem>> -> memref<128xi32, #tpu.memory_space<vmem>>
      %dma_wait3A_132 = tpu.memref_slice %arg3[%dma_wait3A_122, %add3A_121] : memref<2x320000xi32, #tpu.memory_space<hbm>> -> memref<1x128xi32, #tpu.memory_space<hbm>>
      %dma_wait3A_133 = tpu.memref_squeeze %dma_wait3A_132 : memref<1x128xi32, #tpu.memory_space<hbm>> -> memref<128xi32, #tpu.memory_space<hbm>>
      tpu.wait_dma2 semaphore(%arg12 : memref<!tpu.dma_semaphore, #tpu.memory_space<semaphore_mem>>) src(%dma_wait3A_133 : memref<128xi32, #tpu.memory_space<hbm>>) dst(%dma_wait3A_131 : memref<128xi32, #tpu.memory_space<vmem>>)
      %run_scoped3A = arith.constant 0 : i32
      "tpu.region"() ({
        %run_scoped3A_162 = tpu.sem_alloc : memref<!tpu.dma_semaphore, #tpu.memory_space<semaphore_mem>>
        %dma_start3A_163 = arith.constant 0 : i32
        %dma_start3A_164 = tpu.memref_slice %arg8[%run_scoped3A, %dma_start3A_163] : memref<2x128xi32, #tpu.memory_space<vmem>> -> memref<1x128xi32, #tpu.memory_space<vmem>>
        %dma_start3A_165 = tpu.memref_squeeze %dma_start3A_164 : memref<1x128xi32, #tpu.memory_space<vmem>> -> memref<128xi32, #tpu.memory_space<vmem>>
        %dma_start3A_166 = arith.constant 0 : i32
        %dma_start3A_167 = arith.constant 0 : i32
        %dma_start3A_168 = tpu.memref_slice %arg9[%dma_start3A_166, %dma_start3A_167] : memref<10240x128xf32, #tpu.memory_space<vmem_shared>> -> memref<10240x128xf32, #tpu.memory_space<vmem_shared>>
        tpu.enqueue_indirect_dma source(%arg6 : memref<128x128xf32, #tpu.memory_space<vmem>>) target(%dma_start3A_168 : memref<10240x128xf32, #tpu.memory_space<vmem_shared>>) offsets(%dma_start3A_165 : memref<128xi32, #tpu.memory_space<vmem>>) semaphore(%run_scoped3A_162 : memref<!tpu.dma_semaphore, #tpu.memory_space<semaphore_mem>>) {add = true}
        %dma_wait3A_169 = arith.constant 0 : i32
        %dma_wait3A_170 = tpu.memref_slice %arg8[%run_scoped3A, %dma_wait3A_169] : memref<2x128xi32, #tpu.memory_space<vmem>> -> memref<1x128xi32, #tpu.memory_space<vmem>>
        %dma_wait3A_171 = tpu.memref_squeeze %dma_wait3A_170 : memref<1x128xi32, #tpu.memory_space<vmem>> -> memref<128xi32, #tpu.memory_space<vmem>>
        %dma_wait3A_172 = arith.constant 0 : i32
        %dma_wait3A_173 = arith.constant 0 : i32
        %dma_wait3A_174 = tpu.memref_slice %arg9[%dma_wait3A_172, %dma_wait3A_173] : memref<10240x128xf32, #tpu.memory_space<vmem_shared>> -> memref<10240x128xf32, #tpu.memory_space<vmem_shared>>
        tpu.wait_indirect_dma semaphore(%run_scoped3A_162 : memref<!tpu.dma_semaphore, #tpu.memory_space<semaphore_mem>>) src(%arg6 : memref<128x128xf32, #tpu.memory_space<vmem>>) dst(%dma_wait3A_174 : memref<10240x128xf32, #tpu.memory_space<vmem_shared>>)
        tpu.yield
      }) : () -> ()
      %add3A_134 = arith.constant 1 : i32
      %add3A_135 = arith.addi %while3A_86, %add3A_134 : i32
      %lt3A_136 = arith.cmpi slt, %add3A_135, %select_n3A_22 : i32
      %convert_element_type3A_137 = arith.extui %lt3A_136 : i1 to i32
      %cond3A_138 = arith.constant 0 : i32
      %cond3A_139 = arith.cmpi ne, %convert_element_type3A_137, %cond3A_138 : i32
      scf.if %cond3A_139 {
        %add3A_162 = arith.constant 2 : i32
        %add3A_163 = arith.addi %mul3A_88, %add3A_162 : i32
        %mul3A_164 = arith.constant 128 : i32
        %mul3A_165 = arith.muli %add3A_163, %mul3A_164 : i32
        %dma_start3A_166 = tpu.memref_slice %arg5[%mul3A_165] : memref<10240xi32, #tpu.memory_space<vmem>> -> memref<128xi32, #tpu.memory_space<vmem>>
        %dma_start3A_167 = arith.constant 0 : i32
        %dma_start3A_168 = arith.constant 0 : i32
        %dma_start3A_169 = tpu.memref_slice %arg2[%dma_start3A_167, %dma_start3A_168] : memref<10000x128xf32, #tpu.memory_space<hbm>> -> memref<10000x128xf32, #tpu.memory_space<hbm>>
        tpu.enqueue_indirect_dma source(%dma_start3A_169 : memref<10000x128xf32, #tpu.memory_space<hbm>>) target(%arg6 : memref<128x128xf32, #tpu.memory_space<vmem>>) offsets(%dma_start3A_166 : memref<128xi32, #tpu.memory_space<vmem>>) semaphore(%arg10 : memref<!tpu.dma_semaphore, #tpu.memory_space<semaphore_mem>>)
        %add3A_170 = arith.constant 2 : i32
        %add3A_171 = arith.addi %mul3A_88, %add3A_170 : i32
        %mul3A_172 = arith.constant 128 : i32
        %mul3A_173 = arith.muli %add3A_171, %mul3A_172 : i32
        %add3A_174 = arith.addi %mul3A_2, %mul3A_173 : i32
        %dma_start3A_175 = arith.constant 1 : i32
        %dma_start3A_176 = arith.constant 0 : i32
        %dma_start3A_177 = arith.constant 0 : i32
        %dma_start3A_178 = tpu.memref_slice %arg8[%dma_start3A_176, %dma_start3A_177] : memref<2x128xi32, #tpu.memory_space<vmem>> -> memref<1x128xi32, #tpu.memory_space<vmem>>
        %dma_start3A_179 = tpu.memref_squeeze %dma_start3A_178 : memref<1x128xi32, #tpu.memory_space<vmem>> -> memref<128xi32, #tpu.memory_space<vmem>>
        %dma_start3A_180 = tpu.memref_slice %arg3[%dma_start3A_175, %add3A_174] : memref<2x320000xi32, #tpu.memory_space<hbm>> -> memref<1x128xi32, #tpu.memory_space<hbm>>
        %dma_start3A_181 = tpu.memref_squeeze %dma_start3A_180 : memref<1x128xi32, #tpu.memory_space<hbm>> -> memref<128xi32, #tpu.memory_space<hbm>>
        %dma_start3A_182 = arith.constant 0 : i32
        %dma_start3A_183 = tpu.memref_slice %arg8[%dma_start3A_176, %dma_start3A_182] : memref<2x128xi32, #tpu.memory_space<vmem>> -> memref<1x128xi32, #tpu.memory_space<vmem>>
        %dma_start3A_184 = tpu.memref_squeeze %dma_start3A_183 : memref<1x128xi32, #tpu.memory_space<vmem>> -> memref<128xi32, #tpu.memory_space<vmem>>
        %dma_start3A_185 = tpu.memref_slice %arg3[%dma_start3A_175, %add3A_174] : memref<2x320000xi32, #tpu.memory_space<hbm>> -> memref<1x128xi32, #tpu.memory_space<hbm>>
        %dma_start3A_186 = tpu.memref_squeeze %dma_start3A_185 : memref<1x128xi32, #tpu.memory_space<hbm>> -> memref<128xi32, #tpu.memory_space<hbm>>
        tpu.enqueue_dma source(%dma_start3A_186 : memref<128xi32, #tpu.memory_space<hbm>>) target(%dma_start3A_184 : memref<128xi32, #tpu.memory_space<vmem>>) target_semaphore(%arg12 : memref<!tpu.dma_semaphore, #tpu.memory_space<semaphore_mem>>)
      } else {
      }
      %mul3A_140 = arith.constant 128 : i32
      %mul3A_141 = arith.muli %add3A_92, %mul3A_140 : i32
      %dma_wait3A_142 = tpu.memref_slice %arg5[%mul3A_141] : memref<10240xi32, #tpu.memory_space<vmem>> -> memref<128xi32, #tpu.memory_space<vmem>>
      %dma_wait3A_143 = arith.constant 0 : i32
      %dma_wait3A_144 = arith.constant 0 : i32
      %dma_wait3A_145 = tpu.memref_slice %arg2[%dma_wait3A_143, %dma_wait3A_144] : memref<10000x128xf32, #tpu.memory_space<hbm>> -> memref<10000x128xf32, #tpu.memory_space<hbm>>
      tpu.wait_indirect_dma semaphore(%arg11 : memref<!tpu.dma_semaphore, #tpu.memory_space<semaphore_mem>>) src(%dma_wait3A_145 : memref<10000x128xf32, #tpu.memory_space<hbm>>) dst(%arg7 : memref<128x128xf32, #tpu.memory_space<vmem>>)
      %mul3A_146 = arith.constant 128 : i32
      %mul3A_147 = arith.muli %add3A_92, %mul3A_146 : i32
      %add3A_148 = arith.addi %mul3A_2, %mul3A_147 : i32
      %dma_wait3A_149 = arith.constant 1 : i32
      %dma_wait3A_150 = arith.constant 1 : i32
      %dma_wait3A_151 = arith.constant 0 : i32
      %dma_wait3A_152 = tpu.memref_slice %arg8[%dma_wait3A_150, %dma_wait3A_151] : memref<2x128xi32, #tpu.memory_space<vmem>> -> memref<1x128xi32, #tpu.memory_space<vmem>>
      %dma_wait3A_153 = tpu.memref_squeeze %dma_wait3A_152 : memref<1x128xi32, #tpu.memory_space<vmem>> -> memref<128xi32, #tpu.memory_space<vmem>>
      %dma_wait3A_154 = tpu.memref_slice %arg3[%dma_wait3A_149, %add3A_148] : memref<2x320000xi32, #tpu.memory_space<hbm>> -> memref<1x128xi32, #tpu.memory_space<hbm>>
      %dma_wait3A_155 = tpu.memref_squeeze %dma_wait3A_154 : memref<1x128xi32, #tpu.memory_space<hbm>> -> memref<128xi32, #tpu.memory_space<hbm>>
      %dma_wait3A_156 = arith.constant 0 : i32
      %dma_wait3A_157 = tpu.memref_slice %arg8[%dma_wait3A_150, %dma_wait3A_156] : memref<2x128xi32, #tpu.memory_space<vmem>> -> memref<1x128xi32, #tpu.memory_space<vmem>>
      %dma_wait3A_158 = tpu.memref_squeeze %dma_wait3A_157 : memref<1x128xi32, #tpu.memory_space<vmem>> -> memref<128xi32, #tpu.memory_space<vmem>>
      %dma_wait3A_159 = tpu.memref_slice %arg3[%dma_wait3A_149, %add3A_148] : memref<2x320000xi32, #tpu.memory_space<hbm>> -> memref<1x128xi32, #tpu.memory_space<hbm>>
      %dma_wait3A_160 = tpu.memref_squeeze %dma_wait3A_159 : memref<1x128xi32, #tpu.memory_space<hbm>> -> memref<128xi32, #tpu.memory_space<hbm>>
      tpu.wait_dma2 semaphore(%arg13 : memref<!tpu.dma_semaphore, #tpu.memory_space<semaphore_mem>>) src(%dma_wait3A_160 : memref<128xi32, #tpu.memory_space<hbm>>) dst(%dma_wait3A_158 : memref<128xi32, #tpu.memory_space<vmem>>)
      %run_scoped3A_161 = arith.constant 1 : i32
      "tpu.region"() ({
        %run_scoped3A_162 = tpu.sem_alloc : memref<!tpu.dma_semaphore, #tpu.memory_space<semaphore_mem>>
        %dma_start3A_163 = arith.constant 0 : i32
        %dma_start3A_164 = tpu.memref_slice %arg8[%run_scoped3A_161, %dma_start3A_163] : memref<2x128xi32, #tpu.memory_space<vmem>> -> memref<1x128xi32, #tpu.memory_space<vmem>>
        %dma_start3A_165 = tpu.memref_squeeze %dma_start3A_164 : memref<1x128xi32, #tpu.memory_space<vmem>> -> memref<128xi32, #tpu.memory_space<vmem>>
        %dma_start3A_166 = arith.constant 0 : i32
        %dma_start3A_167 = arith.constant 0 : i32
        %dma_start3A_168 = tpu.memref_slice %arg9[%dma_start3A_166, %dma_start3A_167] : memref<10240x128xf32, #tpu.memory_space<vmem_shared>> -> memref<10240x128xf32, #tpu.memory_space<vmem_shared>>
        tpu.enqueue_indirect_dma source(%arg7 : memref<128x128xf32, #tpu.memory_space<vmem>>) target(%dma_start3A_168 : memref<10240x128xf32, #tpu.memory_space<vmem_shared>>) offsets(%dma_start3A_165 : memref<128xi32, #tpu.memory_space<vmem>>) semaphore(%run_scoped3A_162 : memref<!tpu.dma_semaphore, #tpu.memory_space<semaphore_mem>>) {add = true}
        %dma_wait3A_169 = arith.constant 0 : i32
        %dma_wait3A_170 = tpu.memref_slice %arg8[%run_scoped3A_161, %dma_wait3A_169] : memref<2x128xi32, #tpu.memory_space<vmem>> -> memref<1x128xi32, #tpu.memory_space<vmem>>
        %dma_wait3A_171 = tpu.memref_squeeze %dma_wait3A_170 : memref<1x128xi32, #tpu.memory_space<vmem>> -> memref<128xi32, #tpu.memory_space<vmem>>
        %dma_wait3A_172 = arith.constant 0 : i32
        %dma_wait3A_173 = arith.constant 0 : i32
        %dma_wait3A_174 = tpu.memref_slice %arg9[%dma_wait3A_172, %dma_wait3A_173] : memref<10240x128xf32, #tpu.memory_space<vmem_shared>> -> memref<10240x128xf32, #tpu.memory_space<vmem_shared>>
        tpu.wait_indirect_dma semaphore(%run_scoped3A_162 : memref<!tpu.dma_semaphore, #tpu.memory_space<semaphore_mem>>) src(%arg7 : memref<128x128xf32, #tpu.memory_space<vmem>>) dst(%dma_wait3A_174 : memref<10240x128xf32, #tpu.memory_space<vmem_shared>>)
        tpu.yield
      }) : () -> ()
    }
    %while3A_80 = arith.constant 1 : i32
    scf.for %while3A_86 = %while3A_78 to %while3A_74 step %while3A_80  : i32 {
      %mul3A_87 = arith.constant 2 : i32
      %mul3A_88 = arith.muli %mul3A_87, %while3A_86 : i32
      %mul3A_89 = arith.constant 2 : i32
      %mul3A_90 = arith.muli %mul3A_89, %while3A_86 : i32
      %add3A_91 = arith.constant 1 : i32
      %add3A_92 = arith.addi %mul3A_90, %add3A_91 : i32
      %mul3A_93 = arith.constant 128 : i32
      %mul3A_94 = arith.muli %add3A_92, %mul3A_93 : i32
      %dma_start3A_95 = tpu.memref_slice %arg5[%mul3A_94] : memref<10240xi32, #tpu.memory_space<vmem>> -> memref<128xi32, #tpu.memory_space<vmem>>
      %dma_start3A_96 = arith.constant 0 : i32
      %dma_start3A_97 = arith.constant 0 : i32
      %dma_start3A_98 = tpu.memref_slice %arg2[%dma_start3A_96, %dma_start3A_97] : memref<10000x128xf32, #tpu.memory_space<hbm>> -> memref<10000x128xf32, #tpu.memory_space<hbm>>
      tpu.enqueue_indirect_dma source(%dma_start3A_98 : memref<10000x128xf32, #tpu.memory_space<hbm>>) target(%arg7 : memref<128x128xf32, #tpu.memory_space<vmem>>) offsets(%dma_start3A_95 : memref<128xi32, #tpu.memory_space<vmem>>) semaphore(%arg11 : memref<!tpu.dma_semaphore, #tpu.memory_space<semaphore_mem>>)
      %mul3A_99 = arith.constant 128 : i32
      %mul3A_100 = arith.muli %add3A_92, %mul3A_99 : i32
      %add3A_101 = arith.addi %mul3A_2, %mul3A_100 : i32
      %dma_start3A_102 = arith.constant 1 : i32
      %dma_start3A_103 = arith.constant 1 : i32
      %dma_start3A_104 = arith.constant 0 : i32
      %dma_start3A_105 = tpu.memref_slice %arg8[%dma_start3A_103, %dma_start3A_104] : memref<2x128xi32, #tpu.memory_space<vmem>> -> memref<1x128xi32, #tpu.memory_space<vmem>>
      %dma_start3A_106 = tpu.memref_squeeze %dma_start3A_105 : memref<1x128xi32, #tpu.memory_space<vmem>> -> memref<128xi32, #tpu.memory_space<vmem>>
      %dma_start3A_107 = tpu.memref_slice %arg3[%dma_start3A_102, %add3A_101] : memref<2x320000xi32, #tpu.memory_space<hbm>> -> memref<1x128xi32, #tpu.memory_space<hbm>>
      %dma_start3A_108 = tpu.memref_squeeze %dma_start3A_107 : memref<1x128xi32, #tpu.memory_space<hbm>> -> memref<128xi32, #tpu.memory_space<hbm>>
      %dma_start3A_109 = arith.constant 0 : i32
      %dma_start3A_110 = tpu.memref_slice %arg8[%dma_start3A_103, %dma_start3A_109] : memref<2x128xi32, #tpu.memory_space<vmem>> -> memref<1x128xi32, #tpu.memory_space<vmem>>
      %dma_start3A_111 = tpu.memref_squeeze %dma_start3A_110 : memref<1x128xi32, #tpu.memory_space<vmem>> -> memref<128xi32, #tpu.memory_space<vmem>>
      %dma_start3A_112 = tpu.memref_slice %arg3[%dma_start3A_102, %add3A_101] : memref<2x320000xi32, #tpu.memory_space<hbm>> -> memref<1x128xi32, #tpu.memory_space<hbm>>
      %dma_start3A_113 = tpu.memref_squeeze %dma_start3A_112 : memref<1x128xi32, #tpu.memory_space<hbm>> -> memref<128xi32, #tpu.memory_space<hbm>>
      tpu.enqueue_dma source(%dma_start3A_113 : memref<128xi32, #tpu.memory_space<hbm>>) target(%dma_start3A_111 : memref<128xi32, #tpu.memory_space<vmem>>) target_semaphore(%arg13 : memref<!tpu.dma_semaphore, #tpu.memory_space<semaphore_mem>>)
      %mul3A_114 = arith.constant 128 : i32
      %mul3A_115 = arith.muli %mul3A_88, %mul3A_114 : i32
      %dma_wait3A = tpu.memref_slice %arg5[%mul3A_115] : memref<10240xi32, #tpu.memory_space<vmem>> -> memref<128xi32, #tpu.memory_space<vmem>>
      %dma_wait3A_116 = arith.constant 0 : i32
      %dma_wait3A_117 = arith.constant 0 : i32
      %dma_wait3A_118 = tpu.memref_slice %arg2[%dma_wait3A_116, %dma_wait3A_117] : memref<10000x128xf32, #tpu.memory_space<hbm>> -> memref<10000x128xf32, #tpu.memory_space<hbm>>
      tpu.wait_indirect_dma semaphore(%arg10 : memref<!tpu.dma_semaphore, #tpu.memory_space<semaphore_mem>>) src(%dma_wait3A_118 : memref<10000x128xf32, #tpu.memory_space<hbm>>) dst(%arg6 : memref<128x128xf32, #tpu.memory_space<vmem>>)
      %mul3A_119 = arith.constant 128 : i32
      %mul3A_120 = arith.muli %mul3A_88, %mul3A_119 : i32
      %add3A_121 = arith.addi %mul3A_2, %mul3A_120 : i32
      %dma_wait3A_122 = arith.constant 1 : i32
      %dma_wait3A_123 = arith.constant 0 : i32
      %dma_wait3A_124 = arith.constant 0 : i32
      %dma_wait3A_125 = tpu.memref_slice %arg8[%dma_wait3A_123, %dma_wait3A_124] : memref<2x128xi32, #tpu.memory_space<vmem>> -> memref<1x128xi32, #tpu.memory_space<vmem>>
      %dma_wait3A_126 = tpu.memref_squeeze %dma_wait3A_125 : memref<1x128xi32, #tpu.memory_space<vmem>> -> memref<128xi32, #tpu.memory_space<vmem>>
      %dma_wait3A_127 = tpu.memref_slice %arg3[%dma_wait3A_122, %add3A_121] : memref<2x320000xi32, #tpu.memory_space<hbm>> -> memref<1x128xi32, #tpu.memory_space<hbm>>
      %dma_wait3A_128 = tpu.memref_squeeze %dma_wait3A_127 : memref<1x128xi32, #tpu.memory_space<hbm>> -> memref<128xi32, #tpu.memory_space<hbm>>
      %dma_wait3A_129 = arith.constant 0 : i32
      %dma_wait3A_130 = tpu.memref_slice %arg8[%dma_wait3A_123, %dma_wait3A_129] : memref<2x128xi32, #tpu.memory_space<vmem>> -> memref<1x128xi32, #tpu.memory_space<vmem>>
      %dma_wait3A_131 = tpu.memref_squeeze %dma_wait3A_130 : memref<1x128xi32, #tpu.memory_space<vmem>> -> memref<128xi32, #tpu.memory_space<vmem>>
      %dma_wait3A_132 = tpu.memref_slice %arg3[%dma_wait3A_122, %add3A_121] : memref<2x320000xi32, #tpu.memory_space<hbm>> -> memref<1x128xi32, #tpu.memory_space<hbm>>
      %dma_wait3A_133 = tpu.memref_squeeze %dma_wait3A_132 : memref<1x128xi32, #tpu.memory_space<hbm>> -> memref<128xi32, #tpu.memory_space<hbm>>
      tpu.wait_dma2 semaphore(%arg12 : memref<!tpu.dma_semaphore, #tpu.memory_space<semaphore_mem>>) src(%dma_wait3A_133 : memref<128xi32, #tpu.memory_space<hbm>>) dst(%dma_wait3A_131 : memref<128xi32, #tpu.memory_space<vmem>>)
      %run_scoped3A = arith.constant 0 : i32
      "tpu.region"() ({
        %run_scoped3A_162 = tpu.sem_alloc : memref<!tpu.dma_semaphore, #tpu.memory_space<semaphore_mem>>
        %dma_start3A_163 = arith.constant 0 : i32
        %dma_start3A_164 = tpu.memref_slice %arg8[%run_scoped3A, %dma_start3A_163] : memref<2x128xi32, #tpu.memory_space<vmem>> -> memref<1x128xi32, #tpu.memory_space<vmem>>
        %dma_start3A_165 = tpu.memref_squeeze %dma_start3A_164 : memref<1x128xi32, #tpu.memory_space<vmem>> -> memref<128xi32, #tpu.memory_space<vmem>>
        %dma_start3A_166 = arith.constant 0 : i32
        %dma_start3A_167 = arith.constant 0 : i32
        %dma_start3A_168 = tpu.memref_slice %arg9[%dma_start3A_166, %dma_start3A_167] : memref<10240x128xf32, #tpu.memory_space<vmem_shared>> -> memref<10240x128xf32, #tpu.memory_space<vmem_shared>>
        tpu.enqueue_indirect_dma source(%arg6 : memref<128x128xf32, #tpu.memory_space<vmem>>) target(%dma_start3A_168 : memref<10240x128xf32, #tpu.memory_space<vmem_shared>>) offsets(%dma_start3A_165 : memref<128xi32, #tpu.memory_space<vmem>>) semaphore(%run_scoped3A_162 : memref<!tpu.dma_semaphore, #tpu.memory_space<semaphore_mem>>) {add = true}
        %dma_wait3A_169 = arith.constant 0 : i32
        %dma_wait3A_170 = tpu.memref_slice %arg8[%run_scoped3A, %dma_wait3A_169] : memref<2x128xi32, #tpu.memory_space<vmem>> -> memref<1x128xi32, #tpu.memory_space<vmem>>
        %dma_wait3A_171 = tpu.memref_squeeze %dma_wait3A_170 : memref<1x128xi32, #tpu.memory_space<vmem>> -> memref<128xi32, #tpu.memory_space<vmem>>
        %dma_wait3A_172 = arith.constant 0 : i32
        %dma_wait3A_173 = arith.constant 0 : i32
        %dma_wait3A_174 = tpu.memref_slice %arg9[%dma_wait3A_172, %dma_wait3A_173] : memref<10240x128xf32, #tpu.memory_space<vmem_shared>> -> memref<10240x128xf32, #tpu.memory_space<vmem_shared>>
        tpu.wait_indirect_dma semaphore(%run_scoped3A_162 : memref<!tpu.dma_semaphore, #tpu.memory_space<semaphore_mem>>) src(%arg6 : memref<128x128xf32, #tpu.memory_space<vmem>>) dst(%dma_wait3A_174 : memref<10240x128xf32, #tpu.memory_space<vmem_shared>>)
        tpu.yield
      }) : () -> ()
      %add3A_134 = arith.constant 1 : i32
      %add3A_135 = arith.addi %while3A_86, %add3A_134 : i32
      %lt3A_136 = arith.cmpi slt, %add3A_135, %select_n3A_22 : i32
      %convert_element_type3A_137 = arith.extui %lt3A_136 : i1 to i32
      %cond3A_138 = arith.constant 0 : i32
      %cond3A_139 = arith.cmpi ne, %convert_element_type3A_137, %cond3A_138 : i32
      scf.if %cond3A_139 {
        %add3A_162 = arith.constant 2 : i32
        %add3A_163 = arith.addi %mul3A_88, %add3A_162 : i32
        %mul3A_164 = arith.constant 128 : i32
        %mul3A_165 = arith.muli %add3A_163, %mul3A_164 : i32
        %dma_start3A_166 = tpu.memref_slice %arg5[%mul3A_165] : memref<10240xi32, #tpu.memory_space<vmem>> -> memref<128xi32, #tpu.memory_space<vmem>>
        %dma_start3A_167 = arith.constant 0 : i32
        %dma_start3A_168 = arith.constant 0 : i32
        %dma_start3A_169 = tpu.memref_slice %arg2[%dma_start3A_167, %dma_start3A_168] : memref<10000x128xf32, #tpu.memory_space<hbm>> -> memref<10000x128xf32, #tpu.memory_space<hbm>>
        tpu.enqueue_indirect_dma source(%dma_start3A_169 : memref<10000x128xf32, #tpu.memory_space<hbm>>) target(%arg6 : memref<128x128xf32, #tpu.memory_space<vmem>>) offsets(%dma_start3A_166 : memref<128xi32, #tpu.memory_space<vmem>>) semaphore(%arg10 : memref<!tpu.dma_semaphore, #tpu.memory_space<semaphore_mem>>)
        %add3A_170 = arith.constant 2 : i32
        %add3A_171 = arith.addi %mul3A_88, %add3A_170 : i32
        %mul3A_172 = arith.constant 128 : i32
        %mul3A_173 = arith.muli %add3A_171, %mul3A_172 : i32
        %add3A_174 = arith.addi %mul3A_2, %mul3A_173 : i32
        %dma_start3A_175 = arith.constant 1 : i32
        %dma_start3A_176 = arith.constant 0 : i32
        %dma_start3A_177 = arith.constant 0 : i32
        %dma_start3A_178 = tpu.memref_slice %arg8[%dma_start3A_176, %dma_start3A_177] : memref<2x128xi32, #tpu.memory_space<vmem>> -> memref<1x128xi32, #tpu.memory_space<vmem>>
        %dma_start3A_179 = tpu.memref_squeeze %dma_start3A_178 : memref<1x128xi32, #tpu.memory_space<vmem>> -> memref<128xi32, #tpu.memory_space<vmem>>
        %dma_start3A_180 = tpu.memref_slice %arg3[%dma_start3A_175, %add3A_174] : memref<2x320000xi32, #tpu.memory_space<hbm>> -> memref<1x128xi32, #tpu.memory_space<hbm>>
        %dma_start3A_181 = tpu.memref_squeeze %dma_start3A_180 : memref<1x128xi32, #tpu.memory_space<hbm>> -> memref<128xi32, #tpu.memory_space<hbm>>
        %dma_start3A_182 = arith.constant 0 : i32
        %dma_start3A_183 = tpu.memref_slice %arg8[%dma_start3A_176, %dma_start3A_182] : memref<2x128xi32, #tpu.memory_space<vmem>> -> memref<1x128xi32, #tpu.memory_space<vmem>>
        %dma_start3A_184 = tpu.memref_squeeze %dma_start3A_183 : memref<1x128xi32, #tpu.memory_space<vmem>> -> memref<128xi32, #tpu.memory_space<vmem>>
        %dma_start3A_185 = tpu.memref_slice %arg3[%dma_start3A_175, %add3A_174] : memref<2x320000xi32, #tpu.memory_space<hbm>> -> memref<1x128xi32, #tpu.memory_space<hbm>>
        %dma_start3A_186 = tpu.memref_squeeze %dma_start3A_185 : memref<1x128xi32, #tpu.memory_space<hbm>> -> memref<128xi32, #tpu.memory_space<hbm>>
        tpu.enqueue_dma source(%dma_start3A_186 : memref<128xi32, #tpu.memory_space<hbm>>) target(%dma_start3A_184 : memref<128xi32, #tpu.memory_space<vmem>>) target_semaphore(%arg12 : memref<!tpu.dma_semaphore, #tpu.memory_space<semaphore_mem>>)
      } else {
      }
      %mul3A_140 = arith.constant 128 : i32
      %mul3A_141 = arith.muli %add3A_92, %mul3A_140 : i32
      %dma_wait3A_142 = tpu.memref_slice %arg5[%mul3A_141] : memref<10240xi32, #tpu.memory_space<vmem>> -> memref<128xi32, #tpu.memory_space<vmem>>
      %dma_wait3A_143 = arith.constant 0 : i32
      %dma_wait3A_144 = arith.constant 0 : i32
      %dma_wait3A_145 = tpu.memref_slice %arg2[%dma_wait3A_143, %dma_wait3A_144] : memref<10000x128xf32, #tpu.memory_space<hbm>> -> memref<10000x128xf32, #tpu.memory_space<hbm>>
      tpu.wait_indirect_dma semaphore(%arg11 : memref<!tpu.dma_semaphore, #tpu.memory_space<semaphore_mem>>) src(%dma_wait3A_145 : memref<10000x128xf32, #tpu.memory_space<hbm>>) dst(%arg7 : memref<128x128xf32, #tpu.memory_space<vmem>>)
      %mul3A_146 = arith.constant 128 : i32
      %mul3A_147 = arith.muli %add3A_92, %mul3A_146 : i32
      %add3A_148 = arith.addi %mul3A_2, %mul3A_147 : i32
      %dma_wait3A_149 = arith.constant 1 : i32
      %dma_wait3A_150 = arith.constant 1 : i32
      %dma_wait3A_151 = arith.constant 0 : i32
      %dma_wait3A_152 = tpu.memref_slice %arg8[%dma_wait3A_150, %dma_wait3A_151] : memref<2x128xi32, #tpu.memory_space<vmem>> -> memref<1x128xi32, #tpu.memory_space<vmem>>
      %dma_wait3A_153 = tpu.memref_squeeze %dma_wait3A_152 : memref<1x128xi32, #tpu.memory_space<vmem>> -> memref<128xi32, #tpu.memory_space<vmem>>
      %dma_wait3A_154 = tpu.memref_slice %arg3[%dma_wait3A_149, %add3A_148] : memref<2x320000xi32, #tpu.memory_space<hbm>> -> memref<1x128xi32, #tpu.memory_space<hbm>>
      %dma_wait3A_155 = tpu.memref_squeeze %dma_wait3A_154 : memref<1x128xi32, #tpu.memory_space<hbm>> -> memref<128xi32, #tpu.memory_space<hbm>>
      %dma_wait3A_156 = arith.constant 0 : i32
      %dma_wait3A_157 = tpu.memref_slice %arg8[%dma_wait3A_150, %dma_wait3A_156] : memref<2x128xi32, #tpu.memory_space<vmem>> -> memref<1x128xi32, #tpu.memory_space<vmem>>
      %dma_wait3A_158 = tpu.memref_squeeze %dma_wait3A_157 : memref<1x128xi32, #tpu.memory_space<vmem>> -> memref<128xi32, #tpu.memory_space<vmem>>
      %dma_wait3A_159 = tpu.memref_slice %arg3[%dma_wait3A_149, %add3A_148] : memref<2x320000xi32, #tpu.memory_space<hbm>> -> memref<1x128xi32, #tpu.memory_space<hbm>>
      %dma_wait3A_160 = tpu.memref_squeeze %dma_wait3A_159 : memref<1x128xi32, #tpu.memory_space<hbm>> -> memref<128xi32, #tpu.memory_space<hbm>>
      tpu.wait_dma2 semaphore(%arg13 : memref<!tpu.dma_semaphore, #tpu.memory_space<semaphore_mem>>) src(%dma_wait3A_160 : memref<128xi32, #tpu.memory_space<hbm>>) dst(%dma_wait3A_158 : memref<128xi32, #tpu.memory_space<vmem>>)
      %run_scoped3A_161 = arith.constant 1 : i32
      "tpu.region"() ({
        %run_scoped3A_162 = tpu.sem_alloc : memref<!tpu.dma_semaphore, #tpu.memory_space<semaphore_mem>>
        %dma_start3A_163 = arith.constant 0 : i32
        %dma_start3A_164 = tpu.memref_slice %arg8[%run_scoped3A_161, %dma_start3A_163] : memref<2x128xi32, #tpu.memory_space<vmem>> -> memref<1x128xi32, #tpu.memory_space<vmem>>
        %dma_start3A_165 = tpu.memref_squeeze %dma_start3A_164 : memref<1x128xi32, #tpu.memory_space<vmem>> -> memref<128xi32, #tpu.memory_space<vmem>>
        %dma_start3A_166 = arith.constant 0 : i32
        %dma_start3A_167 = arith.constant 0 : i32
        %dma_start3A_168 = tpu.memref_slice %arg9[%dma_start3A_166, %dma_start3A_167] : memref<10240x128xf32, #tpu.memory_space<vmem_shared>> -> memref<10240x128xf32, #tpu.memory_space<vmem_shared>>
        tpu.enqueue_indirect_dma source(%arg7 : memref<128x128xf32, #tpu.memory_space<vmem>>) target(%dma_start3A_168 : memref<10240x128xf32, #tpu.memory_space<vmem_shared>>) offsets(%dma_start3A_165 : memref<128xi32, #tpu.memory_space<vmem>>) semaphore(%run_scoped3A_162 : memref<!tpu.dma_semaphore, #tpu.memory_space<semaphore_mem>>) {add = true}
        %dma_wait3A_169 = arith.constant 0 : i32
        %dma_wait3A_170 = tpu.memref_slice %arg8[%run_scoped3A_161, %dma_wait3A_169] : memref<2x128xi32, #tpu.memory_space<vmem>> -> memref<1x128xi32, #tpu.memory_space<vmem>>
        %dma_wait3A_171 = tpu.memref_squeeze %dma_wait3A_170 : memref<1x128xi32, #tpu.memory_space<vmem>> -> memref<128xi32, #tpu.memory_space<vmem>>
        %dma_wait3A_172 = arith.constant 0 : i32
        %dma_wait3A_173 = arith.constant 0 : i32
        %dma_wait3A_174 = tpu.memref_slice %arg9[%dma_wait3A_172, %dma_wait3A_173] : memref<10240x128xf32, #tpu.memory_space<vmem_shared>> -> memref<10240x128xf32, #tpu.memory_space<vmem_shared>>
        tpu.wait_indirect_dma semaphore(%run_scoped3A_162 : memref<!tpu.dma_semaphore, #tpu.memory_space<semaphore_mem>>) src(%arg7 : memref<128x128xf32, #tpu.memory_space<vmem>>) dst(%dma_wait3A_174 : memref<10240x128xf32, #tpu.memory_space<vmem_shared>>)
        tpu.yield
      }) : () -> ()
    }
    %barrier3A_81 = arith.constant 0 : index
    tpu.barrier barrier_id(%barrier3A_81)
    %mul3A_82 = arith.constant 640 : i32
    %mul3A_83 = arith.muli %arg1, %mul3A_82 : i32
    %mul3A_84 = arith.constant 640 : i32
    %mul3A_85 = arith.muli %arg1, %mul3A_84 : i32
    "tpu.region"() ({
      %run_scoped3A = tpu.sem_alloc : memref<!tpu.dma_semaphore, #tpu.memory_space<semaphore_mem>>
      %dma_start3A_86 = arith.constant 0 : i32
      %dma_start3A_87 = tpu.memref_slice %arg4[%arg0, %mul3A_85, %dma_start3A_86] : memref<2x10240x128xf32, #tpu.memory_space<hbm>> -> memref<1x640x128xf32, #tpu.memory_space<hbm>>
      %dma_start3A_88 = tpu.memref_squeeze %dma_start3A_87 : memref<1x640x128xf32, #tpu.memory_space<hbm>> -> memref<640x128xf32, #tpu.memory_space<hbm>>
      %dma_start3A_89 = arith.constant 0 : i32
      %dma_start3A_90 = tpu.memref_slice %arg9[%mul3A_83, %dma_start3A_89] : memref<10240x128xf32, #tpu.memory_space<vmem_shared>> -> memref<640x128xf32, #tpu.memory_space<vmem_shared>>
      tpu.enqueue_dma source(%dma_start3A_90 : memref<640x128xf32, #tpu.memory_space<vmem_shared>>) target(%dma_start3A_88 : memref<640x128xf32, #tpu.memory_space<hbm>>) target_semaphore(%run_scoped3A : memref<!tpu.dma_semaphore, #tpu.memory_space<semaphore_mem>>)
      %dma_wait3A = arith.constant 0 : i32
      %dma_wait3A_91 = tpu.memref_slice %arg4[%arg0, %mul3A_85, %dma_wait3A] : memref<2x10240x128xf32, #tpu.memory_space<hbm>> -> memref<1x640x128xf32, #tpu.memory_space<hbm>>
      %dma_wait3A_92 = tpu.memref_squeeze %dma_wait3A_91 : memref<1x640x128xf32, #tpu.memory_space<hbm>> -> memref<640x128xf32, #tpu.memory_space<hbm>>
      %dma_wait3A_93 = arith.constant 0 : i32
      %dma_wait3A_94 = tpu.memref_slice %arg9[%mul3A_83, %dma_wait3A_93] : memref<10240x128xf32, #tpu.memory_space<vmem_shared>> -> memref<640x128xf32, #tpu.memory_space<vmem_shared>>
      tpu.wait_dma2 semaphore(%run_scoped3A : memref<!tpu.dma_semaphore, #tpu.memory_space<semaphore_mem>>) src(%dma_wait3A_94 : memref<640x128xf32, #tpu.memory_space<vmem_shared>>) dst(%dma_wait3A_92 : memref<640x128xf32, #tpu.memory_space<hbm>>)
      tpu.yield
    }) : () -> ()
    return
  }
}

#map = affine_map<(d0, d1) -> (0, 0)>
#map1 = affine_map<(d0, d1) -> (0, 0, 0)>
module attributes {stable_mosaic.version = 14 : i64} {
  func.func @_scat_kernel(%arg0: i32, %arg1: i32, %arg2: memref<10000x128xf32, #tpu.memory_space<hbm>>, %arg3: memref<2x320000xi32, #tpu.memory_space<hbm>>, %arg4: memref<2x10240x128xf32, #tpu.memory_space<hbm>>, %arg5: memref<10240xi32, #tpu.memory_space<vmem>>, %arg6: memref<128x128xf32, #tpu.memory_space<vmem>>, %arg7: memref<128x128xf32, #tpu.memory_space<vmem>>, %arg8: memref<2x128xi32, #tpu.memory_space<vmem>>, %arg9: memref<10240x128xf32, #tpu.memory_space<vmem_shared>>, %arg10: memref<!tpu.dma_semaphore, #tpu.memory_space<semaphore_mem>>, %arg11: memref<!tpu.dma_semaphore, #tpu.memory_space<semaphore_mem>>, %arg12: memref<!tpu.dma_semaphore, #tpu.memory_space<semaphore_mem>>, %arg13: memref<!tpu.dma_semaphore, #tpu.memory_space<semaphore_mem>>) attributes {dimension_semantics = [#tpu.dimension_semantics<core_parallel>, #tpu.dimension_semantics<subcore_parallel>], iteration_bounds = array<i64: 2, 16>, scalar_prefetch = 0 : i64, scratch_operands = 9 : i64, tpu.core_type = #tpu.core_type<sc_vector_subcore>, window_params = [{transform_indices = #map}, {transform_indices = #map}, {transform_indices = #map1}]} {
    %mul3A = arith.constant 16 : i32
    %mul3A_0 = arith.muli %arg0, %mul3A : i32
    %add3A = arith.addi %mul3A_0, %arg1 : i32
    %mul3A_1 = arith.constant 10240 : i32
    %mul3A_2 = arith.muli %add3A, %mul3A_1 : i32
    %eq3A = arith.constant 31 : i32
    %eq3A_3 = arith.cmpi eq, %add3A, %eq3A : i32
    %jit3A = arith.constant 20 : i32
    %jit3A_4 = arith.constant 80 : i32
    %select_n3A = arith.select %eq3A_3, %jit3A, %jit3A_4 : i32
    %jit3A_5 = arith.constant 2 : i32
    %div3A = arith.divsi %select_n3A, %jit3A_5 : i32
    %sign3A = arith.constant 0 : i32
    %sign3A_6 = arith.cmpi sgt, %select_n3A, %sign3A : i32
    %sign3A_7 = arith.extui %sign3A_6 : i1 to i32
    %sign3A_8 = arith.constant 0 : i32
    %sign3A_9 = arith.cmpi slt, %select_n3A, %sign3A_8 : i32
    %sign3A_10 = arith.extui %sign3A_9 : i1 to i32
    %sign3A_11 = arith.subi %sign3A_7, %sign3A_10 : i32
    %sign3A_12 = arith.constant 0 : i32
    %sign3A_13 = arith.cmpi sgt, %jit3A_5, %sign3A_12 : i32
    %sign3A_14 = arith.extui %sign3A_13 : i1 to i32
    %sign3A_15 = arith.constant 0 : i32
    %sign3A_16 = arith.cmpi slt, %jit3A_5, %sign3A_15 : i32
    %sign3A_17 = arith.extui %sign3A_16 : i1 to i32
    %sign3A_18 = arith.subi %sign3A_14, %sign3A_17 : i32
    %ne3A = arith.cmpi ne, %sign3A_11, %sign3A_18 : i32
    %rem3A = arith.remsi %select_n3A, %jit3A_5 : i32
    %ne3A_19 = arith.constant 0 : i32
    %ne3A_20 = arith.cmpi ne, %rem3A, %ne3A_19 : i32
    %and3A = arith.andi %ne3A, %ne3A_20 : i1
    %sub3A = arith.constant 1 : i32
    %sub3A_21 = arith.subi %div3A, %sub3A : i32
    %select_n3A_22 = arith.select %and3A, %sub3A_21, %div3A : i32
    %broadcast_in_dim3A = arith.constant 0.000000e+00 : f32
    %broadcast_in_dim3A_23 = vector.broadcast %broadcast_in_dim3A : f32 to vector<16xf32>
    %scan3A = arith.constant 0 : i32
    %scan3A_24 = arith.constant 0 : i32
    %scan3A_25 = arith.constant 128 : i32
    %scan3A_26 = arith.addi %scan3A_24, %scan3A_25 : i32
    %scan3A_27 = arith.constant 1 : i32
    scf.for %scan3A_86 = %scan3A_24 to %scan3A_26 step %scan3A_27  : i32 {
      %swap3A = arith.index_cast %scan3A_86 : i32 to index
      %swap3A_87 = arith.constant 0 : index
      %swap3A_88 = tpu.vector_load %arg6[%swap3A, %swap3A_87] {strides = array<i32>} : memref<128x128xf32, #tpu.memory_space<vmem>>, vector<1x16xf32>,
      %swap3A_89 = vector.shape_cast %swap3A_88 : vector<1x16xf32> to vector<16xf32>
      %swap3A_90 = vector.shape_cast %broadcast_in_dim3A_23 : vector<16xf32> to vector<1x16xf32>
      tpu.vector_store %arg6[%swap3A, %swap3A_87], %swap3A_90 {strides = array<i32>} : memref<128x128xf32, #tpu.memory_space<vmem>>, vector<1x16xf32>,
      %swap3A_91 = arith.index_cast %scan3A_86 : i32 to index
      %swap3A_92 = arith.constant 16 : index
      %swap3A_93 = tpu.vector_load %arg6[%swap3A_91, %swap3A_92] {strides = array<i32>} : memref<128x128xf32, #tpu.memory_space<vmem>>, vector<1x16xf32>,
      %swap3A_94 = vector.shape_cast %swap3A_93 : vector<1x16xf32> to vector<16xf32>
      %swap3A_95 = vector.shape_cast %broadcast_in_dim3A_23 : vector<16xf32> to vector<1x16xf32>
      tpu.vector_store %arg6[%swap3A_91, %swap3A_92], %swap3A_95 {strides = array<i32>} : memref<128x128xf32, #tpu.memory_space<vmem>>, vector<1x16xf32>,
      %swap3A_96 = arith.index_cast %scan3A_86 : i32 to index
      %swap3A_97 = arith.constant 32 : index
      %swap3A_98 = tpu.vector_load %arg6[%swap3A_96, %swap3A_97] {strides = array<i32>} : memref<128x128xf32, #tpu.memory_space<vmem>>, vector<1x16xf32>,
      %swap3A_99 = vector.shape_cast %swap3A_98 : vector<1x16xf32> to vector<16xf32>
      %swap3A_100 = vector.shape_cast %broadcast_in_dim3A_23 : vector<16xf32> to vector<1x16xf32>
      tpu.vector_store %arg6[%swap3A_96, %swap3A_97], %swap3A_100 {strides = array<i32>} : memref<128x128xf32, #tpu.memory_space<vmem>>, vector<1x16xf32>,
      %swap3A_101 = arith.index_cast %scan3A_86 : i32 to index
      %swap3A_102 = arith.constant 48 : index
      %swap3A_103 = tpu.vector_load %arg6[%swap3A_101, %swap3A_102] {strides = array<i32>} : memref<128x128xf32, #tpu.memory_space<vmem>>, vector<1x16xf32>,
      %swap3A_104 = vector.shape_cast %swap3A_103 : vector<1x16xf32> to vector<16xf32>
      %swap3A_105 = vector.shape_cast %broadcast_in_dim3A_23 : vector<16xf32> to vector<1x16xf32>
      tpu.vector_store %arg6[%swap3A_101, %swap3A_102], %swap3A_105 {strides = array<i32>} : memref<128x128xf32, #tpu.memory_space<vmem>>, vector<1x16xf32>,
      %swap3A_106 = arith.index_cast %scan3A_86 : i32 to index
      %swap3A_107 = arith.constant 64 : index
      %swap3A_108 = tpu.vector_load %arg6[%swap3A_106, %swap3A_107] {strides = array<i32>} : memref<128x128xf32, #tpu.memory_space<vmem>>, vector<1x16xf32>,
      %swap3A_109 = vector.shape_cast %swap3A_108 : vector<1x16xf32> to vector<16xf32>
      %swap3A_110 = vector.shape_cast %broadcast_in_dim3A_23 : vector<16xf32> to vector<1x16xf32>
      tpu.vector_store %arg6[%swap3A_106, %swap3A_107], %swap3A_110 {strides = array<i32>} : memref<128x128xf32, #tpu.memory_space<vmem>>, vector<1x16xf32>,
      %swap3A_111 = arith.index_cast %scan3A_86 : i32 to index
      %swap3A_112 = arith.constant 80 : index
      %swap3A_113 = tpu.vector_load %arg6[%swap3A_111, %swap3A_112] {strides = array<i32>} : memref<128x128xf32, #tpu.memory_space<vmem>>, vector<1x16xf32>,
      %swap3A_114 = vector.shape_cast %swap3A_113 : vector<1x16xf32> to vector<16xf32>
      %swap3A_115 = vector.shape_cast %broadcast_in_dim3A_23 : vector<16xf32> to vector<1x16xf32>
      tpu.vector_store %arg6[%swap3A_111, %swap3A_112], %swap3A_115 {strides = array<i32>} : memref<128x128xf32, #tpu.memory_space<vmem>>, vector<1x16xf32>,
      %swap3A_116 = arith.index_cast %scan3A_86 : i32 to index
      %swap3A_117 = arith.constant 96 : index
      %swap3A_118 = tpu.vector_load %arg6[%swap3A_116, %swap3A_117] {strides = array<i32>} : memref<128x128xf32, #tpu.memory_space<vmem>>, vector<1x16xf32>,
      %swap3A_119 = vector.shape_cast %swap3A_118 : vector<1x16xf32> to vector<16xf32>
      %swap3A_120 = vector.shape_cast %broadcast_in_dim3A_23 : vector<16xf32> to vector<1x16xf32>
      tpu.vector_store %arg6[%swap3A_116, %swap3A_117], %swap3A_120 {strides = array<i32>} : memref<128x128xf32, #tpu.memory_space<vmem>>, vector<1x16xf32>,
      %swap3A_121 = arith.index_cast %scan3A_86 : i32 to index
      %swap3A_122 = arith.constant 112 : index
      %swap3A_123 = tpu.vector_load %arg6[%swap3A_121, %swap3A_122] {strides = array<i32>} : memref<128x128xf32, #tpu.memory_space<vmem>>, vector<1x16xf32>,
      %swap3A_124 = vector.shape_cast %swap3A_123 : vector<1x16xf32> to vector<16xf32>
      %swap3A_125 = vector.shape_cast %broadcast_in_dim3A_23 : vector<16xf32> to vector<1x16xf32>
      tpu.vector_store %arg6[%swap3A_121, %swap3A_122], %swap3A_125 {strides = array<i32>} : memref<128x128xf32, #tpu.memory_space<vmem>>, vector<1x16xf32>,
    }
    %scan3A_28 = arith.constant 128 : i32
    %mul3A_29 = arith.constant 640 : i32
    %mul3A_30 = arith.muli %arg1, %mul3A_29 : i32
    %add3A_31 = arith.constant 0 : i32
    %add3A_32 = arith.addi %mul3A_30, %add3A_31 : i32
    "tpu.region"() ({
      %run_scoped3A = tpu.sem_alloc : memref<!tpu.dma_semaphore, #tpu.memory_space<semaphore_mem>>
      %dma_start3A_86 = arith.constant 0 : i32
      %dma_start3A_87 = tpu.memref_slice %arg9[%add3A_32, %dma_start3A_86] : memref<10240x128xf32, #tpu.memory_space<vmem_shared>> -> memref<128x128xf32, #tpu.memory_space<vmem_shared>>
      %dma_start3A_88 = arith.constant 0 : i32
      %dma_start3A_89 = tpu.memref_slice %arg9[%add3A_32, %dma_start3A_88] : memref<10240x128xf32, #tpu.memory_space<vmem_shared>> -> memref<128x128xf32, #tpu.memory_space<vmem_shared>>
      tpu.enqueue_dma source(%arg6 : memref<128x128xf32, #tpu.memory_space<vmem>>) target(%dma_start3A_89 : memref<128x128xf32, #tpu.memory_space<vmem_shared>>) target_semaphore(%run_scoped3A : memref<!tpu.dma_semaphore, #tpu.memory_space<semaphore_mem>>)
      %dma_wait3A = arith.constant 0 : i32
      %dma_wait3A_90 = tpu.memref_slice %arg9[%add3A_32, %dma_wait3A] : memref<10240x128xf32, #tpu.memory_space<vmem_shared>> -> memref<128x128xf32, #tpu.memory_space<vmem_shared>>
      %dma_wait3A_91 = arith.constant 0 : i32
      %dma_wait3A_92 = tpu.memref_slice %arg9[%add3A_32, %dma_wait3A_91] : memref<10240x128xf32, #tpu.memory_space<vmem_shared>> -> memref<128x128xf32, #tpu.memory_space<vmem_shared>>
      tpu.wait_dma2 semaphore(%run_scoped3A : memref<!tpu.dma_semaphore, #tpu.memory_space<semaphore_mem>>) src(%arg6 : memref<128x128xf32, #tpu.memory_space<vmem>>) dst(%dma_wait3A_92 : memref<128x128xf32, #tpu.memory_space<vmem_shared>>)
      tpu.yield
    }) : () -> ()
    %mul3A_33 = arith.constant 640 : i32
    %mul3A_34 = arith.muli %arg1, %mul3A_33 : i32
    %add3A_35 = arith.constant 128 : i32
    %add3A_36 = arith.addi %mul3A_34, %add3A_35 : i32
    "tpu.region"() ({
      %run_scoped3A = tpu.sem_alloc : memref<!tpu.dma_semaphore, #tpu.memory_space<semaphore_mem>>
      %dma_start3A_86 = arith.constant 0 : i32
      %dma_start3A_87 = tpu.memref_slice %arg9[%add3A_36, %dma_start3A_86] : memref<10240x128xf32, #tpu.memory_space<vmem_shared>> -> memref<128x128xf32, #tpu.memory_space<vmem_shared>>
      %dma_start3A_88 = arith.constant 0 : i32
      %dma_start3A_89 = tpu.memref_slice %arg9[%add3A_36, %dma_start3A_88] : memref<10240x128xf32, #tpu.memory_space<vmem_shared>> -> memref<128x128xf32, #tpu.memory_space<vmem_shared>>
      tpu.enqueue_dma source(%arg6 : memref<128x128xf32, #tpu.memory_space<vmem>>) target(%dma_start3A_89 : memref<128x128xf32, #tpu.memory_space<vmem_shared>>) target_semaphore(%run_scoped3A : memref<!tpu.dma_semaphore, #tpu.memory_space<semaphore_mem>>)
      %dma_wait3A = arith.constant 0 : i32
      %dma_wait3A_90 = tpu.memref_slice %arg9[%add3A_36, %dma_wait3A] : memref<10240x128xf32, #tpu.memory_space<vmem_shared>> -> memref<128x128xf32, #tpu.memory_space<vmem_shared>>
      %dma_wait3A_91 = arith.constant 0 : i32
      %dma_wait3A_92 = tpu.memref_slice %arg9[%add3A_36, %dma_wait3A_91] : memref<10240x128xf32, #tpu.memory_space<vmem_shared>> -> memref<128x128xf32, #tpu.memory_space<vmem_shared>>
      tpu.wait_dma2 semaphore(%run_scoped3A : memref<!tpu.dma_semaphore, #tpu.memory_space<semaphore_mem>>) src(%arg6 : memref<128x128xf32, #tpu.memory_space<vmem>>) dst(%dma_wait3A_92 : memref<128x128xf32, #tpu.memory_space<vmem_shared>>)
      tpu.yield
    }) : () -> ()
    %mul3A_37 = arith.constant 640 : i32
    %mul3A_38 = arith.muli %arg1, %mul3A_37 : i32
    %add3A_39 = arith.constant 256 : i32
    %add3A_40 = arith.addi %mul3A_38, %add3A_39 : i32
    "tpu.region"() ({
      %run_scoped3A = tpu.sem_alloc : memref<!tpu.dma_semaphore, #tpu.memory_space<semaphore_mem>>
      %dma_start3A_86 = arith.constant 0 : i32
      %dma_start3A_87 = tpu.memref_slice %arg9[%add3A_40, %dma_start3A_86] : memref<10240x128xf32, #tpu.memory_space<vmem_shared>> -> memref<128x128xf32, #tpu.memory_space<vmem_shared>>
      %dma_start3A_88 = arith.constant 0 : i32
      %dma_start3A_89 = tpu.memref_slice %arg9[%add3A_40, %dma_start3A_88] : memref<10240x128xf32, #tpu.memory_space<vmem_shared>> -> memref<128x128xf32, #tpu.memory_space<vmem_shared>>
      tpu.enqueue_dma source(%arg6 : memref<128x128xf32, #tpu.memory_space<vmem>>) target(%dma_start3A_89 : memref<128x128xf32, #tpu.memory_space<vmem_shared>>) target_semaphore(%run_scoped3A : memref<!tpu.dma_semaphore, #tpu.memory_space<semaphore_mem>>)
      %dma_wait3A = arith.constant 0 : i32
      %dma_wait3A_90 = tpu.memref_slice %arg9[%add3A_40, %dma_wait3A] : memref<10240x128xf32, #tpu.memory_space<vmem_shared>> -> memref<128x128xf32, #tpu.memory_space<vmem_shared>>
      %dma_wait3A_91 = arith.constant 0 : i32
      %dma_wait3A_92 = tpu.memref_slice %arg9[%add3A_40, %dma_wait3A_91] : memref<10240x128xf32, #tpu.memory_space<vmem_shared>> -> memref<128x128xf32, #tpu.memory_space<vmem_shared>>
      tpu.wait_dma2 semaphore(%run_scoped3A : memref<!tpu.dma_semaphore, #tpu.memory_space<semaphore_mem>>) src(%arg6 : memref<128x128xf32, #tpu.memory_space<vmem>>) dst(%dma_wait3A_92 : memref<128x128xf32, #tpu.memory_space<vmem_shared>>)
      tpu.yield
    }) : () -> ()
    %mul3A_41 = arith.constant 640 : i32
    %mul3A_42 = arith.muli %arg1, %mul3A_41 : i32
    %add3A_43 = arith.constant 384 : i32
    %add3A_44 = arith.addi %mul3A_42, %add3A_43 : i32
    "tpu.region"() ({
      %run_scoped3A = tpu.sem_alloc : memref<!tpu.dma_semaphore, #tpu.memory_space<semaphore_mem>>
      %dma_start3A_86 = arith.constant 0 : i32
      %dma_start3A_87 = tpu.memref_slice %arg9[%add3A_44, %dma_start3A_86] : memref<10240x128xf32, #tpu.memory_space<vmem_shared>> -> memref<128x128xf32, #tpu.memory_space<vmem_shared>>
      %dma_start3A_88 = arith.constant 0 : i32
      %dma_start3A_89 = tpu.memref_slice %arg9[%add3A_44, %dma_start3A_88] : memref<10240x128xf32, #tpu.memory_space<vmem_shared>> -> memref<128x128xf32, #tpu.memory_space<vmem_shared>>
      tpu.enqueue_dma source(%arg6 : memref<128x128xf32, #tpu.memory_space<vmem>>) target(%dma_start3A_89 : memref<128x128xf32, #tpu.memory_space<vmem_shared>>) target_semaphore(%run_scoped3A : memref<!tpu.dma_semaphore, #tpu.memory_space<semaphore_mem>>)
      %dma_wait3A = arith.constant 0 : i32
      %dma_wait3A_90 = tpu.memref_slice %arg9[%add3A_44, %dma_wait3A] : memref<10240x128xf32, #tpu.memory_space<vmem_shared>> -> memref<128x128xf32, #tpu.memory_space<vmem_shared>>
      %dma_wait3A_91 = arith.constant 0 : i32
      %dma_wait3A_92 = tpu.memref_slice %arg9[%add3A_44, %dma_wait3A_91] : memref<10240x128xf32, #tpu.memory_space<vmem_shared>> -> memref<128x128xf32, #tpu.memory_space<vmem_shared>>
      tpu.wait_dma2 semaphore(%run_scoped3A : memref<!tpu.dma_semaphore, #tpu.memory_space<semaphore_mem>>) src(%arg6 : memref<128x128xf32, #tpu.memory_space<vmem>>) dst(%dma_wait3A_92 : memref<128x128xf32, #tpu.memory_space<vmem_shared>>)
      tpu.yield
    }) : () -> ()
    %mul3A_45 = arith.constant 640 : i32
    %mul3A_46 = arith.muli %arg1, %mul3A_45 : i32
    %add3A_47 = arith.constant 512 : i32
    %add3A_48 = arith.addi %mul3A_46, %add3A_47 : i32
    "tpu.region"() ({
      %run_scoped3A = tpu.sem_alloc : memref<!tpu.dma_semaphore, #tpu.memory_space<semaphore_mem>>
      %dma_start3A_86 = arith.constant 0 : i32
      %dma_start3A_87 = tpu.memref_slice %arg9[%add3A_48, %dma_start3A_86] : memref<10240x128xf32, #tpu.memory_space<vmem_shared>> -> memref<128x128xf32, #tpu.memory_space<vmem_shared>>
      %dma_start3A_88 = arith.constant 0 : i32
      %dma_start3A_89 = tpu.memref_slice %arg9[%add3A_48, %dma_start3A_88] : memref<10240x128xf32, #tpu.memory_space<vmem_shared>> -> memref<128x128xf32, #tpu.memory_space<vmem_shared>>
      tpu.enqueue_dma source(%arg6 : memref<128x128xf32, #tpu.memory_space<vmem>>) target(%dma_start3A_89 : memref<128x128xf32, #tpu.memory_space<vmem_shared>>) target_semaphore(%run_scoped3A : memref<!tpu.dma_semaphore, #tpu.memory_space<semaphore_mem>>)
      %dma_wait3A = arith.constant 0 : i32
      %dma_wait3A_90 = tpu.memref_slice %arg9[%add3A_48, %dma_wait3A] : memref<10240x128xf32, #tpu.memory_space<vmem_shared>> -> memref<128x128xf32, #tpu.memory_space<vmem_shared>>
      %dma_wait3A_91 = arith.constant 0 : i32
      %dma_wait3A_92 = tpu.memref_slice %arg9[%add3A_48, %dma_wait3A_91] : memref<10240x128xf32, #tpu.memory_space<vmem_shared>> -> memref<128x128xf32, #tpu.memory_space<vmem_shared>>
      tpu.wait_dma2 semaphore(%run_scoped3A : memref<!tpu.dma_semaphore, #tpu.memory_space<semaphore_mem>>) src(%arg6 : memref<128x128xf32, #tpu.memory_space<vmem>>) dst(%dma_wait3A_92 : memref<128x128xf32, #tpu.memory_space<vmem_shared>>)
      tpu.yield
    }) : () -> ()
    %lt3A = arith.constant 31 : i32
    %lt3A_49 = arith.cmpi slt, %add3A, %lt3A : i32
    %convert_element_type3A = arith.extui %lt3A_49 : i1 to i32
    %cond3A = arith.constant 0 : i32
    %cond3A_50 = arith.cmpi ne, %convert_element_type3A, %cond3A : i32
    scf.if %cond3A_50 {
      %run_scoped3A = arith.constant 0 : i32
      "tpu.region"() ({
        %run_scoped3A_86 = tpu.sem_alloc : memref<!tpu.dma_semaphore, #tpu.memory_space<semaphore_mem>>
        %dma_start3A_87 = tpu.memref_slice %arg3[%run_scoped3A, %mul3A_2] : memref<2x320000xi32, #tpu.memory_space<hbm>> -> memref<1x10240xi32, #tpu.memory_space<hbm>>
        %dma_start3A_88 = tpu.memref_squeeze %dma_start3A_87 : memref<1x10240xi32, #tpu.memory_space<hbm>> -> memref<10240xi32, #tpu.memory_space<hbm>>
        %dma_start3A_89 = tpu.memref_slice %arg3[%run_scoped3A, %mul3A_2] : memref<2x320000xi32, #tpu.memory_space<hbm>> -> memref<1x10240xi32, #tpu.memory_space<hbm>>
        %dma_start3A_90 = tpu.memref_squeeze %dma_start3A_89 : memref<1x10240xi32, #tpu.memory_space<hbm>> -> memref<10240xi32, #tpu.memory_space<hbm>>
        tpu.enqueue_dma source(%dma_start3A_90 : memref<10240xi32, #tpu.memory_space<hbm>>) target(%arg5 : memref<10240xi32, #tpu.memory_space<vmem>>) target_semaphore(%run_scoped3A_86 : memref<!tpu.dma_semaphore, #tpu.memory_space<semaphore_mem>>)
        %dma_wait3A = tpu.memref_slice %arg3[%run_scoped3A, %mul3A_2] : memref<2x320000xi32, #tpu.memory_space<hbm>> -> memref<1x10240xi32, #tpu.memory_space<hbm>>
        %dma_wait3A_91 = tpu.memref_squeeze %dma_wait3A : memref<1x10240xi32, #tpu.memory_space<hbm>> -> memref<10240xi32, #tpu.memory_space<hbm>>
        %dma_wait3A_92 = tpu.memref_slice %arg3[%run_scoped3A, %mul3A_2] : memref<2x320000xi32, #tpu.memory_space<hbm>> -> memref<1x10240xi32, #tpu.memory_space<hbm>>
        %dma_wait3A_93 = tpu.memref_squeeze %dma_wait3A_92 : memref<1x10240xi32, #tpu.memory_space<hbm>> -> memref<10240xi32, #tpu.memory_space<hbm>>
        tpu.wait_dma2 semaphore(%run_scoped3A_86 : memref<!tpu.dma_semaphore, #tpu.memory_space<semaphore_mem>>) src(%dma_wait3A_93 : memref<10240xi32, #tpu.memory_space<hbm>>) dst(%arg5 : memref<10240xi32, #tpu.memory_space<vmem>>)
        tpu.yield
      }) : () -> ()
    } else {
    }
    %eq3A_51 = arith.constant 31 : i32
    %eq3A_52 = arith.cmpi eq, %add3A, %eq3A_51 : i32
    %convert_element_type3A_53 = arith.extui %eq3A_52 : i1 to i32
    %cond3A_54 = arith.constant 0 : i32
    %cond3A_55 = arith.cmpi ne, %convert_element_type3A_53, %cond3A_54 : i32
    scf.if %cond3A_55 {
      %run_scoped3A = arith.constant 0 : i32
      "tpu.region"() ({
        %run_scoped3A_86 = tpu.sem_alloc : memref<!tpu.dma_semaphore, #tpu.memory_space<semaphore_mem>>
        %dma_start3A_87 = arith.constant 0 : i32
        %dma_start3A_88 = tpu.memref_slice %arg5[%dma_start3A_87] : memref<10240xi32, #tpu.memory_space<vmem>> -> memref<2560xi32, #tpu.memory_space<vmem>>
        %dma_start3A_89 = arith.constant 317440 : i32
        %dma_start3A_90 = tpu.memref_slice %arg3[%run_scoped3A, %dma_start3A_89] : memref<2x320000xi32, #tpu.memory_space<hbm>> -> memref<1x2560xi32, #tpu.memory_space<hbm>>
        %dma_start3A_91 = tpu.memref_squeeze %dma_start3A_90 : memref<1x2560xi32, #tpu.memory_space<hbm>> -> memref<2560xi32, #tpu.memory_space<hbm>>
        %dma_start3A_92 = arith.constant 0 : i32
        %dma_start3A_93 = tpu.memref_slice %arg5[%dma_start3A_92] : memref<10240xi32, #tpu.memory_space<vmem>> -> memref<2560xi32, #tpu.memory_space<vmem>>
        %dma_start3A_94 = arith.constant 317440 : i32
        %dma_start3A_95 = tpu.memref_slice %arg3[%run_scoped3A, %dma_start3A_94] : memref<2x320000xi32, #tpu.memory_space<hbm>> -> memref<1x2560xi32, #tpu.memory_space<hbm>>
        %dma_start3A_96 = tpu.memref_squeeze %dma_start3A_95 : memref<1x2560xi32, #tpu.memory_space<hbm>> -> memref<2560xi32, #tpu.memory_space<hbm>>
        tpu.enqueue_dma source(%dma_start3A_96 : memref<2560xi32, #tpu.memory_space<hbm>>) target(%dma_start3A_93 : memref<2560xi32, #tpu.memory_space<vmem>>) target_semaphore(%run_scoped3A_86 : memref<!tpu.dma_semaphore, #tpu.memory_space<semaphore_mem>>)
        %dma_wait3A = arith.constant 0 : i32
        %dma_wait3A_97 = tpu.memref_slice %arg5[%dma_wait3A] : memref<10240xi32, #tpu.memory_space<vmem>> -> memref<2560xi32, #tpu.memory_space<vmem>>
        %dma_wait3A_98 = arith.constant 317440 : i32
        %dma_wait3A_99 = tpu.memref_slice %arg3[%run_scoped3A, %dma_wait3A_98] : memref<2x320000xi32, #tpu.memory_space<hbm>> -> memref<1x2560xi32, #tpu.memory_space<hbm>>
        %dma_wait3A_100 = tpu.memref_squeeze %dma_wait3A_99 : memref<1x2560xi32, #tpu.memory_space<hbm>> -> memref<2560xi32, #tpu.memory_space<hbm>>
        %dma_wait3A_101 = arith.constant 0 : i32
        %dma_wait3A_102 = tpu.memref_slice %arg5[%dma_wait3A_101] : memref<10240xi32, #tpu.memory_space<vmem>> -> memref<2560xi32, #tpu.memory_space<vmem>>
        %dma_wait3A_103 = arith.constant 317440 : i32
        %dma_wait3A_104 = tpu.memref_slice %arg3[%run_scoped3A, %dma_wait3A_103] : memref<2x320000xi32, #tpu.memory_space<hbm>> -> memref<1x2560xi32, #tpu.memory_space<hbm>>
        %dma_wait3A_105 = tpu.memref_squeeze %dma_wait3A_104 : memref<1x2560xi32, #tpu.memory_space<hbm>> -> memref<2560xi32, #tpu.memory_space<hbm>>
        tpu.wait_dma2 semaphore(%run_scoped3A_86 : memref<!tpu.dma_semaphore, #tpu.memory_space<semaphore_mem>>) src(%dma_wait3A_105 : memref<2560xi32, #tpu.memory_space<hbm>>) dst(%dma_wait3A_102 : memref<2560xi32, #tpu.memory_space<vmem>>)
        tpu.yield
      }) : () -> ()
    } else {
    }
    %barrier3A = arith.constant 0 : index
    tpu.barrier barrier_id(%barrier3A)
    %dma_start3A = arith.constant 0 : i32
    %dma_start3A_56 = tpu.memref_slice %arg5[%dma_start3A] : memref<10240xi32, #tpu.memory_space<vmem>> -> memref<128xi32, #tpu.memory_space<vmem>>
    %dma_start3A_57 = arith.constant 0 : i32
    %dma_start3A_58 = arith.constant 0 : i32
    %dma_start3A_59 = tpu.memref_slice %arg2[%dma_start3A_57, %dma_start3A_58] : memref<10000x128xf32, #tpu.memory_space<hbm>> -> memref<10000x128xf32, #tpu.memory_space<hbm>>
    tpu.enqueue_indirect_dma source(%dma_start3A_59 : memref<10000x128xf32, #tpu.memory_space<hbm>>) target(%arg6 : memref<128x128xf32, #tpu.memory_space<vmem>>) offsets(%dma_start3A_56 : memref<128xi32, #tpu.memory_space<vmem>>) semaphore(%arg10 : memref<!tpu.dma_semaphore, #tpu.memory_space<semaphore_mem>>)
    %dma_start3A_60 = arith.constant 1 : i32
    %dma_start3A_61 = arith.constant 0 : i32
    %dma_start3A_62 = arith.constant 0 : i32
    %dma_start3A_63 = tpu.memref_slice %arg8[%dma_start3A_61, %dma_start3A_62] : memref<2x128xi32, #tpu.memory_space<vmem>> -> memref<1x128xi32, #tpu.memory_space<vmem>>
    %dma_start3A_64 = tpu.memref_squeeze %dma_start3A_63 : memref<1x128xi32, #tpu.memory_space<vmem>> -> memref<128xi32, #tpu.memory_space<vmem>>
    %dma_start3A_65 = tpu.memref_slice %arg3[%dma_start3A_60, %mul3A_2] : memref<2x320000xi32, #tpu.memory_space<hbm>> -> memref<1x128xi32, #tpu.memory_space<hbm>>
    %dma_start3A_66 = tpu.memref_squeeze %dma_start3A_65 : memref<1x128xi32, #tpu.memory_space<hbm>> -> memref<128xi32, #tpu.memory_space<hbm>>
    %dma_start3A_67 = arith.constant 0 : i32
    %dma_start3A_68 = tpu.memref_slice %arg8[%dma_start3A_61, %dma_start3A_67] : memref<2x128xi32, #tpu.memory_space<vmem>> -> memref<1x128xi32, #tpu.memory_space<vmem>>
    %dma_start3A_69 = tpu.memref_squeeze %dma_start3A_68 : memref<1x128xi32, #tpu.memory_space<vmem>> -> memref<128xi32, #tpu.memory_space<vmem>>
    %dma_start3A_70 = tpu.memref_slice %arg3[%dma_start3A_60, %mul3A_2] : memref<2x320000xi32, #tpu.memory_space<hbm>> -> memref<1x128xi32, #tpu.memory_space<hbm>>
    %dma_start3A_71 = tpu.memref_squeeze %dma_start3A_70 : memref<1x128xi32, #tpu.memory_space<hbm>> -> memref<128xi32, #tpu.memory_space<hbm>>
    tpu.enqueue_dma source(%dma_start3A_71 : memref<128xi32, #tpu.memory_space<hbm>>) target(%dma_start3A_69 : memref<128xi32, #tpu.memory_space<vmem>>) target_semaphore(%arg12 : memref<!tpu.dma_semaphore, #tpu.memory_space<semaphore_mem>>)
    %while3A = arith.constant 0 : i32
    %while3A_72 = arith.constant 0 : i32
    %while3A_73 = arith.subi %select_n3A_22, %while3A_72 : i32
    %while3A_74 = arith.addi %while3A_72, %while3A_73 : i32
    %while3A_75 = arith.constant 1 : i32
    %while3A_76 = arith.divsi %while3A_73, %while3A_75 : i32
    %while3A_77 = arith.muli %while3A_76, %while3A_75 : i32
    %while3A_78 = arith.addi %while3A_72, %while3A_77 : i32
    %while3A_79 = arith.constant 1 : i32
    scf.for %while3A_86 = %while3A_72 to %while3A_78 step %while3A_79  : i32 {
      %mul3A_87 = arith.constant 2 : i32
      %mul3A_88 = arith.muli %mul3A_87, %while3A_86 : i32
      %mul3A_89 = arith.constant 2 : i32
      %mul3A_90 = arith.muli %mul3A_89, %while3A_86 : i32
      %add3A_91 = arith.constant 1 : i32
      %add3A_92 = arith.addi %mul3A_90, %add3A_91 : i32
      %mul3A_93 = arith.constant 128 : i32
      %mul3A_94 = arith.muli %add3A_92, %mul3A_93 : i32
      %dma_start3A_95 = tpu.memref_slice %arg5[%mul3A_94] : memref<10240xi32, #tpu.memory_space<vmem>> -> memref<128xi32, #tpu.memory_space<vmem>>
      %dma_start3A_96 = arith.constant 0 : i32
      %dma_start3A_97 = arith.constant 0 : i32
      %dma_start3A_98 = tpu.memref_slice %arg2[%dma_start3A_96, %dma_start3A_97] : memref<10000x128xf32, #tpu.memory_space<hbm>> -> memref<10000x128xf32, #tpu.memory_space<hbm>>
      tpu.enqueue_indirect_dma source(%dma_start3A_98 : memref<10000x128xf32, #tpu.memory_space<hbm>>) target(%arg7 : memref<128x128xf32, #tpu.memory_space<vmem>>) offsets(%dma_start3A_95 : memref<128xi32, #tpu.memory_space<vmem>>) semaphore(%arg11 : memref<!tpu.dma_semaphore, #tpu.memory_space<semaphore_mem>>)
      %mul3A_99 = arith.constant 128 : i32
      %mul3A_100 = arith.muli %add3A_92, %mul3A_99 : i32
      %add3A_101 = arith.addi %mul3A_2, %mul3A_100 : i32
      %dma_start3A_102 = arith.constant 1 : i32
      %dma_start3A_103 = arith.constant 1 : i32
      %dma_start3A_104 = arith.constant 0 : i32
      %dma_start3A_105 = tpu.memref_slice %arg8[%dma_start3A_103, %dma_start3A_104] : memref<2x128xi32, #tpu.memory_space<vmem>> -> memref<1x128xi32, #tpu.memory_space<vmem>>
      %dma_start3A_106 = tpu.memref_squeeze %dma_start3A_105 : memref<1x128xi32, #tpu.memory_space<vmem>> -> memref<128xi32, #tpu.memory_space<vmem>>
      %dma_start3A_107 = tpu.memref_slice %arg3[%dma_start3A_102, %add3A_101] : memref<2x320000xi32, #tpu.memory_space<hbm>> -> memref<1x128xi32, #tpu.memory_space<hbm>>
      %dma_start3A_108 = tpu.memref_squeeze %dma_start3A_107 : memref<1x128xi32, #tpu.memory_space<hbm>> -> memref<128xi32, #tpu.memory_space<hbm>>
      %dma_start3A_109 = arith.constant 0 : i32
      %dma_start3A_110 = tpu.memref_slice %arg8[%dma_start3A_103, %dma_start3A_109] : memref<2x128xi32, #tpu.memory_space<vmem>> -> memref<1x128xi32, #tpu.memory_space<vmem>>
      %dma_start3A_111 = tpu.memref_squeeze %dma_start3A_110 : memref<1x128xi32, #tpu.memory_space<vmem>> -> memref<128xi32, #tpu.memory_space<vmem>>
      %dma_start3A_112 = tpu.memref_slice %arg3[%dma_start3A_102, %add3A_101] : memref<2x320000xi32, #tpu.memory_space<hbm>> -> memref<1x128xi32, #tpu.memory_space<hbm>>
      %dma_start3A_113 = tpu.memref_squeeze %dma_start3A_112 : memref<1x128xi32, #tpu.memory_space<hbm>> -> memref<128xi32, #tpu.memory_space<hbm>>
      tpu.enqueue_dma source(%dma_start3A_113 : memref<128xi32, #tpu.memory_space<hbm>>) target(%dma_start3A_111 : memref<128xi32, #tpu.memory_space<vmem>>) target_semaphore(%arg13 : memref<!tpu.dma_semaphore, #tpu.memory_space<semaphore_mem>>)
      %mul3A_114 = arith.constant 128 : i32
      %mul3A_115 = arith.muli %mul3A_88, %mul3A_114 : i32
      %dma_wait3A = tpu.memref_slice %arg5[%mul3A_115] : memref<10240xi32, #tpu.memory_space<vmem>> -> memref<128xi32, #tpu.memory_space<vmem>>
      %dma_wait3A_116 = arith.constant 0 : i32
      %dma_wait3A_117 = arith.constant 0 : i32
      %dma_wait3A_118 = tpu.memref_slice %arg2[%dma_wait3A_116, %dma_wait3A_117] : memref<10000x128xf32, #tpu.memory_space<hbm>> -> memref<10000x128xf32, #tpu.memory_space<hbm>>
      tpu.wait_indirect_dma semaphore(%arg10 : memref<!tpu.dma_semaphore, #tpu.memory_space<semaphore_mem>>) src(%dma_wait3A_118 : memref<10000x128xf32, #tpu.memory_space<hbm>>) dst(%arg6 : memref<128x128xf32, #tpu.memory_space<vmem>>)
      %mul3A_119 = arith.constant 128 : i32
      %mul3A_120 = arith.muli %mul3A_88, %mul3A_119 : i32
      %add3A_121 = arith.addi %mul3A_2, %mul3A_120 : i32
      %dma_wait3A_122 = arith.constant 1 : i32
      %dma_wait3A_123 = arith.constant 0 : i32
      %dma_wait3A_124 = arith.constant 0 : i32
      %dma_wait3A_125 = tpu.memref_slice %arg8[%dma_wait3A_123, %dma_wait3A_124] : memref<2x128xi32, #tpu.memory_space<vmem>> -> memref<1x128xi32, #tpu.memory_space<vmem>>
      %dma_wait3A_126 = tpu.memref_squeeze %dma_wait3A_125 : memref<1x128xi32, #tpu.memory_space<vmem>> -> memref<128xi32, #tpu.memory_space<vmem>>
      %dma_wait3A_127 = tpu.memref_slice %arg3[%dma_wait3A_122, %add3A_121] : memref<2x320000xi32, #tpu.memory_space<hbm>> -> memref<1x128xi32, #tpu.memory_space<hbm>>
      %dma_wait3A_128 = tpu.memref_squeeze %dma_wait3A_127 : memref<1x128xi32, #tpu.memory_space<hbm>> -> memref<128xi32, #tpu.memory_space<hbm>>
      %dma_wait3A_129 = arith.constant 0 : i32
      %dma_wait3A_130 = tpu.memref_slice %arg8[%dma_wait3A_123, %dma_wait3A_129] : memref<2x128xi32, #tpu.memory_space<vmem>> -> memref<1x128xi32, #tpu.memory_space<vmem>>
      %dma_wait3A_131 = tpu.memref_squeeze %dma_wait3A_130 : memref<1x128xi32, #tpu.memory_space<vmem>> -> memref<128xi32, #tpu.memory_space<vmem>>
      %dma_wait3A_132 = tpu.memref_slice %arg3[%dma_wait3A_122, %add3A_121] : memref<2x320000xi32, #tpu.memory_space<hbm>> -> memref<1x128xi32, #tpu.memory_space<hbm>>
      %dma_wait3A_133 = tpu.memref_squeeze %dma_wait3A_132 : memref<1x128xi32, #tpu.memory_space<hbm>> -> memref<128xi32, #tpu.memory_space<hbm>>
      tpu.wait_dma2 semaphore(%arg12 : memref<!tpu.dma_semaphore, #tpu.memory_space<semaphore_mem>>) src(%dma_wait3A_133 : memref<128xi32, #tpu.memory_space<hbm>>) dst(%dma_wait3A_131 : memref<128xi32, #tpu.memory_space<vmem>>)
      %run_scoped3A = arith.constant 0 : i32
      "tpu.region"() ({
        %run_scoped3A_162 = tpu.sem_alloc : memref<!tpu.dma_semaphore, #tpu.memory_space<semaphore_mem>>
        %dma_start3A_163 = arith.constant 0 : i32
        %dma_start3A_164 = tpu.memref_slice %arg8[%run_scoped3A, %dma_start3A_163] : memref<2x128xi32, #tpu.memory_space<vmem>> -> memref<1x128xi32, #tpu.memory_space<vmem>>
        %dma_start3A_165 = tpu.memref_squeeze %dma_start3A_164 : memref<1x128xi32, #tpu.memory_space<vmem>> -> memref<128xi32, #tpu.memory_space<vmem>>
        %dma_start3A_166 = arith.constant 0 : i32
        %dma_start3A_167 = arith.constant 0 : i32
        %dma_start3A_168 = tpu.memref_slice %arg9[%dma_start3A_166, %dma_start3A_167] : memref<10240x128xf32, #tpu.memory_space<vmem_shared>> -> memref<10240x128xf32, #tpu.memory_space<vmem_shared>>
        tpu.enqueue_indirect_dma source(%arg6 : memref<128x128xf32, #tpu.memory_space<vmem>>) target(%dma_start3A_168 : memref<10240x128xf32, #tpu.memory_space<vmem_shared>>) offsets(%dma_start3A_165 : memref<128xi32, #tpu.memory_space<vmem>>) semaphore(%run_scoped3A_162 : memref<!tpu.dma_semaphore, #tpu.memory_space<semaphore_mem>>) {add = true}
        %dma_wait3A_169 = arith.constant 0 : i32
        %dma_wait3A_170 = tpu.memref_slice %arg8[%run_scoped3A, %dma_wait3A_169] : memref<2x128xi32, #tpu.memory_space<vmem>> -> memref<1x128xi32, #tpu.memory_space<vmem>>
        %dma_wait3A_171 = tpu.memref_squeeze %dma_wait3A_170 : memref<1x128xi32, #tpu.memory_space<vmem>> -> memref<128xi32, #tpu.memory_space<vmem>>
        %dma_wait3A_172 = arith.constant 0 : i32
        %dma_wait3A_173 = arith.constant 0 : i32
        %dma_wait3A_174 = tpu.memref_slice %arg9[%dma_wait3A_172, %dma_wait3A_173] : memref<10240x128xf32, #tpu.memory_space<vmem_shared>> -> memref<10240x128xf32, #tpu.memory_space<vmem_shared>>
        tpu.wait_indirect_dma semaphore(%run_scoped3A_162 : memref<!tpu.dma_semaphore, #tpu.memory_space<semaphore_mem>>) src(%arg6 : memref<128x128xf32, #tpu.memory_space<vmem>>) dst(%dma_wait3A_174 : memref<10240x128xf32, #tpu.memory_space<vmem_shared>>)
        tpu.yield
      }) : () -> ()
      %add3A_134 = arith.constant 1 : i32
      %add3A_135 = arith.addi %while3A_86, %add3A_134 : i32
      %lt3A_136 = arith.cmpi slt, %add3A_135, %select_n3A_22 : i32
      %convert_element_type3A_137 = arith.extui %lt3A_136 : i1 to i32
      %cond3A_138 = arith.constant 0 : i32
      %cond3A_139 = arith.cmpi ne, %convert_element_type3A_137, %cond3A_138 : i32
      scf.if %cond3A_139 {
        %add3A_162 = arith.constant 2 : i32
        %add3A_163 = arith.addi %mul3A_88, %add3A_162 : i32
        %mul3A_164 = arith.constant 128 : i32
        %mul3A_165 = arith.muli %add3A_163, %mul3A_164 : i32
        %dma_start3A_166 = tpu.memref_slice %arg5[%mul3A_165] : memref<10240xi32, #tpu.memory_space<vmem>> -> memref<128xi32, #tpu.memory_space<vmem>>
        %dma_start3A_167 = arith.constant 0 : i32
        %dma_start3A_168 = arith.constant 0 : i32
        %dma_start3A_169 = tpu.memref_slice %arg2[%dma_start3A_167, %dma_start3A_168] : memref<10000x128xf32, #tpu.memory_space<hbm>> -> memref<10000x128xf32, #tpu.memory_space<hbm>>
        tpu.enqueue_indirect_dma source(%dma_start3A_169 : memref<10000x128xf32, #tpu.memory_space<hbm>>) target(%arg6 : memref<128x128xf32, #tpu.memory_space<vmem>>) offsets(%dma_start3A_166 : memref<128xi32, #tpu.memory_space<vmem>>) semaphore(%arg10 : memref<!tpu.dma_semaphore, #tpu.memory_space<semaphore_mem>>)
        %add3A_170 = arith.constant 2 : i32
        %add3A_171 = arith.addi %mul3A_88, %add3A_170 : i32
        %mul3A_172 = arith.constant 128 : i32
        %mul3A_173 = arith.muli %add3A_171, %mul3A_172 : i32
        %add3A_174 = arith.addi %mul3A_2, %mul3A_173 : i32
        %dma_start3A_175 = arith.constant 1 : i32
        %dma_start3A_176 = arith.constant 0 : i32
        %dma_start3A_177 = arith.constant 0 : i32
        %dma_start3A_178 = tpu.memref_slice %arg8[%dma_start3A_176, %dma_start3A_177] : memref<2x128xi32, #tpu.memory_space<vmem>> -> memref<1x128xi32, #tpu.memory_space<vmem>>
        %dma_start3A_179 = tpu.memref_squeeze %dma_start3A_178 : memref<1x128xi32, #tpu.memory_space<vmem>> -> memref<128xi32, #tpu.memory_space<vmem>>
        %dma_start3A_180 = tpu.memref_slice %arg3[%dma_start3A_175, %add3A_174] : memref<2x320000xi32, #tpu.memory_space<hbm>> -> memref<1x128xi32, #tpu.memory_space<hbm>>
        %dma_start3A_181 = tpu.memref_squeeze %dma_start3A_180 : memref<1x128xi32, #tpu.memory_space<hbm>> -> memref<128xi32, #tpu.memory_space<hbm>>
        %dma_start3A_182 = arith.constant 0 : i32
        %dma_start3A_183 = tpu.memref_slice %arg8[%dma_start3A_176, %dma_start3A_182] : memref<2x128xi32, #tpu.memory_space<vmem>> -> memref<1x128xi32, #tpu.memory_space<vmem>>
        %dma_start3A_184 = tpu.memref_squeeze %dma_start3A_183 : memref<1x128xi32, #tpu.memory_space<vmem>> -> memref<128xi32, #tpu.memory_space<vmem>>
        %dma_start3A_185 = tpu.memref_slice %arg3[%dma_start3A_175, %add3A_174] : memref<2x320000xi32, #tpu.memory_space<hbm>> -> memref<1x128xi32, #tpu.memory_space<hbm>>
        %dma_start3A_186 = tpu.memref_squeeze %dma_start3A_185 : memref<1x128xi32, #tpu.memory_space<hbm>> -> memref<128xi32, #tpu.memory_space<hbm>>
        tpu.enqueue_dma source(%dma_start3A_186 : memref<128xi32, #tpu.memory_space<hbm>>) target(%dma_start3A_184 : memref<128xi32, #tpu.memory_space<vmem>>) target_semaphore(%arg12 : memref<!tpu.dma_semaphore, #tpu.memory_space<semaphore_mem>>)
      } else {
      }
      %mul3A_140 = arith.constant 128 : i32
      %mul3A_141 = arith.muli %add3A_92, %mul3A_140 : i32
      %dma_wait3A_142 = tpu.memref_slice %arg5[%mul3A_141] : memref<10240xi32, #tpu.memory_space<vmem>> -> memref<128xi32, #tpu.memory_space<vmem>>
      %dma_wait3A_143 = arith.constant 0 : i32
      %dma_wait3A_144 = arith.constant 0 : i32
      %dma_wait3A_145 = tpu.memref_slice %arg2[%dma_wait3A_143, %dma_wait3A_144] : memref<10000x128xf32, #tpu.memory_space<hbm>> -> memref<10000x128xf32, #tpu.memory_space<hbm>>
      tpu.wait_indirect_dma semaphore(%arg11 : memref<!tpu.dma_semaphore, #tpu.memory_space<semaphore_mem>>) src(%dma_wait3A_145 : memref<10000x128xf32, #tpu.memory_space<hbm>>) dst(%arg7 : memref<128x128xf32, #tpu.memory_space<vmem>>)
      %mul3A_146 = arith.constant 128 : i32
      %mul3A_147 = arith.muli %add3A_92, %mul3A_146 : i32
      %add3A_148 = arith.addi %mul3A_2, %mul3A_147 : i32
      %dma_wait3A_149 = arith.constant 1 : i32
      %dma_wait3A_150 = arith.constant 1 : i32
      %dma_wait3A_151 = arith.constant 0 : i32
      %dma_wait3A_152 = tpu.memref_slice %arg8[%dma_wait3A_150, %dma_wait3A_151] : memref<2x128xi32, #tpu.memory_space<vmem>> -> memref<1x128xi32, #tpu.memory_space<vmem>>
      %dma_wait3A_153 = tpu.memref_squeeze %dma_wait3A_152 : memref<1x128xi32, #tpu.memory_space<vmem>> -> memref<128xi32, #tpu.memory_space<vmem>>
      %dma_wait3A_154 = tpu.memref_slice %arg3[%dma_wait3A_149, %add3A_148] : memref<2x320000xi32, #tpu.memory_space<hbm>> -> memref<1x128xi32, #tpu.memory_space<hbm>>
      %dma_wait3A_155 = tpu.memref_squeeze %dma_wait3A_154 : memref<1x128xi32, #tpu.memory_space<hbm>> -> memref<128xi32, #tpu.memory_space<hbm>>
      %dma_wait3A_156 = arith.constant 0 : i32
      %dma_wait3A_157 = tpu.memref_slice %arg8[%dma_wait3A_150, %dma_wait3A_156] : memref<2x128xi32, #tpu.memory_space<vmem>> -> memref<1x128xi32, #tpu.memory_space<vmem>>
      %dma_wait3A_158 = tpu.memref_squeeze %dma_wait3A_157 : memref<1x128xi32, #tpu.memory_space<vmem>> -> memref<128xi32, #tpu.memory_space<vmem>>
      %dma_wait3A_159 = tpu.memref_slice %arg3[%dma_wait3A_149, %add3A_148] : memref<2x320000xi32, #tpu.memory_space<hbm>> -> memref<1x128xi32, #tpu.memory_space<hbm>>
      %dma_wait3A_160 = tpu.memref_squeeze %dma_wait3A_159 : memref<1x128xi32, #tpu.memory_space<hbm>> -> memref<128xi32, #tpu.memory_space<hbm>>
      tpu.wait_dma2 semaphore(%arg13 : memref<!tpu.dma_semaphore, #tpu.memory_space<semaphore_mem>>) src(%dma_wait3A_160 : memref<128xi32, #tpu.memory_space<hbm>>) dst(%dma_wait3A_158 : memref<128xi32, #tpu.memory_space<vmem>>)
      %run_scoped3A_161 = arith.constant 1 : i32
      "tpu.region"() ({
        %run_scoped3A_162 = tpu.sem_alloc : memref<!tpu.dma_semaphore, #tpu.memory_space<semaphore_mem>>
        %dma_start3A_163 = arith.constant 0 : i32
        %dma_start3A_164 = tpu.memref_slice %arg8[%run_scoped3A_161, %dma_start3A_163] : memref<2x128xi32, #tpu.memory_space<vmem>> -> memref<1x128xi32, #tpu.memory_space<vmem>>
        %dma_start3A_165 = tpu.memref_squeeze %dma_start3A_164 : memref<1x128xi32, #tpu.memory_space<vmem>> -> memref<128xi32, #tpu.memory_space<vmem>>
        %dma_start3A_166 = arith.constant 0 : i32
        %dma_start3A_167 = arith.constant 0 : i32
        %dma_start3A_168 = tpu.memref_slice %arg9[%dma_start3A_166, %dma_start3A_167] : memref<10240x128xf32, #tpu.memory_space<vmem_shared>> -> memref<10240x128xf32, #tpu.memory_space<vmem_shared>>
        tpu.enqueue_indirect_dma source(%arg7 : memref<128x128xf32, #tpu.memory_space<vmem>>) target(%dma_start3A_168 : memref<10240x128xf32, #tpu.memory_space<vmem_shared>>) offsets(%dma_start3A_165 : memref<128xi32, #tpu.memory_space<vmem>>) semaphore(%run_scoped3A_162 : memref<!tpu.dma_semaphore, #tpu.memory_space<semaphore_mem>>) {add = true}
        %dma_wait3A_169 = arith.constant 0 : i32
        %dma_wait3A_170 = tpu.memref_slice %arg8[%run_scoped3A_161, %dma_wait3A_169] : memref<2x128xi32, #tpu.memory_space<vmem>> -> memref<1x128xi32, #tpu.memory_space<vmem>>
        %dma_wait3A_171 = tpu.memref_squeeze %dma_wait3A_170 : memref<1x128xi32, #tpu.memory_space<vmem>> -> memref<128xi32, #tpu.memory_space<vmem>>
        %dma_wait3A_172 = arith.constant 0 : i32
        %dma_wait3A_173 = arith.constant 0 : i32
        %dma_wait3A_174 = tpu.memref_slice %arg9[%dma_wait3A_172, %dma_wait3A_173] : memref<10240x128xf32, #tpu.memory_space<vmem_shared>> -> memref<10240x128xf32, #tpu.memory_space<vmem_shared>>
        tpu.wait_indirect_dma semaphore(%run_scoped3A_162 : memref<!tpu.dma_semaphore, #tpu.memory_space<semaphore_mem>>) src(%arg7 : memref<128x128xf32, #tpu.memory_space<vmem>>) dst(%dma_wait3A_174 : memref<10240x128xf32, #tpu.memory_space<vmem_shared>>)
        tpu.yield
      }) : () -> ()
    }
    %while3A_80 = arith.constant 1 : i32
    scf.for %while3A_86 = %while3A_78 to %while3A_74 step %while3A_80  : i32 {
      %mul3A_87 = arith.constant 2 : i32
      %mul3A_88 = arith.muli %mul3A_87, %while3A_86 : i32
      %mul3A_89 = arith.constant 2 : i32
      %mul3A_90 = arith.muli %mul3A_89, %while3A_86 : i32
      %add3A_91 = arith.constant 1 : i32
      %add3A_92 = arith.addi %mul3A_90, %add3A_91 : i32
      %mul3A_93 = arith.constant 128 : i32
      %mul3A_94 = arith.muli %add3A_92, %mul3A_93 : i32
      %dma_start3A_95 = tpu.memref_slice %arg5[%mul3A_94] : memref<10240xi32, #tpu.memory_space<vmem>> -> memref<128xi32, #tpu.memory_space<vmem>>
      %dma_start3A_96 = arith.constant 0 : i32
      %dma_start3A_97 = arith.constant 0 : i32
      %dma_start3A_98 = tpu.memref_slice %arg2[%dma_start3A_96, %dma_start3A_97] : memref<10000x128xf32, #tpu.memory_space<hbm>> -> memref<10000x128xf32, #tpu.memory_space<hbm>>
      tpu.enqueue_indirect_dma source(%dma_start3A_98 : memref<10000x128xf32, #tpu.memory_space<hbm>>) target(%arg7 : memref<128x128xf32, #tpu.memory_space<vmem>>) offsets(%dma_start3A_95 : memref<128xi32, #tpu.memory_space<vmem>>) semaphore(%arg11 : memref<!tpu.dma_semaphore, #tpu.memory_space<semaphore_mem>>)
      %mul3A_99 = arith.constant 128 : i32
      %mul3A_100 = arith.muli %add3A_92, %mul3A_99 : i32
      %add3A_101 = arith.addi %mul3A_2, %mul3A_100 : i32
      %dma_start3A_102 = arith.constant 1 : i32
      %dma_start3A_103 = arith.constant 1 : i32
      %dma_start3A_104 = arith.constant 0 : i32
      %dma_start3A_105 = tpu.memref_slice %arg8[%dma_start3A_103, %dma_start3A_104] : memref<2x128xi32, #tpu.memory_space<vmem>> -> memref<1x128xi32, #tpu.memory_space<vmem>>
      %dma_start3A_106 = tpu.memref_squeeze %dma_start3A_105 : memref<1x128xi32, #tpu.memory_space<vmem>> -> memref<128xi32, #tpu.memory_space<vmem>>
      %dma_start3A_107 = tpu.memref_slice %arg3[%dma_start3A_102, %add3A_101] : memref<2x320000xi32, #tpu.memory_space<hbm>> -> memref<1x128xi32, #tpu.memory_space<hbm>>
      %dma_start3A_108 = tpu.memref_squeeze %dma_start3A_107 : memref<1x128xi32, #tpu.memory_space<hbm>> -> memref<128xi32, #tpu.memory_space<hbm>>
      %dma_start3A_109 = arith.constant 0 : i32
      %dma_start3A_110 = tpu.memref_slice %arg8[%dma_start3A_103, %dma_start3A_109] : memref<2x128xi32, #tpu.memory_space<vmem>> -> memref<1x128xi32, #tpu.memory_space<vmem>>
      %dma_start3A_111 = tpu.memref_squeeze %dma_start3A_110 : memref<1x128xi32, #tpu.memory_space<vmem>> -> memref<128xi32, #tpu.memory_space<vmem>>
      %dma_start3A_112 = tpu.memref_slice %arg3[%dma_start3A_102, %add3A_101] : memref<2x320000xi32, #tpu.memory_space<hbm>> -> memref<1x128xi32, #tpu.memory_space<hbm>>
      %dma_start3A_113 = tpu.memref_squeeze %dma_start3A_112 : memref<1x128xi32, #tpu.memory_space<hbm>> -> memref<128xi32, #tpu.memory_space<hbm>>
      tpu.enqueue_dma source(%dma_start3A_113 : memref<128xi32, #tpu.memory_space<hbm>>) target(%dma_start3A_111 : memref<128xi32, #tpu.memory_space<vmem>>) target_semaphore(%arg13 : memref<!tpu.dma_semaphore, #tpu.memory_space<semaphore_mem>>)
      %mul3A_114 = arith.constant 128 : i32
      %mul3A_115 = arith.muli %mul3A_88, %mul3A_114 : i32
      %dma_wait3A = tpu.memref_slice %arg5[%mul3A_115] : memref<10240xi32, #tpu.memory_space<vmem>> -> memref<128xi32, #tpu.memory_space<vmem>>
      %dma_wait3A_116 = arith.constant 0 : i32
      %dma_wait3A_117 = arith.constant 0 : i32
      %dma_wait3A_118 = tpu.memref_slice %arg2[%dma_wait3A_116, %dma_wait3A_117] : memref<10000x128xf32, #tpu.memory_space<hbm>> -> memref<10000x128xf32, #tpu.memory_space<hbm>>
      tpu.wait_indirect_dma semaphore(%arg10 : memref<!tpu.dma_semaphore, #tpu.memory_space<semaphore_mem>>) src(%dma_wait3A_118 : memref<10000x128xf32, #tpu.memory_space<hbm>>) dst(%arg6 : memref<128x128xf32, #tpu.memory_space<vmem>>)
      %mul3A_119 = arith.constant 128 : i32
      %mul3A_120 = arith.muli %mul3A_88, %mul3A_119 : i32
      %add3A_121 = arith.addi %mul3A_2, %mul3A_120 : i32
      %dma_wait3A_122 = arith.constant 1 : i32
      %dma_wait3A_123 = arith.constant 0 : i32
      %dma_wait3A_124 = arith.constant 0 : i32
      %dma_wait3A_125 = tpu.memref_slice %arg8[%dma_wait3A_123, %dma_wait3A_124] : memref<2x128xi32, #tpu.memory_space<vmem>> -> memref<1x128xi32, #tpu.memory_space<vmem>>
      %dma_wait3A_126 = tpu.memref_squeeze %dma_wait3A_125 : memref<1x128xi32, #tpu.memory_space<vmem>> -> memref<128xi32, #tpu.memory_space<vmem>>
      %dma_wait3A_127 = tpu.memref_slice %arg3[%dma_wait3A_122, %add3A_121] : memref<2x320000xi32, #tpu.memory_space<hbm>> -> memref<1x128xi32, #tpu.memory_space<hbm>>
      %dma_wait3A_128 = tpu.memref_squeeze %dma_wait3A_127 : memref<1x128xi32, #tpu.memory_space<hbm>> -> memref<128xi32, #tpu.memory_space<hbm>>
      %dma_wait3A_129 = arith.constant 0 : i32
      %dma_wait3A_130 = tpu.memref_slice %arg8[%dma_wait3A_123, %dma_wait3A_129] : memref<2x128xi32, #tpu.memory_space<vmem>> -> memref<1x128xi32, #tpu.memory_space<vmem>>
      %dma_wait3A_131 = tpu.memref_squeeze %dma_wait3A_130 : memref<1x128xi32, #tpu.memory_space<vmem>> -> memref<128xi32, #tpu.memory_space<vmem>>
      %dma_wait3A_132 = tpu.memref_slice %arg3[%dma_wait3A_122, %add3A_121] : memref<2x320000xi32, #tpu.memory_space<hbm>> -> memref<1x128xi32, #tpu.memory_space<hbm>>
      %dma_wait3A_133 = tpu.memref_squeeze %dma_wait3A_132 : memref<1x128xi32, #tpu.memory_space<hbm>> -> memref<128xi32, #tpu.memory_space<hbm>>
      tpu.wait_dma2 semaphore(%arg12 : memref<!tpu.dma_semaphore, #tpu.memory_space<semaphore_mem>>) src(%dma_wait3A_133 : memref<128xi32, #tpu.memory_space<hbm>>) dst(%dma_wait3A_131 : memref<128xi32, #tpu.memory_space<vmem>>)
      %run_scoped3A = arith.constant 0 : i32
      "tpu.region"() ({
        %run_scoped3A_162 = tpu.sem_alloc : memref<!tpu.dma_semaphore, #tpu.memory_space<semaphore_mem>>
        %dma_start3A_163 = arith.constant 0 : i32
        %dma_start3A_164 = tpu.memref_slice %arg8[%run_scoped3A, %dma_start3A_163] : memref<2x128xi32, #tpu.memory_space<vmem>> -> memref<1x128xi32, #tpu.memory_space<vmem>>
        %dma_start3A_165 = tpu.memref_squeeze %dma_start3A_164 : memref<1x128xi32, #tpu.memory_space<vmem>> -> memref<128xi32, #tpu.memory_space<vmem>>
        %dma_start3A_166 = arith.constant 0 : i32
        %dma_start3A_167 = arith.constant 0 : i32
        %dma_start3A_168 = tpu.memref_slice %arg9[%dma_start3A_166, %dma_start3A_167] : memref<10240x128xf32, #tpu.memory_space<vmem_shared>> -> memref<10240x128xf32, #tpu.memory_space<vmem_shared>>
        tpu.enqueue_indirect_dma source(%arg6 : memref<128x128xf32, #tpu.memory_space<vmem>>) target(%dma_start3A_168 : memref<10240x128xf32, #tpu.memory_space<vmem_shared>>) offsets(%dma_start3A_165 : memref<128xi32, #tpu.memory_space<vmem>>) semaphore(%run_scoped3A_162 : memref<!tpu.dma_semaphore, #tpu.memory_space<semaphore_mem>>) {add = true}
        %dma_wait3A_169 = arith.constant 0 : i32
        %dma_wait3A_170 = tpu.memref_slice %arg8[%run_scoped3A, %dma_wait3A_169] : memref<2x128xi32, #tpu.memory_space<vmem>> -> memref<1x128xi32, #tpu.memory_space<vmem>>
        %dma_wait3A_171 = tpu.memref_squeeze %dma_wait3A_170 : memref<1x128xi32, #tpu.memory_space<vmem>> -> memref<128xi32, #tpu.memory_space<vmem>>
        %dma_wait3A_172 = arith.constant 0 : i32
        %dma_wait3A_173 = arith.constant 0 : i32
        %dma_wait3A_174 = tpu.memref_slice %arg9[%dma_wait3A_172, %dma_wait3A_173] : memref<10240x128xf32, #tpu.memory_space<vmem_shared>> -> memref<10240x128xf32, #tpu.memory_space<vmem_shared>>
        tpu.wait_indirect_dma semaphore(%run_scoped3A_162 : memref<!tpu.dma_semaphore, #tpu.memory_space<semaphore_mem>>) src(%arg6 : memref<128x128xf32, #tpu.memory_space<vmem>>) dst(%dma_wait3A_174 : memref<10240x128xf32, #tpu.memory_space<vmem_shared>>)
        tpu.yield
      }) : () -> ()
      %add3A_134 = arith.constant 1 : i32
      %add3A_135 = arith.addi %while3A_86, %add3A_134 : i32
      %lt3A_136 = arith.cmpi slt, %add3A_135, %select_n3A_22 : i32
      %convert_element_type3A_137 = arith.extui %lt3A_136 : i1 to i32
      %cond3A_138 = arith.constant 0 : i32
      %cond3A_139 = arith.cmpi ne, %convert_element_type3A_137, %cond3A_138 : i32
      scf.if %cond3A_139 {
        %add3A_162 = arith.constant 2 : i32
        %add3A_163 = arith.addi %mul3A_88, %add3A_162 : i32
        %mul3A_164 = arith.constant 128 : i32
        %mul3A_165 = arith.muli %add3A_163, %mul3A_164 : i32
        %dma_start3A_166 = tpu.memref_slice %arg5[%mul3A_165] : memref<10240xi32, #tpu.memory_space<vmem>> -> memref<128xi32, #tpu.memory_space<vmem>>
        %dma_start3A_167 = arith.constant 0 : i32
        %dma_start3A_168 = arith.constant 0 : i32
        %dma_start3A_169 = tpu.memref_slice %arg2[%dma_start3A_167, %dma_start3A_168] : memref<10000x128xf32, #tpu.memory_space<hbm>> -> memref<10000x128xf32, #tpu.memory_space<hbm>>
        tpu.enqueue_indirect_dma source(%dma_start3A_169 : memref<10000x128xf32, #tpu.memory_space<hbm>>) target(%arg6 : memref<128x128xf32, #tpu.memory_space<vmem>>) offsets(%dma_start3A_166 : memref<128xi32, #tpu.memory_space<vmem>>) semaphore(%arg10 : memref<!tpu.dma_semaphore, #tpu.memory_space<semaphore_mem>>)
        %add3A_170 = arith.constant 2 : i32
        %add3A_171 = arith.addi %mul3A_88, %add3A_170 : i32
        %mul3A_172 = arith.constant 128 : i32
        %mul3A_173 = arith.muli %add3A_171, %mul3A_172 : i32
        %add3A_174 = arith.addi %mul3A_2, %mul3A_173 : i32
        %dma_start3A_175 = arith.constant 1 : i32
        %dma_start3A_176 = arith.constant 0 : i32
        %dma_start3A_177 = arith.constant 0 : i32
        %dma_start3A_178 = tpu.memref_slice %arg8[%dma_start3A_176, %dma_start3A_177] : memref<2x128xi32, #tpu.memory_space<vmem>> -> memref<1x128xi32, #tpu.memory_space<vmem>>
        %dma_start3A_179 = tpu.memref_squeeze %dma_start3A_178 : memref<1x128xi32, #tpu.memory_space<vmem>> -> memref<128xi32, #tpu.memory_space<vmem>>
        %dma_start3A_180 = tpu.memref_slice %arg3[%dma_start3A_175, %add3A_174] : memref<2x320000xi32, #tpu.memory_space<hbm>> -> memref<1x128xi32, #tpu.memory_space<hbm>>
        %dma_start3A_181 = tpu.memref_squeeze %dma_start3A_180 : memref<1x128xi32, #tpu.memory_space<hbm>> -> memref<128xi32, #tpu.memory_space<hbm>>
        %dma_start3A_182 = arith.constant 0 : i32
        %dma_start3A_183 = tpu.memref_slice %arg8[%dma_start3A_176, %dma_start3A_182] : memref<2x128xi32, #tpu.memory_space<vmem>> -> memref<1x128xi32, #tpu.memory_space<vmem>>
        %dma_start3A_184 = tpu.memref_squeeze %dma_start3A_183 : memref<1x128xi32, #tpu.memory_space<vmem>> -> memref<128xi32, #tpu.memory_space<vmem>>
        %dma_start3A_185 = tpu.memref_slice %arg3[%dma_start3A_175, %add3A_174] : memref<2x320000xi32, #tpu.memory_space<hbm>> -> memref<1x128xi32, #tpu.memory_space<hbm>>
        %dma_start3A_186 = tpu.memref_squeeze %dma_start3A_185 : memref<1x128xi32, #tpu.memory_space<hbm>> -> memref<128xi32, #tpu.memory_space<hbm>>
        tpu.enqueue_dma source(%dma_start3A_186 : memref<128xi32, #tpu.memory_space<hbm>>) target(%dma_start3A_184 : memref<128xi32, #tpu.memory_space<vmem>>) target_semaphore(%arg12 : memref<!tpu.dma_semaphore, #tpu.memory_space<semaphore_mem>>)
      } else {
      }
      %mul3A_140 = arith.constant 128 : i32
      %mul3A_141 = arith.muli %add3A_92, %mul3A_140 : i32
      %dma_wait3A_142 = tpu.memref_slice %arg5[%mul3A_141] : memref<10240xi32, #tpu.memory_space<vmem>> -> memref<128xi32, #tpu.memory_space<vmem>>
      %dma_wait3A_143 = arith.constant 0 : i32
      %dma_wait3A_144 = arith.constant 0 : i32
      %dma_wait3A_145 = tpu.memref_slice %arg2[%dma_wait3A_143, %dma_wait3A_144] : memref<10000x128xf32, #tpu.memory_space<hbm>> -> memref<10000x128xf32, #tpu.memory_space<hbm>>
      tpu.wait_indirect_dma semaphore(%arg11 : memref<!tpu.dma_semaphore, #tpu.memory_space<semaphore_mem>>) src(%dma_wait3A_145 : memref<10000x128xf32, #tpu.memory_space<hbm>>) dst(%arg7 : memref<128x128xf32, #tpu.memory_space<vmem>>)
      %mul3A_146 = arith.constant 128 : i32
      %mul3A_147 = arith.muli %add3A_92, %mul3A_146 : i32
      %add3A_148 = arith.addi %mul3A_2, %mul3A_147 : i32
      %dma_wait3A_149 = arith.constant 1 : i32
      %dma_wait3A_150 = arith.constant 1 : i32
      %dma_wait3A_151 = arith.constant 0 : i32
      %dma_wait3A_152 = tpu.memref_slice %arg8[%dma_wait3A_150, %dma_wait3A_151] : memref<2x128xi32, #tpu.memory_space<vmem>> -> memref<1x128xi32, #tpu.memory_space<vmem>>
      %dma_wait3A_153 = tpu.memref_squeeze %dma_wait3A_152 : memref<1x128xi32, #tpu.memory_space<vmem>> -> memref<128xi32, #tpu.memory_space<vmem>>
      %dma_wait3A_154 = tpu.memref_slice %arg3[%dma_wait3A_149, %add3A_148] : memref<2x320000xi32, #tpu.memory_space<hbm>> -> memref<1x128xi32, #tpu.memory_space<hbm>>
      %dma_wait3A_155 = tpu.memref_squeeze %dma_wait3A_154 : memref<1x128xi32, #tpu.memory_space<hbm>> -> memref<128xi32, #tpu.memory_space<hbm>>
      %dma_wait3A_156 = arith.constant 0 : i32
      %dma_wait3A_157 = tpu.memref_slice %arg8[%dma_wait3A_150, %dma_wait3A_156] : memref<2x128xi32, #tpu.memory_space<vmem>> -> memref<1x128xi32, #tpu.memory_space<vmem>>
      %dma_wait3A_158 = tpu.memref_squeeze %dma_wait3A_157 : memref<1x128xi32, #tpu.memory_space<vmem>> -> memref<128xi32, #tpu.memory_space<vmem>>
      %dma_wait3A_159 = tpu.memref_slice %arg3[%dma_wait3A_149, %add3A_148] : memref<2x320000xi32, #tpu.memory_space<hbm>> -> memref<1x128xi32, #tpu.memory_space<hbm>>
      %dma_wait3A_160 = tpu.memref_squeeze %dma_wait3A_159 : memref<1x128xi32, #tpu.memory_space<hbm>> -> memref<128xi32, #tpu.memory_space<hbm>>
      tpu.wait_dma2 semaphore(%arg13 : memref<!tpu.dma_semaphore, #tpu.memory_space<semaphore_mem>>) src(%dma_wait3A_160 : memref<128xi32, #tpu.memory_space<hbm>>) dst(%dma_wait3A_158 : memref<128xi32, #tpu.memory_space<vmem>>)
      %run_scoped3A_161 = arith.constant 1 : i32
      "tpu.region"() ({
        %run_scoped3A_162 = tpu.sem_alloc : memref<!tpu.dma_semaphore, #tpu.memory_space<semaphore_mem>>
        %dma_start3A_163 = arith.constant 0 : i32
        %dma_start3A_164 = tpu.memref_slice %arg8[%run_scoped3A_161, %dma_start3A_163] : memref<2x128xi32, #tpu.memory_space<vmem>> -> memref<1x128xi32, #tpu.memory_space<vmem>>
        %dma_start3A_165 = tpu.memref_squeeze %dma_start3A_164 : memref<1x128xi32, #tpu.memory_space<vmem>> -> memref<128xi32, #tpu.memory_space<vmem>>
        %dma_start3A_166 = arith.constant 0 : i32
        %dma_start3A_167 = arith.constant 0 : i32
        %dma_start3A_168 = tpu.memref_slice %arg9[%dma_start3A_166, %dma_start3A_167] : memref<10240x128xf32, #tpu.memory_space<vmem_shared>> -> memref<10240x128xf32, #tpu.memory_space<vmem_shared>>
        tpu.enqueue_indirect_dma source(%arg7 : memref<128x128xf32, #tpu.memory_space<vmem>>) target(%dma_start3A_168 : memref<10240x128xf32, #tpu.memory_space<vmem_shared>>) offsets(%dma_start3A_165 : memref<128xi32, #tpu.memory_space<vmem>>) semaphore(%run_scoped3A_162 : memref<!tpu.dma_semaphore, #tpu.memory_space<semaphore_mem>>) {add = true}
        %dma_wait3A_169 = arith.constant 0 : i32
        %dma_wait3A_170 = tpu.memref_slice %arg8[%run_scoped3A_161, %dma_wait3A_169] : memref<2x128xi32, #tpu.memory_space<vmem>> -> memref<1x128xi32, #tpu.memory_space<vmem>>
        %dma_wait3A_171 = tpu.memref_squeeze %dma_wait3A_170 : memref<1x128xi32, #tpu.memory_space<vmem>> -> memref<128xi32, #tpu.memory_space<vmem>>
        %dma_wait3A_172 = arith.constant 0 : i32
        %dma_wait3A_173 = arith.constant 0 : i32
        %dma_wait3A_174 = tpu.memref_slice %arg9[%dma_wait3A_172, %dma_wait3A_173] : memref<10240x128xf32, #tpu.memory_space<vmem_shared>> -> memref<10240x128xf32, #tpu.memory_space<vmem_shared>>
        tpu.wait_indirect_dma semaphore(%run_scoped3A_162 : memref<!tpu.dma_semaphore, #tpu.memory_space<semaphore_mem>>) src(%arg7 : memref<128x128xf32, #tpu.memory_space<vmem>>) dst(%dma_wait3A_174 : memref<10240x128xf32, #tpu.memory_space<vmem_shared>>)
        tpu.yield
      }) : () -> ()
    }
    %barrier3A_81 = arith.constant 0 : index
    tpu.barrier barrier_id(%barrier3A_81)
    %mul3A_82 = arith.constant 640 : i32
    %mul3A_83 = arith.muli %arg1, %mul3A_82 : i32
    %mul3A_84 = arith.constant 640 : i32
    %mul3A_85 = arith.muli %arg1, %mul3A_84 : i32
    "tpu.region"() ({
      %run_scoped3A = tpu.sem_alloc : memref<!tpu.dma_semaphore, #tpu.memory_space<semaphore_mem>>
      %dma_start3A_86 = arith.constant 0 : i32
      %dma_start3A_87 = tpu.memref_slice %arg4[%arg0, %mul3A_85, %dma_start3A_86] : memref<2x10240x128xf32, #tpu.memory_space<hbm>> -> memref<1x640x128xf32, #tpu.memory_space<hbm>>
      %dma_start3A_88 = tpu.memref_squeeze %dma_start3A_87 : memref<1x640x128xf32, #tpu.memory_space<hbm>> -> memref<640x128xf32, #tpu.memory_space<hbm>>
      %dma_start3A_89 = arith.constant 0 : i32
      %dma_start3A_90 = tpu.memref_slice %arg9[%mul3A_83, %dma_start3A_89] : memref<10240x128xf32, #tpu.memory_space<vmem_shared>> -> memref<640x128xf32, #tpu.memory_space<vmem_shared>>
      tpu.enqueue_dma source(%dma_start3A_90 : memref<640x128xf32, #tpu.memory_space<vmem_shared>>) target(%dma_start3A_88 : memref<640x128xf32, #tpu.memory_space<hbm>>) target_semaphore(%run_scoped3A : memref<!tpu.dma_semaphore, #tpu.memory_space<semaphore_mem>>)
      %dma_wait3A = arith.constant 0 : i32
      %dma_wait3A_91 = tpu.memref_slice %arg4[%arg0, %mul3A_85, %dma_wait3A] : memref<2x10240x128xf32, #tpu.memory_space<hbm>> -> memref<1x640x128xf32, #tpu.memory_space<hbm>>
      %dma_wait3A_92 = tpu.memref_squeeze %dma_wait3A_91 : memref<1x640x128xf32, #tpu.memory_space<hbm>> -> memref<640x128xf32, #tpu.memory_space<hbm>>
      %dma_wait3A_93 = arith.constant 0 : i32
      %dma_wait3A_94 = tpu.memref_slice %arg9[%mul3A_83, %dma_wait3A_93] : memref<10240x128xf32, #tpu.memory_space<vmem_shared>> -> memref<640x128xf32, #tpu.memory_space<vmem_shared>>
      tpu.wait_dma2 semaphore(%run_scoped3A : memref<!tpu.dma_semaphore, #tpu.memory_space<semaphore_mem>>) src(%dma_wait3A_94 : memref<640x128xf32, #tpu.memory_space<vmem_shared>>) dst(%dma_wait3A_92 : memref<640x128xf32, #tpu.memory_space<hbm>>)
      tpu.yield
    }) : () -> ()
    return
  }
}

#map = affine_map<(d0, d1) -> (0, 0)>
#map1 = affine_map<(d0, d1) -> (0, 0, 0)>
module attributes {stable_mosaic.version = 14 : i64} {
  func.func @_deg_kernel(%arg0: i32, %arg1: i32, %arg2: memref<2x320000xi32, #tpu.memory_space<hbm>>, %arg3: memref<2x10240x32xf32, #tpu.memory_space<hbm>>, %arg4: memref<128x32xf32, #tpu.memory_space<vmem>>, %arg5: memref<2x128xi32, #tpu.memory_space<vmem>>, %arg6: memref<10240x32xf32, #tpu.memory_space<vmem_shared>>, %arg7: memref<!tpu.dma_semaphore, #tpu.memory_space<semaphore_mem>>, %arg8: memref<!tpu.dma_semaphore, #tpu.memory_space<semaphore_mem>>) attributes {dimension_semantics = [#tpu.dimension_semantics<core_parallel>, #tpu.dimension_semantics<subcore_parallel>], iteration_bounds = array<i64: 2, 16>, scalar_prefetch = 0 : i64, scratch_operands = 5 : i64, tpu.core_type = #tpu.core_type<sc_vector_subcore>, window_params = [{transform_indices = #map}, {transform_indices = #map1}]} {
    %mul3A = arith.constant 16 : i32
    %mul3A_0 = arith.muli %arg0, %mul3A : i32
    %add3A = arith.addi %mul3A_0, %arg1 : i32
    %mul3A_1 = arith.constant 10240 : i32
    %mul3A_2 = arith.muli %add3A, %mul3A_1 : i32
    %eq3A = arith.constant 31 : i32
    %eq3A_3 = arith.cmpi eq, %add3A, %eq3A : i32
    %jit3A = arith.constant 20 : i32
    %jit3A_4 = arith.constant 80 : i32
    %select_n3A = arith.select %eq3A_3, %jit3A, %jit3A_4 : i32
    %jit3A_5 = arith.constant 2 : i32
    %div3A = arith.divsi %select_n3A, %jit3A_5 : i32
    %sign3A = arith.constant 0 : i32
    %sign3A_6 = arith.cmpi sgt, %select_n3A, %sign3A : i32
    %sign3A_7 = arith.extui %sign3A_6 : i1 to i32
    %sign3A_8 = arith.constant 0 : i32
    %sign3A_9 = arith.cmpi slt, %select_n3A, %sign3A_8 : i32
    %sign3A_10 = arith.extui %sign3A_9 : i1 to i32
    %sign3A_11 = arith.subi %sign3A_7, %sign3A_10 : i32
    %sign3A_12 = arith.constant 0 : i32
    %sign3A_13 = arith.cmpi sgt, %jit3A_5, %sign3A_12 : i32
    %sign3A_14 = arith.extui %sign3A_13 : i1 to i32
    %sign3A_15 = arith.constant 0 : i32
    %sign3A_16 = arith.cmpi slt, %jit3A_5, %sign3A_15 : i32
    %sign3A_17 = arith.extui %sign3A_16 : i1 to i32
    %sign3A_18 = arith.subi %sign3A_14, %sign3A_17 : i32
    %ne3A = arith.cmpi ne, %sign3A_11, %sign3A_18 : i32
    %rem3A = arith.remsi %select_n3A, %jit3A_5 : i32
    %ne3A_19 = arith.constant 0 : i32
    %ne3A_20 = arith.cmpi ne, %rem3A, %ne3A_19 : i32
    %and3A = arith.andi %ne3A, %ne3A_20 : i1
    %sub3A = arith.constant 1 : i32
    %sub3A_21 = arith.subi %div3A, %sub3A : i32
    %select_n3A_22 = arith.select %and3A, %sub3A_21, %div3A : i32
    %broadcast_in_dim3A = arith.constant 0.000000e+00 : f32
    %broadcast_in_dim3A_23 = vector.broadcast %broadcast_in_dim3A : f32 to vector<16xf32>
    %scan3A = arith.constant 0 : i32
    %scan3A_24 = arith.constant 0 : i32
    %scan3A_25 = arith.constant 128 : i32
    %scan3A_26 = arith.addi %scan3A_24, %scan3A_25 : i32
    %scan3A_27 = arith.constant 1 : i32
    scf.for %scan3A_82 = %scan3A_24 to %scan3A_26 step %scan3A_27  : i32 {
      %swap3A = arith.index_cast %scan3A_82 : i32 to index
      %swap3A_83 = arith.constant 0 : index
      %swap3A_84 = tpu.vector_load %arg4[%swap3A, %swap3A_83] {strides = array<i32>} : memref<128x32xf32, #tpu.memory_space<vmem>>, vector<1x16xf32>,
      %swap3A_85 = vector.shape_cast %swap3A_84 : vector<1x16xf32> to vector<16xf32>
      %swap3A_86 = vector.shape_cast %broadcast_in_dim3A_23 : vector<16xf32> to vector<1x16xf32>
      tpu.vector_store %arg4[%swap3A, %swap3A_83], %swap3A_86 {strides = array<i32>} : memref<128x32xf32, #tpu.memory_space<vmem>>, vector<1x16xf32>,
      %swap3A_87 = arith.index_cast %scan3A_82 : i32 to index
      %swap3A_88 = arith.constant 16 : index
      %swap3A_89 = tpu.vector_load %arg4[%swap3A_87, %swap3A_88] {strides = array<i32>} : memref<128x32xf32, #tpu.memory_space<vmem>>, vector<1x16xf32>,
      %swap3A_90 = vector.shape_cast %swap3A_89 : vector<1x16xf32> to vector<16xf32>
      %swap3A_91 = vector.shape_cast %broadcast_in_dim3A_23 : vector<16xf32> to vector<1x16xf32>
      tpu.vector_store %arg4[%swap3A_87, %swap3A_88], %swap3A_91 {strides = array<i32>} : memref<128x32xf32, #tpu.memory_space<vmem>>, vector<1x16xf32>,
    }
    %scan3A_28 = arith.constant 128 : i32
    %mul3A_29 = arith.constant 640 : i32
    %mul3A_30 = arith.muli %arg1, %mul3A_29 : i32
    %add3A_31 = arith.constant 0 : i32
    %add3A_32 = arith.addi %mul3A_30, %add3A_31 : i32
    "tpu.region"() ({
      %run_scoped3A = tpu.sem_alloc : memref<!tpu.dma_semaphore, #tpu.memory_space<semaphore_mem>>
      %dma_start3A_82 = arith.constant 0 : i32
      %dma_start3A_83 = tpu.memref_slice %arg6[%add3A_32, %dma_start3A_82] : memref<10240x32xf32, #tpu.memory_space<vmem_shared>> -> memref<128x32xf32, #tpu.memory_space<vmem_shared>>
      %dma_start3A_84 = arith.constant 0 : i32
      %dma_start3A_85 = tpu.memref_slice %arg6[%add3A_32, %dma_start3A_84] : memref<10240x32xf32, #tpu.memory_space<vmem_shared>> -> memref<128x32xf32, #tpu.memory_space<vmem_shared>>
      tpu.enqueue_dma source(%arg4 : memref<128x32xf32, #tpu.memory_space<vmem>>) target(%dma_start3A_85 : memref<128x32xf32, #tpu.memory_space<vmem_shared>>) target_semaphore(%run_scoped3A : memref<!tpu.dma_semaphore, #tpu.memory_space<semaphore_mem>>)
      %dma_wait3A = arith.constant 0 : i32
      %dma_wait3A_86 = tpu.memref_slice %arg6[%add3A_32, %dma_wait3A] : memref<10240x32xf32, #tpu.memory_space<vmem_shared>> -> memref<128x32xf32, #tpu.memory_space<vmem_shared>>
      %dma_wait3A_87 = arith.constant 0 : i32
      %dma_wait3A_88 = tpu.memref_slice %arg6[%add3A_32, %dma_wait3A_87] : memref<10240x32xf32, #tpu.memory_space<vmem_shared>> -> memref<128x32xf32, #tpu.memory_space<vmem_shared>>
      tpu.wait_dma2 semaphore(%run_scoped3A : memref<!tpu.dma_semaphore, #tpu.memory_space<semaphore_mem>>) src(%arg4 : memref<128x32xf32, #tpu.memory_space<vmem>>) dst(%dma_wait3A_88 : memref<128x32xf32, #tpu.memory_space<vmem_shared>>)
      tpu.yield
    }) : () -> ()
    %mul3A_33 = arith.constant 640 : i32
    %mul3A_34 = arith.muli %arg1, %mul3A_33 : i32
    %add3A_35 = arith.constant 128 : i32
    %add3A_36 = arith.addi %mul3A_34, %add3A_35 : i32
    "tpu.region"() ({
      %run_scoped3A = tpu.sem_alloc : memref<!tpu.dma_semaphore, #tpu.memory_space<semaphore_mem>>
      %dma_start3A_82 = arith.constant 0 : i32
      %dma_start3A_83 = tpu.memref_slice %arg6[%add3A_36, %dma_start3A_82] : memref<10240x32xf32, #tpu.memory_space<vmem_shared>> -> memref<128x32xf32, #tpu.memory_space<vmem_shared>>
      %dma_start3A_84 = arith.constant 0 : i32
      %dma_start3A_85 = tpu.memref_slice %arg6[%add3A_36, %dma_start3A_84] : memref<10240x32xf32, #tpu.memory_space<vmem_shared>> -> memref<128x32xf32, #tpu.memory_space<vmem_shared>>
      tpu.enqueue_dma source(%arg4 : memref<128x32xf32, #tpu.memory_space<vmem>>) target(%dma_start3A_85 : memref<128x32xf32, #tpu.memory_space<vmem_shared>>) target_semaphore(%run_scoped3A : memref<!tpu.dma_semaphore, #tpu.memory_space<semaphore_mem>>)
      %dma_wait3A = arith.constant 0 : i32
      %dma_wait3A_86 = tpu.memref_slice %arg6[%add3A_36, %dma_wait3A] : memref<10240x32xf32, #tpu.memory_space<vmem_shared>> -> memref<128x32xf32, #tpu.memory_space<vmem_shared>>
      %dma_wait3A_87 = arith.constant 0 : i32
      %dma_wait3A_88 = tpu.memref_slice %arg6[%add3A_36, %dma_wait3A_87] : memref<10240x32xf32, #tpu.memory_space<vmem_shared>> -> memref<128x32xf32, #tpu.memory_space<vmem_shared>>
      tpu.wait_dma2 semaphore(%run_scoped3A : memref<!tpu.dma_semaphore, #tpu.memory_space<semaphore_mem>>) src(%arg4 : memref<128x32xf32, #tpu.memory_space<vmem>>) dst(%dma_wait3A_88 : memref<128x32xf32, #tpu.memory_space<vmem_shared>>)
      tpu.yield
    }) : () -> ()
    %mul3A_37 = arith.constant 640 : i32
    %mul3A_38 = arith.muli %arg1, %mul3A_37 : i32
    %add3A_39 = arith.constant 256 : i32
    %add3A_40 = arith.addi %mul3A_38, %add3A_39 : i32
    "tpu.region"() ({
      %run_scoped3A = tpu.sem_alloc : memref<!tpu.dma_semaphore, #tpu.memory_space<semaphore_mem>>
      %dma_start3A_82 = arith.constant 0 : i32
      %dma_start3A_83 = tpu.memref_slice %arg6[%add3A_40, %dma_start3A_82] : memref<10240x32xf32, #tpu.memory_space<vmem_shared>> -> memref<128x32xf32, #tpu.memory_space<vmem_shared>>
      %dma_start3A_84 = arith.constant 0 : i32
      %dma_start3A_85 = tpu.memref_slice %arg6[%add3A_40, %dma_start3A_84] : memref<10240x32xf32, #tpu.memory_space<vmem_shared>> -> memref<128x32xf32, #tpu.memory_space<vmem_shared>>
      tpu.enqueue_dma source(%arg4 : memref<128x32xf32, #tpu.memory_space<vmem>>) target(%dma_start3A_85 : memref<128x32xf32, #tpu.memory_space<vmem_shared>>) target_semaphore(%run_scoped3A : memref<!tpu.dma_semaphore, #tpu.memory_space<semaphore_mem>>)
      %dma_wait3A = arith.constant 0 : i32
      %dma_wait3A_86 = tpu.memref_slice %arg6[%add3A_40, %dma_wait3A] : memref<10240x32xf32, #tpu.memory_space<vmem_shared>> -> memref<128x32xf32, #tpu.memory_space<vmem_shared>>
      %dma_wait3A_87 = arith.constant 0 : i32
      %dma_wait3A_88 = tpu.memref_slice %arg6[%add3A_40, %dma_wait3A_87] : memref<10240x32xf32, #tpu.memory_space<vmem_shared>> -> memref<128x32xf32, #tpu.memory_space<vmem_shared>>
      tpu.wait_dma2 semaphore(%run_scoped3A : memref<!tpu.dma_semaphore, #tpu.memory_space<semaphore_mem>>) src(%arg4 : memref<128x32xf32, #tpu.memory_space<vmem>>) dst(%dma_wait3A_88 : memref<128x32xf32, #tpu.memory_space<vmem_shared>>)
      tpu.yield
    }) : () -> ()
    %mul3A_41 = arith.constant 640 : i32
    %mul3A_42 = arith.muli %arg1, %mul3A_41 : i32
    %add3A_43 = arith.constant 384 : i32
    %add3A_44 = arith.addi %mul3A_42, %add3A_43 : i32
    "tpu.region"() ({
      %run_scoped3A = tpu.sem_alloc : memref<!tpu.dma_semaphore, #tpu.memory_space<semaphore_mem>>
      %dma_start3A_82 = arith.constant 0 : i32
      %dma_start3A_83 = tpu.memref_slice %arg6[%add3A_44, %dma_start3A_82] : memref<10240x32xf32, #tpu.memory_space<vmem_shared>> -> memref<128x32xf32, #tpu.memory_space<vmem_shared>>
      %dma_start3A_84 = arith.constant 0 : i32
      %dma_start3A_85 = tpu.memref_slice %arg6[%add3A_44, %dma_start3A_84] : memref<10240x32xf32, #tpu.memory_space<vmem_shared>> -> memref<128x32xf32, #tpu.memory_space<vmem_shared>>
      tpu.enqueue_dma source(%arg4 : memref<128x32xf32, #tpu.memory_space<vmem>>) target(%dma_start3A_85 : memref<128x32xf32, #tpu.memory_space<vmem_shared>>) target_semaphore(%run_scoped3A : memref<!tpu.dma_semaphore, #tpu.memory_space<semaphore_mem>>)
      %dma_wait3A = arith.constant 0 : i32
      %dma_wait3A_86 = tpu.memref_slice %arg6[%add3A_44, %dma_wait3A] : memref<10240x32xf32, #tpu.memory_space<vmem_shared>> -> memref<128x32xf32, #tpu.memory_space<vmem_shared>>
      %dma_wait3A_87 = arith.constant 0 : i32
      %dma_wait3A_88 = tpu.memref_slice %arg6[%add3A_44, %dma_wait3A_87] : memref<10240x32xf32, #tpu.memory_space<vmem_shared>> -> memref<128x32xf32, #tpu.memory_space<vmem_shared>>
      tpu.wait_dma2 semaphore(%run_scoped3A : memref<!tpu.dma_semaphore, #tpu.memory_space<semaphore_mem>>) src(%arg4 : memref<128x32xf32, #tpu.memory_space<vmem>>) dst(%dma_wait3A_88 : memref<128x32xf32, #tpu.memory_space<vmem_shared>>)
      tpu.yield
    }) : () -> ()
    %mul3A_45 = arith.constant 640 : i32
    %mul3A_46 = arith.muli %arg1, %mul3A_45 : i32
    %add3A_47 = arith.constant 512 : i32
    %add3A_48 = arith.addi %mul3A_46, %add3A_47 : i32
    "tpu.region"() ({
      %run_scoped3A = tpu.sem_alloc : memref<!tpu.dma_semaphore, #tpu.memory_space<semaphore_mem>>
      %dma_start3A_82 = arith.constant 0 : i32
      %dma_start3A_83 = tpu.memref_slice %arg6[%add3A_48, %dma_start3A_82] : memref<10240x32xf32, #tpu.memory_space<vmem_shared>> -> memref<128x32xf32, #tpu.memory_space<vmem_shared>>
      %dma_start3A_84 = arith.constant 0 : i32
      %dma_start3A_85 = tpu.memref_slice %arg6[%add3A_48, %dma_start3A_84] : memref<10240x32xf32, #tpu.memory_space<vmem_shared>> -> memref<128x32xf32, #tpu.memory_space<vmem_shared>>
      tpu.enqueue_dma source(%arg4 : memref<128x32xf32, #tpu.memory_space<vmem>>) target(%dma_start3A_85 : memref<128x32xf32, #tpu.memory_space<vmem_shared>>) target_semaphore(%run_scoped3A : memref<!tpu.dma_semaphore, #tpu.memory_space<semaphore_mem>>)
      %dma_wait3A = arith.constant 0 : i32
      %dma_wait3A_86 = tpu.memref_slice %arg6[%add3A_48, %dma_wait3A] : memref<10240x32xf32, #tpu.memory_space<vmem_shared>> -> memref<128x32xf32, #tpu.memory_space<vmem_shared>>
      %dma_wait3A_87 = arith.constant 0 : i32
      %dma_wait3A_88 = tpu.memref_slice %arg6[%add3A_48, %dma_wait3A_87] : memref<10240x32xf32, #tpu.memory_space<vmem_shared>> -> memref<128x32xf32, #tpu.memory_space<vmem_shared>>
      tpu.wait_dma2 semaphore(%run_scoped3A : memref<!tpu.dma_semaphore, #tpu.memory_space<semaphore_mem>>) src(%arg4 : memref<128x32xf32, #tpu.memory_space<vmem>>) dst(%dma_wait3A_88 : memref<128x32xf32, #tpu.memory_space<vmem_shared>>)
      tpu.yield
    }) : () -> ()
    %broadcast_in_dim3A_49 = arith.constant 1.000000e+00 : f32
    %broadcast_in_dim3A_50 = vector.broadcast %broadcast_in_dim3A_49 : f32 to vector<16xf32>
    %scan3A_51 = arith.constant 0 : i32
    %scan3A_52 = arith.constant 0 : i32
    %scan3A_53 = arith.constant 128 : i32
    %scan3A_54 = arith.addi %scan3A_52, %scan3A_53 : i32
    %scan3A_55 = arith.constant 1 : i32
    scf.for %scan3A_82 = %scan3A_52 to %scan3A_54 step %scan3A_55  : i32 {
      %swap3A = arith.index_cast %scan3A_82 : i32 to index
      %swap3A_83 = arith.constant 0 : index
      %swap3A_84 = tpu.vector_load %arg4[%swap3A, %swap3A_83] {strides = array<i32>} : memref<128x32xf32, #tpu.memory_space<vmem>>, vector<1x16xf32>,
      %swap3A_85 = vector.shape_cast %swap3A_84 : vector<1x16xf32> to vector<16xf32>
      %swap3A_86 = vector.shape_cast %broadcast_in_dim3A_50 : vector<16xf32> to vector<1x16xf32>
      tpu.vector_store %arg4[%swap3A, %swap3A_83], %swap3A_86 {strides = array<i32>} : memref<128x32xf32, #tpu.memory_space<vmem>>, vector<1x16xf32>,
      %swap3A_87 = arith.index_cast %scan3A_82 : i32 to index
      %swap3A_88 = arith.constant 16 : index
      %swap3A_89 = tpu.vector_load %arg4[%swap3A_87, %swap3A_88] {strides = array<i32>} : memref<128x32xf32, #tpu.memory_space<vmem>>, vector<1x16xf32>,
      %swap3A_90 = vector.shape_cast %swap3A_89 : vector<1x16xf32> to vector<16xf32>
      %swap3A_91 = vector.shape_cast %broadcast_in_dim3A_50 : vector<16xf32> to vector<1x16xf32>
      tpu.vector_store %arg4[%swap3A_87, %swap3A_88], %swap3A_91 {strides = array<i32>} : memref<128x32xf32, #tpu.memory_space<vmem>>, vector<1x16xf32>,
    }
    %scan3A_56 = arith.constant 128 : i32
    %barrier3A = arith.constant 0 : index
    tpu.barrier barrier_id(%barrier3A)
    %dma_start3A = arith.constant 1 : i32
    %dma_start3A_57 = arith.constant 0 : i32
    %dma_start3A_58 = arith.constant 0 : i32
    %dma_start3A_59 = tpu.memref_slice %arg5[%dma_start3A_57, %dma_start3A_58] : memref<2x128xi32, #tpu.memory_space<vmem>> -> memref<1x128xi32, #tpu.memory_space<vmem>>
    %dma_start3A_60 = tpu.memref_squeeze %dma_start3A_59 : memref<1x128xi32, #tpu.memory_space<vmem>> -> memref<128xi32, #tpu.memory_space<vmem>>
    %dma_start3A_61 = tpu.memref_slice %arg2[%dma_start3A, %mul3A_2] : memref<2x320000xi32, #tpu.memory_space<hbm>> -> memref<1x128xi32, #tpu.memory_space<hbm>>
    %dma_start3A_62 = tpu.memref_squeeze %dma_start3A_61 : memref<1x128xi32, #tpu.memory_space<hbm>> -> memref<128xi32, #tpu.memory_space<hbm>>
    %dma_start3A_63 = arith.constant 0 : i32
    %dma_start3A_64 = tpu.memref_slice %arg5[%dma_start3A_57, %dma_start3A_63] : memref<2x128xi32, #tpu.memory_space<vmem>> -> memref<1x128xi32, #tpu.memory_space<vmem>>
    %dma_start3A_65 = tpu.memref_squeeze %dma_start3A_64 : memref<1x128xi32, #tpu.memory_space<vmem>> -> memref<128xi32, #tpu.memory_space<vmem>>
    %dma_start3A_66 = tpu.memref_slice %arg2[%dma_start3A, %mul3A_2] : memref<2x320000xi32, #tpu.memory_space<hbm>> -> memref<1x128xi32, #tpu.memory_space<hbm>>
    %dma_start3A_67 = tpu.memref_squeeze %dma_start3A_66 : memref<1x128xi32, #tpu.memory_space<hbm>> -> memref<128xi32, #tpu.memory_space<hbm>>
    tpu.enqueue_dma source(%dma_start3A_67 : memref<128xi32, #tpu.memory_space<hbm>>) target(%dma_start3A_65 : memref<128xi32, #tpu.memory_space<vmem>>) target_semaphore(%arg7 : memref<!tpu.dma_semaphore, #tpu.memory_space<semaphore_mem>>)
    %while3A = arith.constant 0 : i32
    %while3A_68 = arith.constant 0 : i32
    %while3A_69 = arith.subi %select_n3A_22, %while3A_68 : i32
    %while3A_70 = arith.addi %while3A_68, %while3A_69 : i32
    %while3A_71 = arith.constant 1 : i32
    %while3A_72 = arith.divsi %while3A_69, %while3A_71 : i32
    %while3A_73 = arith.muli %while3A_72, %while3A_71 : i32
    %while3A_74 = arith.addi %while3A_68, %while3A_73 : i32
    %while3A_75 = arith.constant 1 : i32
    scf.for %while3A_82 = %while3A_68 to %while3A_74 step %while3A_75  : i32 {
      %mul3A_83 = arith.constant 2 : i32
      %mul3A_84 = arith.muli %mul3A_83, %while3A_82 : i32
      %mul3A_85 = arith.constant 2 : i32
      %mul3A_86 = arith.muli %mul3A_85, %while3A_82 : i32
      %add3A_87 = arith.constant 1 : i32
      %add3A_88 = arith.addi %mul3A_86, %add3A_87 : i32
      %mul3A_89 = arith.constant 128 : i32
      %mul3A_90 = arith.muli %add3A_88, %mul3A_89 : i32
      %add3A_91 = arith.addi %mul3A_2, %mul3A_90 : i32
      %dma_start3A_92 = arith.constant 1 : i32
      %dma_start3A_93 = arith.constant 1 : i32
      %dma_start3A_94 = arith.constant 0 : i32
      %dma_start3A_95 = tpu.memref_slice %arg5[%dma_start3A_93, %dma_start3A_94] : memref<2x128xi32, #tpu.memory_space<vmem>> -> memref<1x128xi32, #tpu.memory_space<vmem>>
      %dma_start3A_96 = tpu.memref_squeeze %dma_start3A_95 : memref<1x128xi32, #tpu.memory_space<vmem>> -> memref<128xi32, #tpu.memory_space<vmem>>
      %dma_start3A_97 = tpu.memref_slice %arg2[%dma_start3A_92, %add3A_91] : memref<2x320000xi32, #tpu.memory_space<hbm>> -> memref<1x128xi32, #tpu.memory_space<hbm>>
      %dma_start3A_98 = tpu.memref_squeeze %dma_start3A_97 : memref<1x128xi32, #tpu.memory_space<hbm>> -> memref<128xi32, #tpu.memory_space<hbm>>
      %dma_start3A_99 = arith.constant 0 : i32
      %dma_start3A_100 = tpu.memref_slice %arg5[%dma_start3A_93, %dma_start3A_99] : memref<2x128xi32, #tpu.memory_space<vmem>> -> memref<1x128xi32, #tpu.memory_space<vmem>>
      %dma_start3A_101 = tpu.memref_squeeze %dma_start3A_100 : memref<1x128xi32, #tpu.memory_space<vmem>> -> memref<128xi32, #tpu.memory_space<vmem>>
      %dma_start3A_102 = tpu.memref_slice %arg2[%dma_start3A_92, %add3A_91] : memref<2x320000xi32, #tpu.memory_space<hbm>> -> memref<1x128xi32, #tpu.memory_space<hbm>>
      %dma_start3A_103 = tpu.memref_squeeze %dma_start3A_102 : memref<1x128xi32, #tpu.memory_space<hbm>> -> memref<128xi32, #tpu.memory_space<hbm>>
      tpu.enqueue_dma source(%dma_start3A_103 : memref<128xi32, #tpu.memory_space<hbm>>) target(%dma_start3A_101 : memref<128xi32, #tpu.memory_space<vmem>>) target_semaphore(%arg8 : memref<!tpu.dma_semaphore, #tpu.memory_space<semaphore_mem>>)
      %mul3A_104 = arith.constant 128 : i32
      %mul3A_105 = arith.muli %mul3A_84, %mul3A_104 : i32
      %add3A_106 = arith.addi %mul3A_2, %mul3A_105 : i32
      %dma_wait3A = arith.constant 1 : i32
      %dma_wait3A_107 = arith.constant 0 : i32
      %dma_wait3A_108 = arith.constant 0 : i32
      %dma_wait3A_109 = tpu.memref_slice %arg5[%dma_wait3A_107, %dma_wait3A_108] : memref<2x128xi32, #tpu.memory_space<vmem>> -> memref<1x128xi32, #tpu.memory_space<vmem>>
      %dma_wait3A_110 = tpu.memref_squeeze %dma_wait3A_109 : memref<1x128xi32, #tpu.memory_space<vmem>> -> memref<128xi32, #tpu.memory_space<vmem>>
      %dma_wait3A_111 = tpu.memref_slice %arg2[%dma_wait3A, %add3A_106] : memref<2x320000xi32, #tpu.memory_space<hbm>> -> memref<1x128xi32, #tpu.memory_space<hbm>>
      %dma_wait3A_112 = tpu.memref_squeeze %dma_wait3A_111 : memref<1x128xi32, #tpu.memory_space<hbm>> -> memref<128xi32, #tpu.memory_space<hbm>>
      %dma_wait3A_113 = arith.constant 0 : i32
      %dma_wait3A_114 = tpu.memref_slice %arg5[%dma_wait3A_107, %dma_wait3A_113] : memref<2x128xi32, #tpu.memory_space<vmem>> -> memref<1x128xi32, #tpu.memory_space<vmem>>
      %dma_wait3A_115 = tpu.memref_squeeze %dma_wait3A_114 : memref<1x128xi32, #tpu.memory_space<vmem>> -> memref<128xi32, #tpu.memory_space<vmem>>
      %dma_wait3A_116 = tpu.memref_slice %arg2[%dma_wait3A, %add3A_106] : memref<2x320000xi32, #tpu.memory_space<hbm>> -> memref<1x128xi32, #tpu.memory_space<hbm>>
      %dma_wait3A_117 = tpu.memref_squeeze %dma_wait3A_116 : memref<1x128xi32, #tpu.memory_space<hbm>> -> memref<128xi32, #tpu.memory_space<hbm>>
      tpu.wait_dma2 semaphore(%arg7 : memref<!tpu.dma_semaphore, #tpu.memory_space<semaphore_mem>>) src(%dma_wait3A_117 : memref<128xi32, #tpu.memory_space<hbm>>) dst(%dma_wait3A_115 : memref<128xi32, #tpu.memory_space<vmem>>)
      %run_scoped3A = arith.constant 0 : i32
      "tpu.region"() ({
        %run_scoped3A_137 = tpu.sem_alloc : memref<!tpu.dma_semaphore, #tpu.memory_space<semaphore_mem>>
        %dma_start3A_138 = arith.constant 0 : i32
        %dma_start3A_139 = tpu.memref_slice %arg5[%run_scoped3A, %dma_start3A_138] : memref<2x128xi32, #tpu.memory_space<vmem>> -> memref<1x128xi32, #tpu.memory_space<vmem>>
        %dma_start3A_140 = tpu.memref_squeeze %dma_start3A_139 : memref<1x128xi32, #tpu.memory_space<vmem>> -> memref<128xi32, #tpu.memory_space<vmem>>
        %dma_start3A_141 = arith.constant 0 : i32
        %dma_start3A_142 = arith.constant 0 : i32
        %dma_start3A_143 = tpu.memref_slice %arg6[%dma_start3A_141, %dma_start3A_142] : memref<10240x32xf32, #tpu.memory_space<vmem_shared>> -> memref<10240x32xf32, #tpu.memory_space<vmem_shared>>
        tpu.enqueue_indirect_dma source(%arg4 : memref<128x32xf32, #tpu.memory_space<vmem>>) target(%dma_start3A_143 : memref<10240x32xf32, #tpu.memory_space<vmem_shared>>) offsets(%dma_start3A_140 : memref<128xi32, #tpu.memory_space<vmem>>) semaphore(%run_scoped3A_137 : memref<!tpu.dma_semaphore, #tpu.memory_space<semaphore_mem>>) {add = true}
        %dma_wait3A_144 = arith.constant 0 : i32
        %dma_wait3A_145 = tpu.memref_slice %arg5[%run_scoped3A, %dma_wait3A_144] : memref<2x128xi32, #tpu.memory_space<vmem>> -> memref<1x128xi32, #tpu.memory_space<vmem>>
        %dma_wait3A_146 = tpu.memref_squeeze %dma_wait3A_145 : memref<1x128xi32, #tpu.memory_space<vmem>> -> memref<128xi32, #tpu.memory_space<vmem>>
        %dma_wait3A_147 = arith.constant 0 : i32
        %dma_wait3A_148 = arith.constant 0 : i32
        %dma_wait3A_149 = tpu.memref_slice %arg6[%dma_wait3A_147, %dma_wait3A_148] : memref<10240x32xf32, #tpu.memory_space<vmem_shared>> -> memref<10240x32xf32, #tpu.memory_space<vmem_shared>>
        tpu.wait_indirect_dma semaphore(%run_scoped3A_137 : memref<!tpu.dma_semaphore, #tpu.memory_space<semaphore_mem>>) src(%arg4 : memref<128x32xf32, #tpu.memory_space<vmem>>) dst(%dma_wait3A_149 : memref<10240x32xf32, #tpu.memory_space<vmem_shared>>)
        tpu.yield
      }) : () -> ()
      %add3A_118 = arith.constant 1 : i32
      %add3A_119 = arith.addi %while3A_82, %add3A_118 : i32
      %lt3A = arith.cmpi slt, %add3A_119, %select_n3A_22 : i32
      %convert_element_type3A = arith.extui %lt3A : i1 to i32
      %cond3A = arith.constant 0 : i32
      %cond3A_120 = arith.cmpi ne, %convert_element_type3A, %cond3A : i32
      scf.if %cond3A_120 {
        %add3A_137 = arith.constant 2 : i32
        %add3A_138 = arith.addi %mul3A_84, %add3A_137 : i32
        %mul3A_139 = arith.constant 128 : i32
        %mul3A_140 = arith.muli %add3A_138, %mul3A_139 : i32
        %add3A_141 = arith.addi %mul3A_2, %mul3A_140 : i32
        %dma_start3A_142 = arith.constant 1 : i32
        %dma_start3A_143 = arith.constant 0 : i32
        %dma_start3A_144 = arith.constant 0 : i32
        %dma_start3A_145 = tpu.memref_slice %arg5[%dma_start3A_143, %dma_start3A_144] : memref<2x128xi32, #tpu.memory_space<vmem>> -> memref<1x128xi32, #tpu.memory_space<vmem>>
        %dma_start3A_146 = tpu.memref_squeeze %dma_start3A_145 : memref<1x128xi32, #tpu.memory_space<vmem>> -> memref<128xi32, #tpu.memory_space<vmem>>
        %dma_start3A_147 = tpu.memref_slice %arg2[%dma_start3A_142, %add3A_141] : memref<2x320000xi32, #tpu.memory_space<hbm>> -> memref<1x128xi32, #tpu.memory_space<hbm>>
        %dma_start3A_148 = tpu.memref_squeeze %dma_start3A_147 : memref<1x128xi32, #tpu.memory_space<hbm>> -> memref<128xi32, #tpu.memory_space<hbm>>
        %dma_start3A_149 = arith.constant 0 : i32
        %dma_start3A_150 = tpu.memref_slice %arg5[%dma_start3A_143, %dma_start3A_149] : memref<2x128xi32, #tpu.memory_space<vmem>> -> memref<1x128xi32, #tpu.memory_space<vmem>>
        %dma_start3A_151 = tpu.memref_squeeze %dma_start3A_150 : memref<1x128xi32, #tpu.memory_space<vmem>> -> memref<128xi32, #tpu.memory_space<vmem>>
        %dma_start3A_152 = tpu.memref_slice %arg2[%dma_start3A_142, %add3A_141] : memref<2x320000xi32, #tpu.memory_space<hbm>> -> memref<1x128xi32, #tpu.memory_space<hbm>>
        %dma_start3A_153 = tpu.memref_squeeze %dma_start3A_152 : memref<1x128xi32, #tpu.memory_space<hbm>> -> memref<128xi32, #tpu.memory_space<hbm>>
        tpu.enqueue_dma source(%dma_start3A_153 : memref<128xi32, #tpu.memory_space<hbm>>) target(%dma_start3A_151 : memref<128xi32, #tpu.memory_space<vmem>>) target_semaphore(%arg7 : memref<!tpu.dma_semaphore, #tpu.memory_space<semaphore_mem>>)
      } else {
      }
      %mul3A_121 = arith.constant 128 : i32
      %mul3A_122 = arith.muli %add3A_88, %mul3A_121 : i32
      %add3A_123 = arith.addi %mul3A_2, %mul3A_122 : i32
      %dma_wait3A_124 = arith.constant 1 : i32
      %dma_wait3A_125 = arith.constant 1 : i32
      %dma_wait3A_126 = arith.constant 0 : i32
      %dma_wait3A_127 = tpu.memref_slice %arg5[%dma_wait3A_125, %dma_wait3A_126] : memref<2x128xi32, #tpu.memory_space<vmem>> -> memref<1x128xi32, #tpu.memory_space<vmem>>
      %dma_wait3A_128 = tpu.memref_squeeze %dma_wait3A_127 : memref<1x128xi32, #tpu.memory_space<vmem>> -> memref<128xi32, #tpu.memory_space<vmem>>
      %dma_wait3A_129 = tpu.memref_slice %arg2[%dma_wait3A_124, %add3A_123] : memref<2x320000xi32, #tpu.memory_space<hbm>> -> memref<1x128xi32, #tpu.memory_space<hbm>>
      %dma_wait3A_130 = tpu.memref_squeeze %dma_wait3A_129 : memref<1x128xi32, #tpu.memory_space<hbm>> -> memref<128xi32, #tpu.memory_space<hbm>>
      %dma_wait3A_131 = arith.constant 0 : i32
      %dma_wait3A_132 = tpu.memref_slice %arg5[%dma_wait3A_125, %dma_wait3A_131] : memref<2x128xi32, #tpu.memory_space<vmem>> -> memref<1x128xi32, #tpu.memory_space<vmem>>
      %dma_wait3A_133 = tpu.memref_squeeze %dma_wait3A_132 : memref<1x128xi32, #tpu.memory_space<vmem>> -> memref<128xi32, #tpu.memory_space<vmem>>
      %dma_wait3A_134 = tpu.memref_slice %arg2[%dma_wait3A_124, %add3A_123] : memref<2x320000xi32, #tpu.memory_space<hbm>> -> memref<1x128xi32, #tpu.memory_space<hbm>>
      %dma_wait3A_135 = tpu.memref_squeeze %dma_wait3A_134 : memref<1x128xi32, #tpu.memory_space<hbm>> -> memref<128xi32, #tpu.memory_space<hbm>>
      tpu.wait_dma2 semaphore(%arg8 : memref<!tpu.dma_semaphore, #tpu.memory_space<semaphore_mem>>) src(%dma_wait3A_135 : memref<128xi32, #tpu.memory_space<hbm>>) dst(%dma_wait3A_133 : memref<128xi32, #tpu.memory_space<vmem>>)
      %run_scoped3A_136 = arith.constant 1 : i32
      "tpu.region"() ({
        %run_scoped3A_137 = tpu.sem_alloc : memref<!tpu.dma_semaphore, #tpu.memory_space<semaphore_mem>>
        %dma_start3A_138 = arith.constant 0 : i32
        %dma_start3A_139 = tpu.memref_slice %arg5[%run_scoped3A_136, %dma_start3A_138] : memref<2x128xi32, #tpu.memory_space<vmem>> -> memref<1x128xi32, #tpu.memory_space<vmem>>
        %dma_start3A_140 = tpu.memref_squeeze %dma_start3A_139 : memref<1x128xi32, #tpu.memory_space<vmem>> -> memref<128xi32, #tpu.memory_space<vmem>>
        %dma_start3A_141 = arith.constant 0 : i32
        %dma_start3A_142 = arith.constant 0 : i32
        %dma_start3A_143 = tpu.memref_slice %arg6[%dma_start3A_141, %dma_start3A_142] : memref<10240x32xf32, #tpu.memory_space<vmem_shared>> -> memref<10240x32xf32, #tpu.memory_space<vmem_shared>>
        tpu.enqueue_indirect_dma source(%arg4 : memref<128x32xf32, #tpu.memory_space<vmem>>) target(%dma_start3A_143 : memref<10240x32xf32, #tpu.memory_space<vmem_shared>>) offsets(%dma_start3A_140 : memref<128xi32, #tpu.memory_space<vmem>>) semaphore(%run_scoped3A_137 : memref<!tpu.dma_semaphore, #tpu.memory_space<semaphore_mem>>) {add = true}
        %dma_wait3A_144 = arith.constant 0 : i32
        %dma_wait3A_145 = tpu.memref_slice %arg5[%run_scoped3A_136, %dma_wait3A_144] : memref<2x128xi32, #tpu.memory_space<vmem>> -> memref<1x128xi32, #tpu.memory_space<vmem>>
        %dma_wait3A_146 = tpu.memref_squeeze %dma_wait3A_145 : memref<1x128xi32, #tpu.memory_space<vmem>> -> memref<128xi32, #tpu.memory_space<vmem>>
        %dma_wait3A_147 = arith.constant 0 : i32
        %dma_wait3A_148 = arith.constant 0 : i32
        %dma_wait3A_149 = tpu.memref_slice %arg6[%dma_wait3A_147, %dma_wait3A_148] : memref<10240x32xf32, #tpu.memory_space<vmem_shared>> -> memref<10240x32xf32, #tpu.memory_space<vmem_shared>>
        tpu.wait_indirect_dma semaphore(%run_scoped3A_137 : memref<!tpu.dma_semaphore, #tpu.memory_space<semaphore_mem>>) src(%arg4 : memref<128x32xf32, #tpu.memory_space<vmem>>) dst(%dma_wait3A_149 : memref<10240x32xf32, #tpu.memory_space<vmem_shared>>)
        tpu.yield
      }) : () -> ()
    }
    %while3A_76 = arith.constant 1 : i32
    scf.for %while3A_82 = %while3A_74 to %while3A_70 step %while3A_76  : i32 {
      %mul3A_83 = arith.constant 2 : i32
      %mul3A_84 = arith.muli %mul3A_83, %while3A_82 : i32
      %mul3A_85 = arith.constant 2 : i32
      %mul3A_86 = arith.muli %mul3A_85, %while3A_82 : i32
      %add3A_87 = arith.constant 1 : i32
      %add3A_88 = arith.addi %mul3A_86, %add3A_87 : i32
      %mul3A_89 = arith.constant 128 : i32
      %mul3A_90 = arith.muli %add3A_88, %mul3A_89 : i32
      %add3A_91 = arith.addi %mul3A_2, %mul3A_90 : i32
      %dma_start3A_92 = arith.constant 1 : i32
      %dma_start3A_93 = arith.constant 1 : i32
      %dma_start3A_94 = arith.constant 0 : i32
      %dma_start3A_95 = tpu.memref_slice %arg5[%dma_start3A_93, %dma_start3A_94] : memref<2x128xi32, #tpu.memory_space<vmem>> -> memref<1x128xi32, #tpu.memory_space<vmem>>
      %dma_start3A_96 = tpu.memref_squeeze %dma_start3A_95 : memref<1x128xi32, #tpu.memory_space<vmem>> -> memref<128xi32, #tpu.memory_space<vmem>>
      %dma_start3A_97 = tpu.memref_slice %arg2[%dma_start3A_92, %add3A_91] : memref<2x320000xi32, #tpu.memory_space<hbm>> -> memref<1x128xi32, #tpu.memory_space<hbm>>
      %dma_start3A_98 = tpu.memref_squeeze %dma_start3A_97 : memref<1x128xi32, #tpu.memory_space<hbm>> -> memref<128xi32, #tpu.memory_space<hbm>>
      %dma_start3A_99 = arith.constant 0 : i32
      %dma_start3A_100 = tpu.memref_slice %arg5[%dma_start3A_93, %dma_start3A_99] : memref<2x128xi32, #tpu.memory_space<vmem>> -> memref<1x128xi32, #tpu.memory_space<vmem>>
      %dma_start3A_101 = tpu.memref_squeeze %dma_start3A_100 : memref<1x128xi32, #tpu.memory_space<vmem>> -> memref<128xi32, #tpu.memory_space<vmem>>
      %dma_start3A_102 = tpu.memref_slice %arg2[%dma_start3A_92, %add3A_91] : memref<2x320000xi32, #tpu.memory_space<hbm>> -> memref<1x128xi32, #tpu.memory_space<hbm>>
      %dma_start3A_103 = tpu.memref_squeeze %dma_start3A_102 : memref<1x128xi32, #tpu.memory_space<hbm>> -> memref<128xi32, #tpu.memory_space<hbm>>
      tpu.enqueue_dma source(%dma_start3A_103 : memref<128xi32, #tpu.memory_space<hbm>>) target(%dma_start3A_101 : memref<128xi32, #tpu.memory_space<vmem>>) target_semaphore(%arg8 : memref<!tpu.dma_semaphore, #tpu.memory_space<semaphore_mem>>)
      %mul3A_104 = arith.constant 128 : i32
      %mul3A_105 = arith.muli %mul3A_84, %mul3A_104 : i32
      %add3A_106 = arith.addi %mul3A_2, %mul3A_105 : i32
      %dma_wait3A = arith.constant 1 : i32
      %dma_wait3A_107 = arith.constant 0 : i32
      %dma_wait3A_108 = arith.constant 0 : i32
      %dma_wait3A_109 = tpu.memref_slice %arg5[%dma_wait3A_107, %dma_wait3A_108] : memref<2x128xi32, #tpu.memory_space<vmem>> -> memref<1x128xi32, #tpu.memory_space<vmem>>
      %dma_wait3A_110 = tpu.memref_squeeze %dma_wait3A_109 : memref<1x128xi32, #tpu.memory_space<vmem>> -> memref<128xi32, #tpu.memory_space<vmem>>
      %dma_wait3A_111 = tpu.memref_slice %arg2[%dma_wait3A, %add3A_106] : memref<2x320000xi32, #tpu.memory_space<hbm>> -> memref<1x128xi32, #tpu.memory_space<hbm>>
      %dma_wait3A_112 = tpu.memref_squeeze %dma_wait3A_111 : memref<1x128xi32, #tpu.memory_space<hbm>> -> memref<128xi32, #tpu.memory_space<hbm>>
      %dma_wait3A_113 = arith.constant 0 : i32
      %dma_wait3A_114 = tpu.memref_slice %arg5[%dma_wait3A_107, %dma_wait3A_113] : memref<2x128xi32, #tpu.memory_space<vmem>> -> memref<1x128xi32, #tpu.memory_space<vmem>>
      %dma_wait3A_115 = tpu.memref_squeeze %dma_wait3A_114 : memref<1x128xi32, #tpu.memory_space<vmem>> -> memref<128xi32, #tpu.memory_space<vmem>>
      %dma_wait3A_116 = tpu.memref_slice %arg2[%dma_wait3A, %add3A_106] : memref<2x320000xi32, #tpu.memory_space<hbm>> -> memref<1x128xi32, #tpu.memory_space<hbm>>
      %dma_wait3A_117 = tpu.memref_squeeze %dma_wait3A_116 : memref<1x128xi32, #tpu.memory_space<hbm>> -> memref<128xi32, #tpu.memory_space<hbm>>
      tpu.wait_dma2 semaphore(%arg7 : memref<!tpu.dma_semaphore, #tpu.memory_space<semaphore_mem>>) src(%dma_wait3A_117 : memref<128xi32, #tpu.memory_space<hbm>>) dst(%dma_wait3A_115 : memref<128xi32, #tpu.memory_space<vmem>>)
      %run_scoped3A = arith.constant 0 : i32
      "tpu.region"() ({
        %run_scoped3A_137 = tpu.sem_alloc : memref<!tpu.dma_semaphore, #tpu.memory_space<semaphore_mem>>
        %dma_start3A_138 = arith.constant 0 : i32
        %dma_start3A_139 = tpu.memref_slice %arg5[%run_scoped3A, %dma_start3A_138] : memref<2x128xi32, #tpu.memory_space<vmem>> -> memref<1x128xi32, #tpu.memory_space<vmem>>
        %dma_start3A_140 = tpu.memref_squeeze %dma_start3A_139 : memref<1x128xi32, #tpu.memory_space<vmem>> -> memref<128xi32, #tpu.memory_space<vmem>>
        %dma_start3A_141 = arith.constant 0 : i32
        %dma_start3A_142 = arith.constant 0 : i32
        %dma_start3A_143 = tpu.memref_slice %arg6[%dma_start3A_141, %dma_start3A_142] : memref<10240x32xf32, #tpu.memory_space<vmem_shared>> -> memref<10240x32xf32, #tpu.memory_space<vmem_shared>>
        tpu.enqueue_indirect_dma source(%arg4 : memref<128x32xf32, #tpu.memory_space<vmem>>) target(%dma_start3A_143 : memref<10240x32xf32, #tpu.memory_space<vmem_shared>>) offsets(%dma_start3A_140 : memref<128xi32, #tpu.memory_space<vmem>>) semaphore(%run_scoped3A_137 : memref<!tpu.dma_semaphore, #tpu.memory_space<semaphore_mem>>) {add = true}
        %dma_wait3A_144 = arith.constant 0 : i32
        %dma_wait3A_145 = tpu.memref_slice %arg5[%run_scoped3A, %dma_wait3A_144] : memref<2x128xi32, #tpu.memory_space<vmem>> -> memref<1x128xi32, #tpu.memory_space<vmem>>
        %dma_wait3A_146 = tpu.memref_squeeze %dma_wait3A_145 : memref<1x128xi32, #tpu.memory_space<vmem>> -> memref<128xi32, #tpu.memory_space<vmem>>
        %dma_wait3A_147 = arith.constant 0 : i32
        %dma_wait3A_148 = arith.constant 0 : i32
        %dma_wait3A_149 = tpu.memref_slice %arg6[%dma_wait3A_147, %dma_wait3A_148] : memref<10240x32xf32, #tpu.memory_space<vmem_shared>> -> memref<10240x32xf32, #tpu.memory_space<vmem_shared>>
        tpu.wait_indirect_dma semaphore(%run_scoped3A_137 : memref<!tpu.dma_semaphore, #tpu.memory_space<semaphore_mem>>) src(%arg4 : memref<128x32xf32, #tpu.memory_space<vmem>>) dst(%dma_wait3A_149 : memref<10240x32xf32, #tpu.memory_space<vmem_shared>>)
        tpu.yield
      }) : () -> ()
      %add3A_118 = arith.constant 1 : i32
      %add3A_119 = arith.addi %while3A_82, %add3A_118 : i32
      %lt3A = arith.cmpi slt, %add3A_119, %select_n3A_22 : i32
      %convert_element_type3A = arith.extui %lt3A : i1 to i32
      %cond3A = arith.constant 0 : i32
      %cond3A_120 = arith.cmpi ne, %convert_element_type3A, %cond3A : i32
      scf.if %cond3A_120 {
        %add3A_137 = arith.constant 2 : i32
        %add3A_138 = arith.addi %mul3A_84, %add3A_137 : i32
        %mul3A_139 = arith.constant 128 : i32
        %mul3A_140 = arith.muli %add3A_138, %mul3A_139 : i32
        %add3A_141 = arith.addi %mul3A_2, %mul3A_140 : i32
        %dma_start3A_142 = arith.constant 1 : i32
        %dma_start3A_143 = arith.constant 0 : i32
        %dma_start3A_144 = arith.constant 0 : i32
        %dma_start3A_145 = tpu.memref_slice %arg5[%dma_start3A_143, %dma_start3A_144] : memref<2x128xi32, #tpu.memory_space<vmem>> -> memref<1x128xi32, #tpu.memory_space<vmem>>
        %dma_start3A_146 = tpu.memref_squeeze %dma_start3A_145 : memref<1x128xi32, #tpu.memory_space<vmem>> -> memref<128xi32, #tpu.memory_space<vmem>>
        %dma_start3A_147 = tpu.memref_slice %arg2[%dma_start3A_142, %add3A_141] : memref<2x320000xi32, #tpu.memory_space<hbm>> -> memref<1x128xi32, #tpu.memory_space<hbm>>
        %dma_start3A_148 = tpu.memref_squeeze %dma_start3A_147 : memref<1x128xi32, #tpu.memory_space<hbm>> -> memref<128xi32, #tpu.memory_space<hbm>>
        %dma_start3A_149 = arith.constant 0 : i32
        %dma_start3A_150 = tpu.memref_slice %arg5[%dma_start3A_143, %dma_start3A_149] : memref<2x128xi32, #tpu.memory_space<vmem>> -> memref<1x128xi32, #tpu.memory_space<vmem>>
        %dma_start3A_151 = tpu.memref_squeeze %dma_start3A_150 : memref<1x128xi32, #tpu.memory_space<vmem>> -> memref<128xi32, #tpu.memory_space<vmem>>
        %dma_start3A_152 = tpu.memref_slice %arg2[%dma_start3A_142, %add3A_141] : memref<2x320000xi32, #tpu.memory_space<hbm>> -> memref<1x128xi32, #tpu.memory_space<hbm>>
        %dma_start3A_153 = tpu.memref_squeeze %dma_start3A_152 : memref<1x128xi32, #tpu.memory_space<hbm>> -> memref<128xi32, #tpu.memory_space<hbm>>
        tpu.enqueue_dma source(%dma_start3A_153 : memref<128xi32, #tpu.memory_space<hbm>>) target(%dma_start3A_151 : memref<128xi32, #tpu.memory_space<vmem>>) target_semaphore(%arg7 : memref<!tpu.dma_semaphore, #tpu.memory_space<semaphore_mem>>)
      } else {
      }
      %mul3A_121 = arith.constant 128 : i32
      %mul3A_122 = arith.muli %add3A_88, %mul3A_121 : i32
      %add3A_123 = arith.addi %mul3A_2, %mul3A_122 : i32
      %dma_wait3A_124 = arith.constant 1 : i32
      %dma_wait3A_125 = arith.constant 1 : i32
      %dma_wait3A_126 = arith.constant 0 : i32
      %dma_wait3A_127 = tpu.memref_slice %arg5[%dma_wait3A_125, %dma_wait3A_126] : memref<2x128xi32, #tpu.memory_space<vmem>> -> memref<1x128xi32, #tpu.memory_space<vmem>>
      %dma_wait3A_128 = tpu.memref_squeeze %dma_wait3A_127 : memref<1x128xi32, #tpu.memory_space<vmem>> -> memref<128xi32, #tpu.memory_space<vmem>>
      %dma_wait3A_129 = tpu.memref_slice %arg2[%dma_wait3A_124, %add3A_123] : memref<2x320000xi32, #tpu.memory_space<hbm>> -> memref<1x128xi32, #tpu.memory_space<hbm>>
      %dma_wait3A_130 = tpu.memref_squeeze %dma_wait3A_129 : memref<1x128xi32, #tpu.memory_space<hbm>> -> memref<128xi32, #tpu.memory_space<hbm>>
      %dma_wait3A_131 = arith.constant 0 : i32
      %dma_wait3A_132 = tpu.memref_slice %arg5[%dma_wait3A_125, %dma_wait3A_131] : memref<2x128xi32, #tpu.memory_space<vmem>> -> memref<1x128xi32, #tpu.memory_space<vmem>>
      %dma_wait3A_133 = tpu.memref_squeeze %dma_wait3A_132 : memref<1x128xi32, #tpu.memory_space<vmem>> -> memref<128xi32, #tpu.memory_space<vmem>>
      %dma_wait3A_134 = tpu.memref_slice %arg2[%dma_wait3A_124, %add3A_123] : memref<2x320000xi32, #tpu.memory_space<hbm>> -> memref<1x128xi32, #tpu.memory_space<hbm>>
      %dma_wait3A_135 = tpu.memref_squeeze %dma_wait3A_134 : memref<1x128xi32, #tpu.memory_space<hbm>> -> memref<128xi32, #tpu.memory_space<hbm>>
      tpu.wait_dma2 semaphore(%arg8 : memref<!tpu.dma_semaphore, #tpu.memory_space<semaphore_mem>>) src(%dma_wait3A_135 : memref<128xi32, #tpu.memory_space<hbm>>) dst(%dma_wait3A_133 : memref<128xi32, #tpu.memory_space<vmem>>)
      %run_scoped3A_136 = arith.constant 1 : i32
      "tpu.region"() ({
        %run_scoped3A_137 = tpu.sem_alloc : memref<!tpu.dma_semaphore, #tpu.memory_space<semaphore_mem>>
        %dma_start3A_138 = arith.constant 0 : i32
        %dma_start3A_139 = tpu.memref_slice %arg5[%run_scoped3A_136, %dma_start3A_138] : memref<2x128xi32, #tpu.memory_space<vmem>> -> memref<1x128xi32, #tpu.memory_space<vmem>>
        %dma_start3A_140 = tpu.memref_squeeze %dma_start3A_139 : memref<1x128xi32, #tpu.memory_space<vmem>> -> memref<128xi32, #tpu.memory_space<vmem>>
        %dma_start3A_141 = arith.constant 0 : i32
        %dma_start3A_142 = arith.constant 0 : i32
        %dma_start3A_143 = tpu.memref_slice %arg6[%dma_start3A_141, %dma_start3A_142] : memref<10240x32xf32, #tpu.memory_space<vmem_shared>> -> memref<10240x32xf32, #tpu.memory_space<vmem_shared>>
        tpu.enqueue_indirect_dma source(%arg4 : memref<128x32xf32, #tpu.memory_space<vmem>>) target(%dma_start3A_143 : memref<10240x32xf32, #tpu.memory_space<vmem_shared>>) offsets(%dma_start3A_140 : memref<128xi32, #tpu.memory_space<vmem>>) semaphore(%run_scoped3A_137 : memref<!tpu.dma_semaphore, #tpu.memory_space<semaphore_mem>>) {add = true}
        %dma_wait3A_144 = arith.constant 0 : i32
        %dma_wait3A_145 = tpu.memref_slice %arg5[%run_scoped3A_136, %dma_wait3A_144] : memref<2x128xi32, #tpu.memory_space<vmem>> -> memref<1x128xi32, #tpu.memory_space<vmem>>
        %dma_wait3A_146 = tpu.memref_squeeze %dma_wait3A_145 : memref<1x128xi32, #tpu.memory_space<vmem>> -> memref<128xi32, #tpu.memory_space<vmem>>
        %dma_wait3A_147 = arith.constant 0 : i32
        %dma_wait3A_148 = arith.constant 0 : i32
        %dma_wait3A_149 = tpu.memref_slice %arg6[%dma_wait3A_147, %dma_wait3A_148] : memref<10240x32xf32, #tpu.memory_space<vmem_shared>> -> memref<10240x32xf32, #tpu.memory_space<vmem_shared>>
        tpu.wait_indirect_dma semaphore(%run_scoped3A_137 : memref<!tpu.dma_semaphore, #tpu.memory_space<semaphore_mem>>) src(%arg4 : memref<128x32xf32, #tpu.memory_space<vmem>>) dst(%dma_wait3A_149 : memref<10240x32xf32, #tpu.memory_space<vmem_shared>>)
        tpu.yield
      }) : () -> ()
    }
    %barrier3A_77 = arith.constant 0 : index
    tpu.barrier barrier_id(%barrier3A_77)
    %mul3A_78 = arith.constant 640 : i32
    %mul3A_79 = arith.muli %arg1, %mul3A_78 : i32
    %mul3A_80 = arith.constant 640 : i32
    %mul3A_81 = arith.muli %arg1, %mul3A_80 : i32
    "tpu.region"() ({
      %run_scoped3A = tpu.sem_alloc : memref<!tpu.dma_semaphore, #tpu.memory_space<semaphore_mem>>
      %dma_start3A_82 = arith.constant 0 : i32
      %dma_start3A_83 = tpu.memref_slice %arg3[%arg0, %mul3A_81, %dma_start3A_82] : memref<2x10240x32xf32, #tpu.memory_space<hbm>> -> memref<1x640x32xf32, #tpu.memory_space<hbm>>
      %dma_start3A_84 = tpu.memref_squeeze %dma_start3A_83 : memref<1x640x32xf32, #tpu.memory_space<hbm>> -> memref<640x32xf32, #tpu.memory_space<hbm>>
      %dma_start3A_85 = arith.constant 0 : i32
      %dma_start3A_86 = tpu.memref_slice %arg6[%mul3A_79, %dma_start3A_85] : memref<10240x32xf32, #tpu.memory_space<vmem_shared>> -> memref<640x32xf32, #tpu.memory_space<vmem_shared>>
      tpu.enqueue_dma source(%dma_start3A_86 : memref<640x32xf32, #tpu.memory_space<vmem_shared>>) target(%dma_start3A_84 : memref<640x32xf32, #tpu.memory_space<hbm>>) target_semaphore(%run_scoped3A : memref<!tpu.dma_semaphore, #tpu.memory_space<semaphore_mem>>)
      %dma_wait3A = arith.constant 0 : i32
      %dma_wait3A_87 = tpu.memref_slice %arg3[%arg0, %mul3A_81, %dma_wait3A] : memref<2x10240x32xf32, #tpu.memory_space<hbm>> -> memref<1x640x32xf32, #tpu.memory_space<hbm>>
      %dma_wait3A_88 = tpu.memref_squeeze %dma_wait3A_87 : memref<1x640x32xf32, #tpu.memory_space<hbm>> -> memref<640x32xf32, #tpu.memory_space<hbm>>
      %dma_wait3A_89 = arith.constant 0 : i32
      %dma_wait3A_90 = tpu.memref_slice %arg6[%mul3A_79, %dma_wait3A_89] : memref<10240x32xf32, #tpu.memory_space<vmem_shared>> -> memref<640x32xf32, #tpu.memory_space<vmem_shared>>
      tpu.wait_dma2 semaphore(%run_scoped3A : memref<!tpu.dma_semaphore, #tpu.memory_space<semaphore_mem>>) src(%dma_wait3A_90 : memref<640x32xf32, #tpu.memory_space<vmem_shared>>) dst(%dma_wait3A_88 : memref<640x32xf32, #tpu.memory_space<hbm>>)
      tpu.yield
    }) : () -> ()
    return
  }
}

module attributes {stable_mosaic.version = 14 : i64} {
  func.func @_mm2_body(%arg0: i32, %arg1: memref<2x512x32xf32, #tpu.memory_space<vmem>>, %arg2: memref<2x512x128xf32, #tpu.memory_space<vmem>>, %arg3: memref<512x128xf32, #tpu.memory_space<vmem>>, %arg4: memref<1x128xf32, #tpu.memory_space<vmem>>, %arg5: memref<128x128xf32, #tpu.memory_space<vmem>>, %arg6: memref<512x128xf32, #tpu.memory_space<vmem>>) attributes {dimension_semantics = [#tpu.dimension_semantics<arbitrary>], iteration_bounds = array<i64: 20>, scalar_prefetch = 0 : i64, scratch_operands = 0 : i64, tpu.core_type = #tpu.core_type<tc>, window_params = [{transform_indices = @transform_0, window_bounds = array<i64: 2, 512, 32>}, {transform_indices = @transform_1, window_bounds = array<i64: 2, 512, 128>}, {transform_indices = @transform_2, window_bounds = array<i64: 512, 128>}, {pipeline_mode = #tpu.pipeline_mode<synchronous>, transform_indices = @transform_3, window_bounds = array<i64: 1, 128>}, {pipeline_mode = #tpu.pipeline_mode<synchronous>, transform_indices = @transform_4, window_bounds = array<i64: 128, 128>}, {transform_indices = @transform_5, window_bounds = array<i64: 512, 128>}]} {
    %get3A = arith.constant 0 : index
    %get3A_0 = arith.constant 0 : index
    %get3A_1 = arith.constant 0 : index
    %get3A_2 = vector.load %arg1[%get3A, %get3A_0, %get3A_1] : memref<2x512x32xf32, #tpu.memory_space<vmem>>, vector<1x512x1xf32>
    %get3A_3 = vector.shape_cast %get3A_2 : vector<1x512x1xf32> to vector<512x1xf32>
    %get3A_4 = arith.constant 1 : index
    %get3A_5 = arith.constant 0 : index
    %get3A_6 = arith.constant 0 : index
    %get3A_7 = vector.load %arg1[%get3A_4, %get3A_5, %get3A_6] : memref<2x512x32xf32, #tpu.memory_space<vmem>>, vector<1x512x1xf32>
    %get3A_8 = vector.shape_cast %get3A_7 : vector<1x512x1xf32> to vector<512x1xf32>
    %add3A = arith.addf %get3A_3, %get3A_8 : vector<512x1xf32>
    %add3A_9 = arith.constant 1.000000e+00 : f32
    %add3A_10 = vector.broadcast %add3A_9 : f32 to vector<512x1xf32>
    %add3A_11 = arith.addf %add3A, %add3A_10 : vector<512x1xf32>
    %rsqrt3A = math.rsqrt %add3A_11 : vector<512x1xf32>
    %get3A_12 = arith.constant 0 : index
    %get3A_13 = arith.constant 0 : index
    %get3A_14 = arith.constant 0 : index
    %get3A_15 = vector.load %arg2[%get3A_12, %get3A_13, %get3A_14] : memref<2x512x128xf32, #tpu.memory_space<vmem>>, vector<1x512x128xf32>
    %get3A_16 = vector.shape_cast %get3A_15 : vector<1x512x128xf32> to vector<512x128xf32>
    %get3A_17 = arith.constant 1 : index
    %get3A_18 = arith.constant 0 : index
    %get3A_19 = arith.constant 0 : index
    %get3A_20 = vector.load %arg2[%get3A_17, %get3A_18, %get3A_19] : memref<2x512x128xf32, #tpu.memory_space<vmem>>, vector<1x512x128xf32>
    %get3A_21 = vector.shape_cast %get3A_20 : vector<1x512x128xf32> to vector<512x128xf32>
    %add3A_22 = arith.addf %get3A_16, %get3A_21 : vector<512x128xf32>
    %get3A_23 = arith.constant 0 : index
    %get3A_24 = arith.constant 0 : index
    %get3A_25 = vector.load %arg3[%get3A_23, %get3A_24] : memref<512x128xf32, #tpu.memory_space<vmem>>, vector<512x128xf32>
    %add3A_26 = arith.addf %add3A_22, %get3A_25 : vector<512x128xf32>
    %mul3A = vector.broadcast %rsqrt3A : vector<512x1xf32> to vector<512x128xf32>
    %mul3A_27 = arith.mulf %add3A_26, %mul3A : vector<512x128xf32>
    %get3A_28 = arith.constant 0 : index
    %get3A_29 = arith.constant 0 : index
    %get3A_30 = vector.load %arg4[%get3A_28, %get3A_29] : memref<1x128xf32, #tpu.memory_space<vmem>>, vector<1x128xf32>
    %add3A_31 = vector.broadcast %get3A_30 : vector<1x128xf32> to vector<512x128xf32>
    %add3A_32 = arith.addf %mul3A_27, %add3A_31 : vector<512x128xf32>
    %max3A = arith.constant 0.000000e+00 : f32
    %max3A_33 = vector.broadcast %max3A : f32 to vector<512x128xf32>
    %max3A_34 = arith.maximumf %add3A_32, %max3A_33 : vector<512x128xf32>
    %get3A_35 = arith.constant 0 : index
    %get3A_36 = arith.constant 0 : index
    %get3A_37 = vector.load %arg5[%get3A_35, %get3A_36] : memref<128x128xf32, #tpu.memory_space<vmem>>, vector<128x128xf32>
    %dot_general3A = arith.constant dense<0.000000e+00> : vector<512x128xf32>
    %dot_general3A_38 = tpu.matmul %max3A_34, %get3A_37, %dot_general3A {dimension_numbers = #tpu.dot_dimension_numbers<[1], [0], [0], [1], [0, 0, 1, 1], [], []>, transpose_lhs_hint = false} : vector<512x128xf32>, vector<128x128xf32>, vector<512x128xf32> -> vector<512x128xf32>
    %mul3A_39 = vector.broadcast %rsqrt3A : vector<512x1xf32> to vector<512x128xf32>
    %mul3A_40 = arith.mulf %dot_general3A_38, %mul3A_39 : vector<512x128xf32>
    %swap3A = arith.constant 0 : index
    %swap3A_41 = arith.constant 0 : index
    %swap3A_42 = vector.load %arg6[%swap3A, %swap3A_41] : memref<512x128xf32, #tpu.memory_space<vmem>>, vector<512x128xf32>
    tpu.vector_store %arg6[%swap3A, %swap3A_41], %mul3A_40 {strides = array<i32>} : memref<512x128xf32, #tpu.memory_space<vmem>>, vector<512x128xf32>,
    return
  }
  func.func @transform_0(%arg0: i32) -> (i32, i32, i32) {
    %c0_i32 = arith.constant 0 : i32
    %c0_i32_0 = arith.constant 0 : i32
    %c0_i32_1 = arith.constant 0 : i32
    return %c0_i32, %arg0, %c0_i32_0 : i32, i32, i32
  }
  func.func @transform_1(%arg0: i32) -> (i32, i32, i32) {
    %c0_i32 = arith.constant 0 : i32
    %c0_i32_0 = arith.constant 0 : i32
    %c0_i32_1 = arith.constant 0 : i32
    return %c0_i32, %arg0, %c0_i32_0 : i32, i32, i32
  }
  func.func @transform_2(%arg0: i32) -> (i32, i32) {
    %c0_i32 = arith.constant 0 : i32
    %c0_i32_0 = arith.constant 0 : i32
    return %arg0, %c0_i32 : i32, i32
  }
  func.func @transform_3(%arg0: i32) -> (i32, i32) {
    %c0_i32 = arith.constant 0 : i32
    %c0_i32_0 = arith.constant 0 : i32
    %c0_i32_1 = arith.constant 0 : i32
    return %c0_i32, %c0_i32_0 : i32, i32
  }
  func.func @transform_4(%arg0: i32) -> (i32, i32) {
    %c0_i32 = arith.constant 0 : i32
    %c0_i32_0 = arith.constant 0 : i32
    %c0_i32_1 = arith.constant 0 : i32
    return %c0_i32, %c0_i32_0 : i32, i32
  }
  func.func @transform_5(%arg0: i32) -> (i32, i32) {
    %c0_i32 = arith.constant 0 : i32
    %c0_i32_0 = arith.constant 0 : i32
    return %arg0, %c0_i32 : i32, i32
  }
}

module attributes {stable_mosaic.version = 14 : i64} {
  func.func @_scale_body(%arg0: i32, %arg1: memref<2x512x32xf32, #tpu.memory_space<vmem>>, %arg2: memref<512x128xf32, #tpu.memory_space<vmem>>, %arg3: memref<512x128xf32, #tpu.memory_space<vmem>>) attributes {dimension_semantics = [#tpu.dimension_semantics<arbitrary>], iteration_bounds = array<i64: 20>, scalar_prefetch = 0 : i64, scratch_operands = 0 : i64, tpu.core_type = #tpu.core_type<tc>, window_params = [{transform_indices = @transform_0, window_bounds = array<i64: 2, 512, 32>}, {transform_indices = @transform_1, window_bounds = array<i64: 512, 128>}, {transform_indices = @transform_2, window_bounds = array<i64: 512, 128>}]} {
    %get3A = arith.constant 0 : index
    %get3A_0 = arith.constant 0 : index
    %get3A_1 = vector.load %arg2[%get3A, %get3A_0] : memref<512x128xf32, #tpu.memory_space<vmem>>, vector<512x128xf32>
    %get3A_2 = arith.constant 0 : index
    %get3A_3 = arith.constant 0 : index
    %get3A_4 = arith.constant 0 : index
    %get3A_5 = vector.load %arg1[%get3A_2, %get3A_3, %get3A_4] : memref<2x512x32xf32, #tpu.memory_space<vmem>>, vector<1x512x1xf32>
    %get3A_6 = vector.shape_cast %get3A_5 : vector<1x512x1xf32> to vector<512x1xf32>
    %get3A_7 = arith.constant 1 : index
    %get3A_8 = arith.constant 0 : index
    %get3A_9 = arith.constant 0 : index
    %get3A_10 = vector.load %arg1[%get3A_7, %get3A_8, %get3A_9] : memref<2x512x32xf32, #tpu.memory_space<vmem>>, vector<1x512x1xf32>
    %get3A_11 = vector.shape_cast %get3A_10 : vector<1x512x1xf32> to vector<512x1xf32>
    %add3A = arith.addf %get3A_6, %get3A_11 : vector<512x1xf32>
    %add3A_12 = arith.constant 1.000000e+00 : f32
    %add3A_13 = vector.broadcast %add3A_12 : f32 to vector<512x1xf32>
    %add3A_14 = arith.addf %add3A, %add3A_13 : vector<512x1xf32>
    %rsqrt3A = math.rsqrt %add3A_14 : vector<512x1xf32>
    %mul3A = vector.broadcast %rsqrt3A : vector<512x1xf32> to vector<512x128xf32>
    %mul3A_15 = arith.mulf %get3A_1, %mul3A : vector<512x128xf32>
    %swap3A = arith.constant 0 : index
    %swap3A_16 = arith.constant 0 : index
    %swap3A_17 = vector.load %arg3[%swap3A, %swap3A_16] : memref<512x128xf32, #tpu.memory_space<vmem>>, vector<512x128xf32>
    tpu.vector_store %arg3[%swap3A, %swap3A_16], %mul3A_15 {strides = array<i32>} : memref<512x128xf32, #tpu.memory_space<vmem>>, vector<512x128xf32>,
    return
  }
  func.func @transform_0(%arg0: i32) -> (i32, i32, i32) {
    %c0_i32 = arith.constant 0 : i32
    %c0_i32_0 = arith.constant 0 : i32
    %c0_i32_1 = arith.constant 0 : i32
    return %c0_i32, %arg0, %c0_i32_0 : i32, i32, i32
  }
  func.func @transform_1(%arg0: i32) -> (i32, i32) {
    %c0_i32 = arith.constant 0 : i32
    %c0_i32_0 = arith.constant 0 : i32
    return %arg0, %c0_i32 : i32, i32
  }
  func.func @transform_2(%arg0: i32) -> (i32, i32) {
    %c0_i32 = arith.constant 0 : i32
    %c0_i32_0 = arith.constant 0 : i32
    return %arg0, %c0_i32 : i32, i32
  }
}

module attributes {stable_mosaic.version = 14 : i64} {
  func.func @_mm1_body(%arg0: i32, %arg1: memref<512x128xf32, #tpu.memory_space<vmem>>, %arg2: memref<128x128xf32, #tpu.memory_space<vmem>>, %arg3: memref<512x128xf32, #tpu.memory_space<vmem>>) attributes {dimension_semantics = [#tpu.dimension_semantics<arbitrary>], iteration_bounds = array<i64: 20>, scalar_prefetch = 0 : i64, scratch_operands = 0 : i64, tpu.core_type = #tpu.core_type<tc>, window_params = [{transform_indices = @transform_0, window_bounds = array<i64: 512, 128>}, {pipeline_mode = #tpu.pipeline_mode<synchronous>, transform_indices = @transform_1, window_bounds = array<i64: 128, 128>}, {transform_indices = @transform_2, window_bounds = array<i64: 512, 128>}]} {
    %get3A = arith.constant 0 : index
    %get3A_0 = arith.constant 0 : index
    %get3A_1 = vector.load %arg1[%get3A, %get3A_0] : memref<512x128xf32, #tpu.memory_space<vmem>>, vector<512x128xf32>
    %get3A_2 = arith.constant 0 : index
    %get3A_3 = arith.constant 0 : index
    %get3A_4 = vector.load %arg2[%get3A_2, %get3A_3] : memref<128x128xf32, #tpu.memory_space<vmem>>, vector<128x128xf32>
    %dot_general3A = arith.constant dense<0.000000e+00> : vector<512x128xf32>
    %dot_general3A_5 = tpu.matmul %get3A_1, %get3A_4, %dot_general3A {dimension_numbers = #tpu.dot_dimension_numbers<[1], [0], [0], [1], [0, 0, 1, 1], [], []>, transpose_lhs_hint = false} : vector<512x128xf32>, vector<128x128xf32>, vector<512x128xf32> -> vector<512x128xf32>
    %swap3A = arith.constant 0 : index
    %swap3A_6 = arith.constant 0 : index
    %swap3A_7 = vector.load %arg3[%swap3A, %swap3A_6] : memref<512x128xf32, #tpu.memory_space<vmem>>, vector<512x128xf32>
    tpu.vector_store %arg3[%swap3A, %swap3A_6], %dot_general3A_5 {strides = array<i32>} : memref<512x128xf32, #tpu.memory_space<vmem>>, vector<512x128xf32>,
    return
  }
  func.func @transform_0(%arg0: i32) -> (i32, i32) {
    %c0_i32 = arith.constant 0 : i32
    %c0_i32_0 = arith.constant 0 : i32
    return %arg0, %c0_i32 : i32, i32
  }
  func.func @transform_1(%arg0: i32) -> (i32, i32) {
    %c0_i32 = arith.constant 0 : i32
    %c0_i32_0 = arith.constant 0 : i32
    %c0_i32_1 = arith.constant 0 : i32
    return %c0_i32, %c0_i32_0 : i32, i32
  }
  func.func @transform_2(%arg0: i32) -> (i32, i32) {
    %c0_i32 = arith.constant 0 : i32
    %c0_i32_0 = arith.constant 0 : i32
    return %arg0, %c0_i32 : i32, i32
  }
}

module attributes {stable_mosaic.version = 14 : i64} {
  func.func @_mm3_body(%arg0: i32, %arg1: memref<2x512x32xf32, #tpu.memory_space<vmem>>, %arg2: memref<2x512x128xf32, #tpu.memory_space<vmem>>, %arg3: memref<512x128xf32, #tpu.memory_space<vmem>>, %arg4: memref<1x128xf32, #tpu.memory_space<vmem>>, %arg5: memref<512x128xf32, #tpu.memory_space<vmem>>) attributes {dimension_semantics = [#tpu.dimension_semantics<arbitrary>], iteration_bounds = array<i64: 20>, scalar_prefetch = 0 : i64, scratch_operands = 0 : i64, tpu.core_type = #tpu.core_type<tc>, window_params = [{transform_indices = @transform_0, window_bounds = array<i64: 2, 512, 32>}, {transform_indices = @transform_1, window_bounds = array<i64: 2, 512, 128>}, {transform_indices = @transform_2, window_bounds = array<i64: 512, 128>}, {pipeline_mode = #tpu.pipeline_mode<synchronous>, transform_indices = @transform_3, window_bounds = array<i64: 1, 128>}, {transform_indices = @transform_4, window_bounds = array<i64: 512, 128>}]} {
    %get3A = arith.constant 0 : index
    %get3A_0 = arith.constant 0 : index
    %get3A_1 = arith.constant 0 : index
    %get3A_2 = vector.load %arg1[%get3A, %get3A_0, %get3A_1] : memref<2x512x32xf32, #tpu.memory_space<vmem>>, vector<1x512x1xf32>
    %get3A_3 = vector.shape_cast %get3A_2 : vector<1x512x1xf32> to vector<512x1xf32>
    %get3A_4 = arith.constant 1 : index
    %get3A_5 = arith.constant 0 : index
    %get3A_6 = arith.constant 0 : index
    %get3A_7 = vector.load %arg1[%get3A_4, %get3A_5, %get3A_6] : memref<2x512x32xf32, #tpu.memory_space<vmem>>, vector<1x512x1xf32>
    %get3A_8 = vector.shape_cast %get3A_7 : vector<1x512x1xf32> to vector<512x1xf32>
    %add3A = arith.addf %get3A_3, %get3A_8 : vector<512x1xf32>
    %add3A_9 = arith.constant 1.000000e+00 : f32
    %add3A_10 = vector.broadcast %add3A_9 : f32 to vector<512x1xf32>
    %add3A_11 = arith.addf %add3A, %add3A_10 : vector<512x1xf32>
    %rsqrt3A = math.rsqrt %add3A_11 : vector<512x1xf32>
    %get3A_12 = arith.constant 0 : index
    %get3A_13 = arith.constant 0 : index
    %get3A_14 = arith.constant 0 : index
    %get3A_15 = vector.load %arg2[%get3A_12, %get3A_13, %get3A_14] : memref<2x512x128xf32, #tpu.memory_space<vmem>>, vector<1x512x128xf32>
    %get3A_16 = vector.shape_cast %get3A_15 : vector<1x512x128xf32> to vector<512x128xf32>
    %get3A_17 = arith.constant 1 : index
    %get3A_18 = arith.constant 0 : index
    %get3A_19 = arith.constant 0 : index
    %get3A_20 = vector.load %arg2[%get3A_17, %get3A_18, %get3A_19] : memref<2x512x128xf32, #tpu.memory_space<vmem>>, vector<1x512x128xf32>
    %get3A_21 = vector.shape_cast %get3A_20 : vector<1x512x128xf32> to vector<512x128xf32>
    %add3A_22 = arith.addf %get3A_16, %get3A_21 : vector<512x128xf32>
    %get3A_23 = arith.constant 0 : index
    %get3A_24 = arith.constant 0 : index
    %get3A_25 = vector.load %arg3[%get3A_23, %get3A_24] : memref<512x128xf32, #tpu.memory_space<vmem>>, vector<512x128xf32>
    %add3A_26 = arith.addf %add3A_22, %get3A_25 : vector<512x128xf32>
    %mul3A = vector.broadcast %rsqrt3A : vector<512x1xf32> to vector<512x128xf32>
    %mul3A_27 = arith.mulf %add3A_26, %mul3A : vector<512x128xf32>
    %get3A_28 = arith.constant 0 : index
    %get3A_29 = arith.constant 0 : index
    %get3A_30 = vector.load %arg4[%get3A_28, %get3A_29] : memref<1x128xf32, #tpu.memory_space<vmem>>, vector<1x128xf32>
    %add3A_31 = vector.broadcast %get3A_30 : vector<1x128xf32> to vector<512x128xf32>
    %add3A_32 = arith.addf %mul3A_27, %add3A_31 : vector<512x128xf32>
    %swap3A = arith.constant 0 : index
    %swap3A_33 = arith.constant 0 : index
    %swap3A_34 = vector.load %arg5[%swap3A, %swap3A_33] : memref<512x128xf32, #tpu.memory_space<vmem>>, vector<512x128xf32>
    tpu.vector_store %arg5[%swap3A, %swap3A_33], %add3A_32 {strides = array<i32>} : memref<512x128xf32, #tpu.memory_space<vmem>>, vector<512x128xf32>,
    return
  }
  func.func @transform_0(%arg0: i32) -> (i32, i32, i32) {
    %c0_i32 = arith.constant 0 : i32
    %c0_i32_0 = arith.constant 0 : i32
    %c0_i32_1 = arith.constant 0 : i32
    return %c0_i32, %arg0, %c0_i32_0 : i32, i32, i32
  }
  func.func @transform_1(%arg0: i32) -> (i32, i32, i32) {
    %c0_i32 = arith.constant 0 : i32
    %c0_i32_0 = arith.constant 0 : i32
    %c0_i32_1 = arith.constant 0 : i32
    return %c0_i32, %arg0, %c0_i32_0 : i32, i32, i32
  }
  func.func @transform_2(%arg0: i32) -> (i32, i32) {
    %c0_i32 = arith.constant 0 : i32
    %c0_i32_0 = arith.constant 0 : i32
    return %arg0, %c0_i32 : i32, i32
  }
  func.func @transform_3(%arg0: i32) -> (i32, i32) {
    %c0_i32 = arith.constant 0 : i32
    %c0_i32_0 = arith.constant 0 : i32
    %c0_i32_1 = arith.constant 0 : i32
    return %c0_i32, %c0_i32_0 : i32, i32
  }
  func.func @transform_4(%arg0: i32) -> (i32, i32) {
    %c0_i32 = arith.constant 0 : i32
    %c0_i32_0 = arith.constant 0 : i32
    return %arg0, %c0_i32 : i32, i32
  }
}

</mosaic_0001>

<sc_bundles>
// kernel: kernel.12.cloned.1.call-start
scs
__scs_entry_jumppad:
0x0: {  	(pc) =	sbr.rel $0x88, $3  }
0x1: {  	(tag) =	ssettag $0x0;
	lr =	simm.s32 $0x1  }
0x2: {  	[smem:$0x3F9B] =	sst lr;
	_ =	strace $0xD0000000  }
0x3: {  	_ = 	snop  }
0x4: {  	_ = 	snop  }
0x5: {  	_ = 	snop  }
0x6: {  	_ = 	snop  }
0x7: {  	_ = 	snop  }
__scs_overlays_trampoline_lowered:
0x8: {  	[smem:$0x3FAA] =	sst s0  }
0x9: {  	[smem:$0x3FAB] =	sst s1  }
0xa: {  	[smem:$0x3FAC] =	sst s2  }
0xb: {  	[smem:$0x3FAD] =	sst s3  }
0xc: {  	[smem:$0x3FAE] =	sst s4  }
0xd: {  	[smem:$0x3FAF] =	sst s5  }
0xe: {  	[smem:$0x3FB0] =	sst s6  }
0xf: {  	[smem:$0x3FB1] =	sst s7  }
0x10: {  	[smem:$0x3FB2] =	sst s8  }
0x11: {  	[smem:$0x3FB3] =	sst s9;
	s0 =	simm.s32 @!p0 $0x0  }
0x12: {  	s1 =	sld [smem:$0x3F99];
	s0 =	simm.s32 @p0 $0x1  }
0x13: {  	[smem:$0x3FB4] =	sst s0;
	s0 =	simm.s32 @!p1 $0x0  }
0x14: {  	s2 =	sld [smem:$0x3F98];
	s0 =	simm.s32 @p1 $0x1  }
0x15: {  	[smem:$0x3FB5] =	sst s0;
	s0 =	simm.s32 @!p2 $0x0  }
0x16: {  	s3 =	sld [smem:$0x3FDB];
	s0 =	simm.s32 @p2 $0x1  }
0x17: {  	s4 =	simm.s32 $0x1BF5;
	[smem:$0x3FB7] =	sst s0  }
0x18: {  	s0 =	sld [smem:$0x3F9A];
	_ =	swait.ge [sflag:s4], $0x0  }
0x19: {  	s7 =	sld [smem:$0x3F9B]  }
0x1a: {  	s8 =	sadd.s32 $0xFFFFE003, lr  }
0x1b: {  	s9 =	sadd.s32 $0xFFFFFEF7, lr;
	s5 =	simm.s32 $0xFFFFFFFF;
	p2 =	slt.u32 s8, $0xFFFFF086  }
0x1c: {  	p1 =	slt.u32 s9, $0xF7A;
	s5 =	simm.s32 @!p2 $0x0  }
0x1d: {  	s5 =	simm.s32 @p1 $0x1;
	p0 =	seq.s32 s7, s2  }
0x1e: {  	s7 =	smul.u32 @!p0 $0xF7A, s2;
	p2 =	seq.s32 @!p0 s5, $0x0  }
0x1f: {  	s9 =	smul.u32 $0xF7A, s1;
	s8 =	simm.s32 @!p0 $0x1BF5;
	p2 =	por !p2, p0  }
0x20: {  	[sflag:s8] =	ssyncset.s32 @!p0 $0xFFFFF086;
	s6 =	sadd.s32 @!p0 s3, s7;
	s7 =	simm.s32 @!p0 $0x108  }
0x21: {  	s3 =	sadd.s32 s3, s9;
	s6 =	sadd.s32 @!p0 $0x88, s6;
	s7 =	simm.s32 @p2 $0x1082  }
0x22: {  	[simem:s7], [sflag:s8] =	dma.local @!p0 [hbm:s6], $0xF7A  }
0x23: {  	s9 =	sor.u32 $0xD0000000, s2;
	s6 =	simm.s32 $0x108;
	_ =	swait.ge @!p0 [sflag:s8], $0x0  }
0x24: {  	s3 =	sadd.s32 $0x88, s3;
	s6 =	simm.s32 @!p1 $0x1082;
	[sflag:s4] =	ssyncset.s32 $0xFFFFF086  }
0x25: {  	[simem:s6], [sflag:s4] =	dma.local [hbm:s3], $0xF7A  }
0x26: {  	[smem:$0x3F9B] =	sst s1;
	(tag) =	ssettag s2;
	_ =	strace s9  }
0x27: {  	s1 =	sld [smem:$0x3FAB]  }
0x28: {  	s2 =	sld [smem:$0x3FAC]  }
0x29: {  	s4 =	sld [smem:$0x3FAE]  }
0x2a: {  	p0 =	seq.s32 s5, $0x0;
	s5 =	sld [smem:$0x3FAF]  }
0x2b: {  	s6 =	sld [smem:$0x3FB0]  }
0x2c: {  	s7 =	sld [smem:$0x3FB1]  }
0x2d: {  	s3 =	simm.s32 $0x108;
	s8 =	sld [smem:$0x3FB2]  }
0x2e: {  	s3 =	simm.s32 @!p0 $0x1082;
	s9 =	sld [smem:$0x3FB3]  }
0x2f: {  	lr =	sadd.s32 s0, s3;
	s0 =	sld [smem:$0x3FAA]  }
0x30: {  	s3 =	sld [smem:$0x3FAD]  }
0x31: {  	[smem:$0x3FB6] =	sst s10  }
0x32: {  	s10 =	sld [smem:$0x3FB4];
	_ =	sdelay $0x3  }
0x33: {  	p0 =	seq.s32 s10, $0x1;
	s10 =	sld [smem:$0x3FB6];
	_ =	sdelay $0x3  }
0x34: {  	[smem:$0x3FB6] =	sst s10  }
0x35: {  	s10 =	sld [smem:$0x3FB5];
	_ =	sdelay $0x3  }
0x36: {  	p1 =	seq.s32 s10, $0x1;
	s10 =	sld [smem:$0x3FB6];
	_ =	sdelay $0x3  }
0x37: {  	[smem:$0x3FB6] =	sst s10  }
0x38: {  	s10 =	sld [smem:$0x3FB7]  }
0x39: {  	_ = 	snop;
	(pc) =	sbr.ind lr, $3  }
0x3a: {  	_ = 	snop  }
0x3b: {  	_ = 	snop  }
0x3c: {  	p2 =	seq.s32 s10, $0x1;
	s10 =	sld [smem:$0x3FB6]  }
0x3d: {  	_ =	shalt  }
0x3e: {  	_ =	shalt  }
0x3f: {  	_ =	shalt  }
0x40: {  	_ =	shalt  }
0x41: {  	_ =	shalt  }
0x42: {  	_ =	shalt  }
0x43: {  	_ =	shalt  }
0x44: {  	_ =	shalt  }
0x45: {  	_ =	shalt  }
0x46: {  	_ =	shalt  }
0x47: {  	_ =	shalt  }
0x48: {  	_ =	shalt  }
0x49: {  	_ =	shalt  }
0x4a: {  	_ =	shalt  }
0x4b: {  	_ =	shalt  }
0x4c: {  	_ =	shalt  }
0x4d: {  	_ =	shalt  }
0x4e: {  	_ =	shalt  }
0x4f: {  	_ =	shalt  }
0x50: {  	_ =	shalt  }
0x51: {  	_ =	shalt  }
0x52: {  	_ =	shalt  }
0x53: {  	_ =	shalt  }
0x54: {  	_ =	shalt  }
0x55: {  	_ =	shalt  }
0x56: {  	_ =	shalt  }
0x57: {  	_ =	shalt  }
0x58: {  	_ =	shalt  }
0x59: {  	_ =	shalt  }
0x5a: {  	_ =	shalt  }
0x5b: {  	_ =	shalt  }
0x5c: {  	_ =	shalt  }
0x5d: {  	_ =	shalt  }
0x5e: {  	_ =	shalt  }
0x5f: {  	_ =	shalt  }
0x60: {  	_ =	shalt  }
0x61: {  	_ =	shalt  }
0x62: {  	_ =	shalt  }
0x63: {  	_ =	shalt  }
0x64: {  	_ =	shalt  }
0x65: {  	_ =	shalt  }
0x66: {  	_ =	shalt  }
0x67: {  	_ =	shalt  }
0x68: {  	_ =	shalt  }
0x69: {  	_ =	shalt  }
0x6a: {  	_ =	shalt  }
0x6b: {  	_ =	shalt  }
0x6c: {  	_ =	shalt  }
0x6d: {  	_ =	shalt  }
0x6e: {  	_ =	shalt  }
0x6f: {  	_ =	shalt  }
0x70: {  	_ =	shalt  }
0x71: {  	_ =	shalt  }
0x72: {  	_ =	shalt  }
0x73: {  	_ =	shalt  }
0x74: {  	_ =	shalt  }
0x75: {  	_ =	shalt  }
0x76: {  	_ =	shalt  }
0x77: {  	_ =	shalt  }
0x78: {  	_ =	shalt  }
0x79: {  	_ =	shalt  }
0x7a: {  	_ =	shalt  }
0x7b: {  	_ =	shalt  }
0x7c: {  	_ =	shalt  }
0x7d: {  	_ =	shalt  }
0x7e: {  	_ =	shalt  }
0x7f: {  	_ =	shalt  }
0x80: {  	_ =	shalt  }
0x81: {  	_ =	shalt  }
0x82: {  	_ =	shalt  }
0x83: {  	_ =	shalt  }
0x84: {  	_ =	shalt  }
0x85: {  	_ =	shalt  }
0x86: {  	_ =	shalt  }
0x87: {  	_ =	shalt  }
.Lfunc_end0:
.L_simem_size_0:
called_computation.1_lowered:
.L_overlay_start_0:
0x88: {  	s2 =	sld [smem:$0x3FD9]  }
0x89: {  	s3 =	sld [smem:$0x3FFE];
	_ =	sdelay $0x1  }
0x8a: {  	s1 =	srdreg.scid  }
0x8b: {  	s0 =	sand.u32 $0x1, s1  }
0x8c: {  	s17 =	sshll.u32 s0, $0xA;
	s2 =	sadd.s32 s3, s2  }
0x8d: {  	s2 =	sadd.s32 s2, s17  }
0x8e: {  	[smem:$0x3FC2] =	sst s2  }
0x8f: {  	_ = 	snop  }
0x90: {  	s2 =	sld [smem:$0x3FC8]  }
0x91: {  	s18 =	sld [smem:$0x3FD0];
	(tm) =	ssettm $0x1  }
0x92: {  	s4 =	sld [smem:$0x3FFB];
	_ =	sdelay $0x3  }
0x93: {  	_ =	strace s4  }
0x94: {  	s4 =	sld [smem:$0x3FFC];
	_ =	sdelay $0x3  }
0x95: {  	_ =	strace s4  }
0x96: {  	s4 =	sld [smem:$0x3FFD];
	_ =	sdelay $0x3  }
0x97: {  	_ =	strace s4  }
0x98: {  	_ =	strace $0x8FFFFFFF  }
0x99: {  	s19 =	sld [smem:$0x3FDB];
	_ =	sdelay $0x1  }
0x9a: {  	s5 =	simm.s32 $_scs_section_size  }
0x9b: {  	s6 =	simm.s32 $_size__tile_overlayer_lowered;
	s7 =	simm.s32 $_tile_overlayer_lowered  }
0x9c: {  	s22 =	simm.s32 $0x1BFF;
	s21 =	sshll.u32 s7, $0x1;
	s4 =	sadd.s32 s5, s19  }
0x9d: {  	s8 =	simm.s32 $0x0;
	s20 =	sshll.u32 s6, $0x1;
	s6 =	sadd.s32 s21, s4  }
0x9e: {  	[timem:s8], [sflag:s22] =	dma.local [hbm:s6], s20  }
0x9f: {  	_ =	swait.ge [sflag:s22], s20  }
0xa0: {  	s5 =	ssub.s32 $0x0, s20;
	[sflag:s22] =	ssyncset.done $0x0  }
0xa1: {  	[sflag:s22] =	ssyncadd.s32 s5;
	_ =	sdelay $0x1  }
0xa2: {  	s23 =	simm.s32 $0x1B8B  }
0xa3: {  	_ =	swait.ge [sflag:s23], $0x1  }
0xa4: {  	[sflag:s23] =	ssyncset.done $0x0  }
0xa5: {  	s25 =	simm.s32 $0x1B8E;
	s24 =	sld [smem:$0x3FFE];
	[sflag:s23] =	ssyncadd.s32 $0xFFFFFFFF  }
0xa6: {  	s26 =	simm.s32 $execute0_lowered;
	[smem:$0x3FD2] =	sst s25  }
0xa7: {  	s6 =	sshll.u32 s26, $0x1;
	_ =	strace $0x80000049;
	[dreg:$0x1] =	wrdreg $0xFFFFFFFF  }
0xa8: {  	s28 =	simm.s32 $_size_execute0_lowered;
	s4 =	sadd.s32 s4, s6;
	[dreg:$0x0] =	wrdreg $0x0  }
0xa9: {  	s6 =	sshll.u32 s28, $0x1;
	[dreg:$0x2] =	wrdreg s4  }
0xaa: {  	[dreg:$0x3] =	wrdreg s6  }
0xab: {  	[dreg:$0x4] =	wrdreg $0xC0  }
0xac: {  	_ =	task [dreg:s8], $0x5FFFF  }
0xad: {  	[dreg:$0x1] =	wrdreg $0xFFFFFFFF  }
0xae: {  	[dreg:$0x0] =	wrdreg $0x60  }
0xaf: {  	[dreg:$0x2] =	wrdreg s18  }
0xb0: {  	[dreg:$0x3] =	wrdreg s2  }
0xb1: {  	[dreg:$0x4] =	wrdreg s24  }
0xb2: {  	[dreg:$0x5] =	wrdreg $0xA9000  }
0xb3: {  	[dreg:$0x6] =	wrdreg $0x9  }
0xb4: {  	_ =	task.clear_ibuf [dreg:s8], $0x7FFFF;
	_ =	strace $0x90000049  }
0xb5: {  	s29 =	simm.s32 $0x9;
	_ =	strace $0x8000004B  }
0xb6: {  	_ =	swait.ge [sflag:s29], $0x1  }
0xb7: {  	[sflag:s29] =	ssyncadd.s32 $0xFFFFFFFF  }
0xb8: {  	_ =	strace $0x9000004B  }
0xb9: {  	_ =	sfence  }
0xba: {  	s30 =	sld [smem:$0x0];
	_ =	sdelay $0x2  }
0xbb: {  	s31 =	sshll.u32 s1, $0xD;
	s1 =	sshrl.u32 s1, $0x2  }
0xbc: {  	s3 =	sand.u32 $0x4000, s31;
	s1 =	sadd.s32 s1, s30  }
0xbd: {  	s0 =	sor.u32 s3, s0;
	s1 =	sshll.u32 s1, $0x11  }
0xbe: {  	s0 =	sor.u32 s1, s0  }
0xbf: {  	s0 =	sadd.s32 $0x8F2B, s0  }
0xc0: {  	[sflag:s0] =	ssyncadd.remote.s32 $0x1  }
0xc1: {  	_ =	sfence.sel $0xFFFF  }
0xc2: {  	[dreg:$0x0] =	wrdreg $0xFFFFFFFF;
	(pc) =	sbr.abs _section_cstart, $3  }
0xc3: {  	[dreg:$0x1] =	wrdreg $0xFFFFFFFF  }
0xc4: {  	_ =	task.clear_ibuf [dreg:s8], $0x2FFFF;
	_ =	strace $0x9FFFFFFF  }
0xc5: {  	(tm) =	ssettm $0x7FFFFFFF  }
tec
execute0_lowered:
.L_overlay_start_1:
0x0: {  	(tag) =	ssettag $0x1  }
0x1: {  	s0 =	rddreg [dreg:$0x0]  }
0x2: {  	s1 =	rddreg [dreg:$0x1]  }
0x3: {  	s5 =	rddreg [dreg:$0x2]  }
0x4: {  	s2 =	srdreg.scid;
	s3 =	rddreg [dreg:$0x3]  }
0x5: {  	s19 =	stileid.u32;
	s4 =	simm.s32 $0x0;
	s28 =	simm.s32 $0x2  }
0x6: {  	s29 =	simm.s32 $0x4;
	s30 =	simm.s32 $0x0;
	s7 =	smul.u32 $0x14000, s19  }
0x7: {  	s8 =	sand.u32 $0x1, s2;
	[smem:$0x7FF] =	sst s4;
	s9 =	smul.u32 $0x50000, s19  }
0x8: {  	s16 =	smul.u32 $0x2800, s19;
	s11 =	sadd.s32 $0x13600, s1;
	s18 =	sadd.s32 $0x10, s1  }
0x9: {  	s6 =	smul.u32 $0x140000, s8;
	_ =	strace $0x8000004A;
	s20 =	ssub.s32 $0x2, s8  }
0xa: {  	s22 =	sshll.u32 s8, $0x4;
	s15 =	smul.u32 $0x28000, s8;
	s21 =	sshrl.u32 s20, $0x1  }
0xb: {  	s23 =	sshrl.u32 s9, $0x2;
	s6 =	sadd.s32 s7, s6;
	s14 =	ssub.s32 s20, s21  }
0xc: {  	s16 =	sadd.s32 s16, s15;
	s15 =	simm.s32 $0x240;
	s20 =	simm.s32 $0x5  }
0xd: {  	s21 =	simm.s32 $0xA800;
	s6 =	sshrl.u32 s6, $0x3;
	s14 =	smax.u32 s14, $0x1  }
0xe: {  	s17 =	sor.u32 $0x180, s16;
	s26 =	sor.u32 $0x100, s16;
	s13 =	sadd.s32 s6, s5  }
0xf: {  	s6 =	sor.u32 s19, s22;
	s5 =	sadd.s32 s23, s3;
	s17 =	sshrl.u32 s17, $0x2  }
0x10: {  	s19 =	sor.u32 $0x80, s16;
	s31 =	sshrl.u32 s26, $0x2;
	s22 =	simm.s32 $0x80  }
0x11: {  	s23 =	simm.s32 $0x6800;
	s26 =	simm.s32 $0x3;
	p0 =	seq.s32 s6, $0x1F  }
0x12: {  	s12 =	smul.u32 $0xA00, s6;
	s24 =	sadd.s32 $0x4000, s5;
	s7 =	sadd.s32 $0x8000, s5  }
0x13: {  	s8 =	sadd.s32 $0xC000, s5;
	s9 =	sadd.s32 $0x10000, s5;
	s13 =	sadd.s32 $0x2000, s13  }
0x14: {  	s25 =	sshrl.u32 s19, $0x2;
	s19 =	simm.s32 $0x2800;
	[dreg:$0x5] =	wrdreg s24  }
0x15: {  	s15 =	simm.s32 @!p0 $0x9C0;
	s24 =	simm.s32 $0xA880;
	s10 =	sadd.s32 s1, s12  }
0x16: {  	s12 =	sadd.s32 s12, s18;
	s1 =	sadd.s32 s17, s1;
	s17 =	sadd.s32 s25, s18  }
0x17: {  	v0 =	vimm.f32 $0.0e+00;
	s18 =	sadd.s32 s31, s18;
	s25 =	simm.s32 $0x1;
	s16 =	sadd.s32 $0xFFFFFFD0, s1  }
.LBB2_1:
0x18: {  	s1 =	simm.s32 $0x0;
	s31 =	simm.s32 $0x200  }
.LBB2_2:
0x19: {  	p1 =	sne.s32 s31, $0xFE00;
	[tilespmem:s1+$0x2870] =	vst v0  }
0x1a: {  	[tilespmem:s1+$0x2800] =	vst v0  }
0x1b: {  	[tilespmem:s1+$0x2810] =	vst v0  }
.Ltmp0:
0x1c: {  	[tilespmem:s1+$0x2820] =	vst v0;
	(pc) =	sbr.rel @p1 .LBB2_2-.Ltmp0, $4  }
0x1d: {  	[tilespmem:s1+$0x2830] =	vst v0  }
0x1e: {  	[tilespmem:s1+$0x2840] =	vst v0  }
0x1f: {  	[tilespmem:s1+$0x2850] =	vst v0  }
0x20: {  	[tilespmem:s1+$0x2860] =	vst v0;
	s1 =	sshra.s32 s31, $0x2;
	s31 =	sadd.s32 $0x200, s31  }
0x21: {  	[tilespmem:s1+$0x2870] =	vst v0  }
0x22: {  	[tilespmem:s1+$0x2800] =	vst v0  }
0x23: {  	[tilespmem:s1+$0x2810] =	vst v0  }
0x24: {  	[tilespmem:s1+$0x2820] =	vst v0  }
0x25: {  	[tilespmem:s1+$0x2830] =	vst v0  }
0x26: {  	[tilespmem:s1+$0x2840] =	vst v0  }
0x27: {  	[tilespmem:s1+$0x2850] =	vst v0  }
0x28: {  	[tilespmem:s1+$0x2860] =	vst v0  }
0x29: {  	[spmem:s5] =	stream.linear.scatter [tilespmem:s19], [sflag:$0x5], $0x4000, $0x38;
	[tilespmem:$0x1E900] =	vst v63  }
0x2a: {  	_ =	swait.ge [sflag:s20], $0x4000  }
0x2b: {  	[sflag:s20] =	ssyncset.done $0x0  }
0x2c: {  	s6 =	rddreg [dreg:$0x5];
	[sflag:s20] =	ssyncadd.s32 $0xFFFFC000  }
0x2d: {  	[spmem:s6] =	stream.linear.scatter [tilespmem:s19], [sflag:$0x5], $0x4000, $0x38;
	[tilespmem:$0x1E900] =	vst v63  }
0x2e: {  	_ =	swait.ge [sflag:s20], $0x4000  }
0x2f: {  	[sflag:s20] =	ssyncset.done $0x0  }
0x30: {  	[sflag:s20] =	ssyncadd.s32 $0xFFFFC000  }
0x31: {  	[spmem:s7] =	stream.linear.scatter [tilespmem:s19], [sflag:$0x5], $0x4000, $0x38;
	[tilespmem:$0x1E900] =	vst v63  }
0x32: {  	_ =	swait.ge [sflag:s20], $0x4000  }
0x33: {  	[sflag:s20] =	ssyncset.done $0x0  }
0x34: {  	[sflag:s20] =	ssyncadd.s32 $0xFFFFC000  }
0x35: {  	[spmem:s8] =	stream.linear.scatter [tilespmem:s19], [sflag:$0x5], $0x4000, $0x38;
	[tilespmem:$0x1E900] =	vst v63  }
0x36: {  	_ =	swait.ge [sflag:s20], $0x4000  }
0x37: {  	[sflag:s20] =	ssyncset.done $0x0  }
0x38: {  	[sflag:s20] =	ssyncadd.s32 $0xFFFFC000  }
0x39: {  	[spmem:s9] =	stream.linear.scatter [tilespmem:s19], [sflag:$0x5], $0x4000, $0x38;
	[tilespmem:$0x1E900] =	vst v63  }
0x3a: {  	_ =	swait.ge [sflag:s20], $0x4000  }
0x3b: {  	s1 =	simm.s32 @p0 $0x80;
	[sflag:s20] =	ssyncset.done $0x0  }
0x3c: {  	s31 =	simm.s32 @p0 $0x100;
	s2 =	simm.s32 @p0 $0x0;
	[sflag:s20] =	ssyncadd.s32 $0xFFFFC000  }
0x3d: {  	[tilespmem:s2], [sflag:$0x5] =	stream.strided.gather @p0 [hbm4b:s11+s1], $0xA00, s31, s1, $0x38;
	[tilespmem:$0x1E900] =	vst v63  }
0x3e: {  	s1 =	simm.s32 @p0 $0x5  }
0x3f: {  	_ =	swait.ge @p0 [sflag:s1], $0xA00  }
0x40: {  	s2 =	simm.s32 @!p0 $0x100;
	[sflag:s1] =	ssyncset.done @p0 $0x0  }
0x41: {  	s31 =	simm.s32 @!p0 $0x0;
	[sflag:s1] =	ssyncadd.s32 @p0 $0xFFFFF600;
	s1 =	simm.s32 @!p0 $0x80  }
0x42: {  	[tilespmem:s31], [sflag:$0x5] =	stream.strided.gather @!p0 [hbm4b:s10+s1], $0x2800, s2, s1, $0x38;
	[tilespmem:$0x1E900] =	vst v63  }
0x43: {  	s1 =	simm.s32 @!p0 $0x5  }
0x44: {  	_ =	swait.ge @!p0 [sflag:s1], $0x2800  }
0x45: {  	[sflag:s1] =	ssyncset.done @!p0 $0x0  }
0x46: {  	[sflag:s1] =	ssyncadd.s32 @!p0 $0xFFFFD800  }
0x47: {  	s31 =	simm.s32 $0x80;
	s2 =	simm.s32 $0x0;
	[bflag:$0x0] =	sbarrier.arrive $0xFFFF  }
0x48: {  	[tilespmem:s19], [sflag:$0x1] =	stream.indirect.gather [hbm4b:s0+s31], $0x80, s2, s31, $0xb8;
	[tilespmem:$0x1E900] =	vst v63  }
0x49: {  	_ = 	snop  }
0x4a: {  	[tilespmem:s21], [sflag:$0x3] =	stream.linear.gather [hbm4b:s12+s2], $0x80, $0x38;
	[tilespmem:$0x1E900] =	vst v63  }
0x4b: {  	_ = 	snop  }
0x4c: {  	[tilespmem:s23], [sflag:$0x2] =	stream.indirect.gather [hbm4b:s0+s22], $0x80, s31, s22, $0xb8;
	[tilespmem:$0x1E900] =	vst v63  }
0x4d: {  	s6 =	sadd.s32 $0x0, s17  }
0x4e: {  	[tilespmem:s24], [sflag:$0x4] =	stream.linear.gather [hbm4b:s6+s4], $0x80, $0x38;
	[tilespmem:$0x1E900] =	vst v63  }
0x4f: {  	_ =	swait.ge [sflag:s25], $0x4000  }
0x50: {  	[sflag:s25] =	ssyncset.done $0x0  }
0x51: {  	[sflag:s25] =	ssyncadd.s32 $0xFFFFC000  }
0x52: {  	_ =	swait.ge [sflag:s26], $0x80  }
0x53: {  	[sflag:s26] =	ssyncset.done $0x0  }
0x54: {  	[sflag:s26] =	ssyncadd.s32 $0xFFFFFF80  }
0x55: {  	[spmem:s3] =	stream.indirect.scatter.add.f32 [tilespmem:s19], [sflag:$0x5], $0x80, s21, s22, $0xb8;
	[tilespmem:$0x1E900] =	vst v63  }
0x56: {  	_ =	swait.ge [sflag:s20], $0x4000  }
0x57: {  	[sflag:s20] =	ssyncset.done $0x0  }
0x58: {  	s2 =	simm.s32 $0x100;
	[sflag:s20] =	ssyncadd.s32 $0xFFFFC000  }
0x59: {  	[tilespmem:s19], [sflag:$0x1] =	stream.indirect.gather [hbm4b:s0+s22], $0x80, s2, s22, $0xb8;
	[tilespmem:$0x1E900] =	vst v63  }
0x5a: {  	s6 =	sadd.s32 $0x0, s18  }
0x5b: {  	[tilespmem:s21], [sflag:$0x3] =	stream.linear.gather [hbm4b:s6+s4], $0x80, $0x38;
	[tilespmem:$0x1E900] =	vst v63  }
0x5c: {  	_ =	swait.ge [sflag:s28], $0x4000  }
0x5d: {  	[sflag:s28] =	ssyncset.done $0x0  }
0x5e: {  	[sflag:s28] =	ssyncadd.s32 $0xFFFFC000  }
0x5f: {  	p1 =	sne.s32 s15, $0x40;
	_ =	swait.ge [sflag:s29], $0x80  }
.Ltmp1:
0x60: {  	[sflag:s29] =	ssyncset.done $0x0;
	(pc) =	sbr.rel @!p1 .LBB2_5-.Ltmp1, $4  }
0x61: {  	[sflag:s29] =	ssyncadd.s32 $0xFFFFFF80  }
0x62: {  	[spmem:s3] =	stream.indirect.scatter.add.f32 [tilespmem:s23], [sflag:$0x5], $0x80, s24, s22, $0xb8;
	[tilespmem:$0x1E900] =	vst v63  }
0x63: {  	_ =	swait.ge [sflag:s20], $0x4000  }
0x64: {  	s1 =	simm.s32 $0x40;
	[sflag:s20] =	ssyncset.done $0x0  }
.LBB2_4:
0x65: {  	[sflag:s20] =	ssyncadd.s32 $0xFFFFC000  }
0x66: {  	s31 =	sadd.s32 $0x100, s31;
	s2 =	smov.u32 s1;
	s1 =	sadd.s32 $0x40, s1  }
0x67: {  	[tilespmem:s23], [sflag:$0x2] =	stream.indirect.gather [hbm4b:s0+s22], $0x80, s31, s22, $0xb8;
	[tilespmem:$0x1E900] =	vst v63  }
0x68: {  	s6 =	sadd.s32 s2, s17;
	p1 =	sne.s32 s15, s1  }
0x69: {  	[tilespmem:s24], [sflag:$0x4] =	stream.linear.gather [hbm4b:s6+s4], $0x80, $0x38;
	[tilespmem:$0x1E900] =	vst v63  }
0x6a: {  	_ =	swait.ge [sflag:s25], $0x4000  }
0x6b: {  	[sflag:s25] =	ssyncset.done $0x0  }
0x6c: {  	[sflag:s25] =	ssyncadd.s32 $0xFFFFC000  }
0x6d: {  	_ =	swait.ge [sflag:s26], $0x80  }
0x6e: {  	[sflag:s26] =	ssyncset.done $0x0  }
0x6f: {  	[sflag:s26] =	ssyncadd.s32 $0xFFFFFF80  }
0x70: {  	[spmem:s3] =	stream.indirect.scatter.add.f32 [tilespmem:s19], [sflag:$0x5], $0x80, s21, s22, $0xb8;
	[tilespmem:$0x1E900] =	vst v63  }
0x71: {  	_ =	swait.ge [sflag:s20], $0x4000  }
0x72: {  	[sflag:s20] =	ssyncset.done $0x0  }
0x73: {  	s6 =	sadd.s32 $0x80, s31;
	[sflag:s20] =	ssyncadd.s32 $0xFFFFC000  }
0x74: {  	[tilespmem:s19], [sflag:$0x1] =	stream.indirect.gather [hbm4b:s0+s22], $0x80, s6, s22, $0xb8;
	[tilespmem:$0x1E900] =	vst v63  }
0x75: {  	s2 =	sadd.s32 s2, s18  }
0x76: {  	[tilespmem:s21], [sflag:$0x3] =	stream.linear.gather [hbm4b:s2+s4], $0x80, $0x38;
	[tilespmem:$0x1E900] =	vst v63  }
0x77: {  	_ =	swait.ge [sflag:s28], $0x4000  }
0x78: {  	[sflag:s28] =	ssyncset.done $0x0  }
0x79: {  	[sflag:s28] =	ssyncadd.s32 $0xFFFFC000  }
0x7a: {  	_ =	swait.ge [sflag:s29], $0x80  }
.Ltmp2:
0x7b: {  	[sflag:s29] =	ssyncset.done $0x0;
	(pc) =	sbr.rel @p1 .LBB2_4-.Ltmp2, $4  }
0x7c: {  	[sflag:s29] =	ssyncadd.s32 $0xFFFFFF80  }
0x7d: {  	[spmem:s3] =	stream.indirect.scatter.add.f32 [tilespmem:s23], [sflag:$0x5], $0x80, s24, s22, $0xb8;
	[tilespmem:$0x1E900] =	vst v63  }
0x7e: {  	_ =	swait.ge [sflag:s20], $0x4000  }
0x7f: {  	[sflag:s20] =	ssyncset.done $0x0  }
.LBB2_5:
0x80: {  	[sflag:s20] =	ssyncadd.s32 $0xFFFFC000;
	s2 =	sadd.s32 $0x100, s31  }
0x81: {  	[tilespmem:s23], [sflag:$0x2] =	stream.indirect.gather [hbm4b:s0+s22], $0x80, s2, s22, $0xb8;
	[tilespmem:$0x1E900] =	vst v63  }
0x82: {  	s1 =	sadd.s32 s1, s16  }
0x83: {  	[tilespmem:s24], [sflag:$0x4] =	stream.linear.gather [hbm4b:s1+s4], $0x80, $0x38;
	[tilespmem:$0x1E900] =	vst v63  }
0x84: {  	_ =	swait.ge [sflag:s25], $0x4000  }
0x85: {  	[sflag:s25] =	ssyncset.done $0x0  }
0x86: {  	[sflag:s25] =	ssyncadd.s32 $0xFFFFC000  }
0x87: {  	_ =	swait.ge [sflag:s26], $0x80  }
0x88: {  	[sflag:s26] =	ssyncset.done $0x0  }
0x89: {  	[sflag:s26] =	ssyncadd.s32 $0xFFFFFF80  }
0x8a: {  	[spmem:s3] =	stream.indirect.scatter.add.f32 [tilespmem:s19], [sflag:$0x5], $0x80, s21, s22, $0xb8;
	[tilespmem:$0x1E900] =	vst v63  }
0x8b: {  	_ =	swait.ge [sflag:s20], $0x4000  }
0x8c: {  	[sflag:s20] =	ssyncset.done $0x0  }
0x8d: {  	[sflag:s20] =	ssyncadd.s32 $0xFFFFC000  }
0x8e: {  	_ =	swait.ge [sflag:s28], $0x4000  }
0x8f: {  	[sflag:s28] =	ssyncset.done $0x0  }
0x90: {  	[sflag:s28] =	ssyncadd.s32 $0xFFFFC000  }
0x91: {  	_ =	swait.ge [sflag:s29], $0x80  }
0x92: {  	[sflag:s29] =	ssyncset.done $0x0  }
0x93: {  	[sflag:s29] =	ssyncadd.s32 $0xFFFFFF80  }
0x94: {  	[spmem:s3] =	stream.indirect.scatter.add.f32 [tilespmem:s23], [sflag:$0x5], $0x80, s24, s22, $0xb8;
	[tilespmem:$0x1E900] =	vst v63  }
0x95: {  	s6 =	stileid.u32;
	_ =	swait.ge [sflag:s20], $0x4000  }
0x96: {  	s31 =	sshrl.u32 s5, $0x3;
	s30 =	sadd.s32 $0x1, s30;
	[sflag:s20] =	ssyncset.done $0x0  }
0x97: {  	p1 =	sne.s32 s30, s14;
	s1 =	sshll.u32 s6, $0x6;
	[sflag:s20] =	ssyncadd.s32 $0xFFFFC000  }
.Ltmp3:
0x98: {  	s1 =	sor.u32 $0x1C05, s1;
	[bflag:$0x0] =	sbarrier.arrive $0xFFFF;
	(pc) =	sbr.rel @p1 .LBB2_1-.Ltmp3, $4  }
0x99: {  	[hbm:s13], [sflag:s1] =	dma.local [spmem:s31], $0x2800  }
0x9a: {  	_ =	swait.ge [sflag:s20], $0x2800  }
0x9b: {  	[sflag:s20] =	ssyncset.done $0x0  }
0x9c: {  	[sflag:s20] =	ssyncadd.s32 $0xFFFFD800  }
0x9d: {  	_ =	sfence.sel $0x180000  }
0x9e: {  	[bflag:$0x0] =	sbarrier.arrive $0xFFFF  }
0x9f: {  	_ =	strace $0x9000004A  }
0xa0: {  	s0 =	stileid.u32;
	[bflag:$0x2] =	sbarrier.arrive $0xFFFF  }
0xa1: {  	p0 =	sne.s32 s0, $0x0;
	s0 =	rddreg [dreg:$0x4]  }
0xa2: {  	s0 =	sadd.s32 @!p0 $0x100000, s0  }
0xa3: {  	[sflag:s0] =	ssyncadd.tile.s32 @!p0 $0x1;
	_ =	shalt  }
.Lfunc_end2:
_tile_overlayer_lowered:
.L_overlay_start_2:
0xa4: {  	(tag) =	ssettag $0x2  }
0xa5: {  	s0 =	rddreg [dreg:$0x0];
	s2 =	stileid.u32  }
0xa6: {  	s1 =	rddreg [dreg:$0x1];
	p0 =	sne.s32 s2, $0x0  }
0xa7: {  	s3 =	rddreg [dreg:$0x2];
	[bflag:$0x3] =	sbarrier.arrive $0xFFFF;
	s2 =	simm.s32 @!p0 $0x1C05  }
0xa8: {  	[timem:s3], [sflag:s2] =	dma.local @!p0 [hbm:s0], s1  }
0xa9: {  	s0 =	simm.s32 @!p0 $0x5  }
0xaa: {  	_ =	swait.ge @!p0 [sflag:s0], s1  }
0xab: {  	s1 =	ssub.s32 @!p0 $0x0, s1;
	[sflag:s0] =	ssyncset.done @!p0 $0x0  }
0xac: {  	[sflag:s0] =	ssyncadd.s32 @!p0 s1  }
0xad: {  	[bflag:$0x3] =	sbarrier.arrive $0xFFFF  }
0xae: {  	_ =	shalt  }

// kernel: kernel.15.cloned.1.call-start
scs
__scs_entry_jumppad:
0x0: {  	(pc) =	sbr.rel $0x88, $3  }
0x1: {  	(tag) =	ssettag $0x0;
	lr =	simm.s32 $0x1  }
0x2: {  	[smem:$0x3F9B] =	sst lr;
	_ =	strace $0xD0000000  }
0x3: {  	_ = 	snop  }
0x4: {  	_ = 	snop  }
0x5: {  	_ = 	snop  }
0x6: {  	_ = 	snop  }
0x7: {  	_ = 	snop  }
__scs_overlays_trampoline_lowered:
0x8: {  	[smem:$0x3FAA] =	sst s0  }
0x9: {  	[smem:$0x3FAB] =	sst s1  }
0xa: {  	[smem:$0x3FAC] =	sst s2  }
0xb: {  	[smem:$0x3FAD] =	sst s3  }
0xc: {  	[smem:$0x3FAE] =	sst s4  }
0xd: {  	[smem:$0x3FAF] =	sst s5  }
0xe: {  	[smem:$0x3FB0] =	sst s6  }
0xf: {  	[smem:$0x3FB1] =	sst s7  }
0x10: {  	[smem:$0x3FB2] =	sst s8  }
0x11: {  	[smem:$0x3FB3] =	sst s9;
	s0 =	simm.s32 @!p0 $0x0  }
0x12: {  	s1 =	sld [smem:$0x3F99];
	s0 =	simm.s32 @p0 $0x1  }
0x13: {  	[smem:$0x3FB4] =	sst s0;
	s0 =	simm.s32 @!p1 $0x0  }
0x14: {  	s2 =	sld [smem:$0x3F98];
	s0 =	simm.s32 @p1 $0x1  }
0x15: {  	[smem:$0x3FB5] =	sst s0;
	s0 =	simm.s32 @!p2 $0x0  }
0x16: {  	s3 =	sld [smem:$0x3FDB];
	s0 =	simm.s32 @p2 $0x1  }
0x17: {  	s4 =	simm.s32 $0x1BF5;
	[smem:$0x3FB7] =	sst s0  }
0x18: {  	s0 =	sld [smem:$0x3F9A];
	_ =	swait.ge [sflag:s4], $0x0  }
0x19: {  	s7 =	sld [smem:$0x3F9B]  }
0x1a: {  	s8 =	sadd.s32 $0xFFFFE003, lr  }
0x1b: {  	s9 =	sadd.s32 $0xFFFFFEF7, lr;
	s5 =	simm.s32 $0xFFFFFFFF;
	p2 =	slt.u32 s8, $0xFFFFF086  }
0x1c: {  	p1 =	slt.u32 s9, $0xF7A;
	s5 =	simm.s32 @!p2 $0x0  }
0x1d: {  	s5 =	simm.s32 @p1 $0x1;
	p0 =	seq.s32 s7, s2  }
0x1e: {  	s7 =	smul.u32 @!p0 $0xF7A, s2;
	p2 =	seq.s32 @!p0 s5, $0x0  }
0x1f: {  	s9 =	smul.u32 $0xF7A, s1;
	s8 =	simm.s32 @!p0 $0x1BF5;
	p2 =	por !p2, p0  }
0x20: {  	[sflag:s8] =	ssyncset.s32 @!p0 $0xFFFFF086;
	s6 =	sadd.s32 @!p0 s3, s7;
	s7 =	simm.s32 @!p0 $0x108  }
0x21: {  	s3 =	sadd.s32 s3, s9;
	s6 =	sadd.s32 @!p0 $0x88, s6;
	s7 =	simm.s32 @p2 $0x1082  }
0x22: {  	[simem:s7], [sflag:s8] =	dma.local @!p0 [hbm:s6], $0xF7A  }
0x23: {  	s9 =	sor.u32 $0xD0000000, s2;
	s6 =	simm.s32 $0x108;
	_ =	swait.ge @!p0 [sflag:s8], $0x0  }
0x24: {  	s3 =	sadd.s32 $0x88, s3;
	s6 =	simm.s32 @!p1 $0x1082;
	[sflag:s4] =	ssyncset.s32 $0xFFFFF086  }
0x25: {  	[simem:s6], [sflag:s4] =	dma.local [hbm:s3], $0xF7A  }
0x26: {  	[smem:$0x3F9B] =	sst s1;
	(tag) =	ssettag s2;
	_ =	strace s9  }
0x27: {  	s1 =	sld [smem:$0x3FAB]  }
0x28: {  	s2 =	sld [smem:$0x3FAC]  }
0x29: {  	s4 =	sld [smem:$0x3FAE]  }
0x2a: {  	p0 =	seq.s32 s5, $0x0;
	s5 =	sld [smem:$0x3FAF]  }
0x2b: {  	s6 =	sld [smem:$0x3FB0]  }
0x2c: {  	s7 =	sld [smem:$0x3FB1]  }
0x2d: {  	s3 =	simm.s32 $0x108;
	s8 =	sld [smem:$0x3FB2]  }
0x2e: {  	s3 =	simm.s32 @!p0 $0x1082;
	s9 =	sld [smem:$0x3FB3]  }
0x2f: {  	lr =	sadd.s32 s0, s3;
	s0 =	sld [smem:$0x3FAA]  }
0x30: {  	s3 =	sld [smem:$0x3FAD]  }
0x31: {  	[smem:$0x3FB6] =	sst s10  }
0x32: {  	s10 =	sld [smem:$0x3FB4];
	_ =	sdelay $0x3  }
0x33: {  	p0 =	seq.s32 s10, $0x1;
	s10 =	sld [smem:$0x3FB6];
	_ =	sdelay $0x3  }
0x34: {  	[smem:$0x3FB6] =	sst s10  }
0x35: {  	s10 =	sld [smem:$0x3FB5];
	_ =	sdelay $0x3  }
0x36: {  	p1 =	seq.s32 s10, $0x1;
	s10 =	sld [smem:$0x3FB6];
	_ =	sdelay $0x3  }
0x37: {  	[smem:$0x3FB6] =	sst s10  }
0x38: {  	s10 =	sld [smem:$0x3FB7]  }
0x39: {  	_ = 	snop;
	(pc) =	sbr.ind lr, $3  }
0x3a: {  	_ = 	snop  }
0x3b: {  	_ = 	snop  }
0x3c: {  	p2 =	seq.s32 s10, $0x1;
	s10 =	sld [smem:$0x3FB6]  }
0x3d: {  	_ =	shalt  }
0x3e: {  	_ =	shalt  }
0x3f: {  	_ =	shalt  }
0x40: {  	_ =	shalt  }
0x41: {  	_ =	shalt  }
0x42: {  	_ =	shalt  }
0x43: {  	_ =	shalt  }
0x44: {  	_ =	shalt  }
0x45: {  	_ =	shalt  }
0x46: {  	_ =	shalt  }
0x47: {  	_ =	shalt  }
0x48: {  	_ =	shalt  }
0x49: {  	_ =	shalt  }
0x4a: {  	_ =	shalt  }
0x4b: {  	_ =	shalt  }
0x4c: {  	_ =	shalt  }
0x4d: {  	_ =	shalt  }
0x4e: {  	_ =	shalt  }
0x4f: {  	_ =	shalt  }
0x50: {  	_ =	shalt  }
0x51: {  	_ =	shalt  }
0x52: {  	_ =	shalt  }
0x53: {  	_ =	shalt  }
0x54: {  	_ =	shalt  }
0x55: {  	_ =	shalt  }
0x56: {  	_ =	shalt  }
0x57: {  	_ =	shalt  }
0x58: {  	_ =	shalt  }
0x59: {  	_ =	shalt  }
0x5a: {  	_ =	shalt  }
0x5b: {  	_ =	shalt  }
0x5c: {  	_ =	shalt  }
0x5d: {  	_ =	shalt  }
0x5e: {  	_ =	shalt  }
0x5f: {  	_ =	shalt  }
0x60: {  	_ =	shalt  }
0x61: {  	_ =	shalt  }
0x62: {  	_ =	shalt  }
0x63: {  	_ =	shalt  }
0x64: {  	_ =	shalt  }
0x65: {  	_ =	shalt  }
0x66: {  	_ =	shalt  }
0x67: {  	_ =	shalt  }
0x68: {  	_ =	shalt  }
0x69: {  	_ =	shalt  }
0x6a: {  	_ =	shalt  }
0x6b: {  	_ =	shalt  }
0x6c: {  	_ =	shalt  }
0x6d: {  	_ =	shalt  }
0x6e: {  	_ =	shalt  }
0x6f: {  	_ =	shalt  }
0x70: {  	_ =	shalt  }
0x71: {  	_ =	shalt  }
0x72: {  	_ =	shalt  }
0x73: {  	_ =	shalt  }
0x74: {  	_ =	shalt  }
0x75: {  	_ =	shalt  }
0x76: {  	_ =	shalt  }
0x77: {  	_ =	shalt  }
0x78: {  	_ =	shalt  }
0x79: {  	_ =	shalt  }
0x7a: {  	_ =	shalt  }
0x7b: {  	_ =	shalt  }
0x7c: {  	_ =	shalt  }
0x7d: {  	_ =	shalt  }
0x7e: {  	_ =	shalt  }
0x7f: {  	_ =	shalt  }
0x80: {  	_ =	shalt  }
0x81: {  	_ =	shalt  }
0x82: {  	_ =	shalt  }
0x83: {  	_ =	shalt  }
0x84: {  	_ =	shalt  }
0x85: {  	_ =	shalt  }
0x86: {  	_ =	shalt  }
0x87: {  	_ =	shalt  }
.Lfunc_end0:
.L_simem_size_0:
called_computation.2_lowered:
.L_overlay_start_0:
0x88: {  	s2 =	sld [smem:$0x3FD9]  }
0x89: {  	s3 =	sld [smem:$0x3FFE];
	_ =	sdelay $0x1  }
0x8a: {  	s1 =	srdreg.scid  }
0x8b: {  	s0 =	sand.u32 $0x1, s1  }
0x8c: {  	s17 =	sshll.u32 s0, $0xA;
	s2 =	sadd.s32 s3, s2  }
0x8d: {  	s2 =	sadd.s32 s2, s17  }
0x8e: {  	[smem:$0x3FC2] =	sst s2  }
0x8f: {  	_ = 	snop  }
0x90: {  	s2 =	sld [smem:$0x3FC8]  }
0x91: {  	s18 =	sld [smem:$0x3FD0];
	(tm) =	ssettm $0x1  }
0x92: {  	s4 =	sld [smem:$0x3FFB];
	_ =	sdelay $0x3  }
0x93: {  	_ =	strace s4  }
0x94: {  	s4 =	sld [smem:$0x3FFC];
	_ =	sdelay $0x3  }
0x95: {  	_ =	strace s4  }
0x96: {  	s4 =	sld [smem:$0x3FFD];
	_ =	sdelay $0x3  }
0x97: {  	_ =	strace s4  }
0x98: {  	_ =	strace $0x8FFFFFFF  }
0x99: {  	s19 =	sld [smem:$0x3FDB];
	_ =	sdelay $0x1  }
0x9a: {  	s5 =	simm.s32 $_scs_section_size  }
0x9b: {  	s6 =	simm.s32 $_size__tile_overlayer_lowered;
	s7 =	simm.s32 $_tile_overlayer_lowered  }
0x9c: {  	s22 =	simm.s32 $0x1BFF;
	s21 =	sshll.u32 s7, $0x1;
	s4 =	sadd.s32 s5, s19  }
0x9d: {  	s8 =	simm.s32 $0x0;
	s20 =	sshll.u32 s6, $0x1;
	s6 =	sadd.s32 s21, s4  }
0x9e: {  	[timem:s8], [sflag:s22] =	dma.local [hbm:s6], s20  }
0x9f: {  	_ =	swait.ge [sflag:s22], s20  }
0xa0: {  	s5 =	ssub.s32 $0x0, s20;
	[sflag:s22] =	ssyncset.done $0x0  }
0xa1: {  	[sflag:s22] =	ssyncadd.s32 s5;
	_ =	sdelay $0x1  }
0xa2: {  	s23 =	simm.s32 $0x1B8B  }
0xa3: {  	_ =	swait.ge [sflag:s23], $0x1  }
0xa4: {  	[sflag:s23] =	ssyncset.done $0x0  }
0xa5: {  	s25 =	simm.s32 $0x1B8E;
	s24 =	sld [smem:$0x3FFE];
	[sflag:s23] =	ssyncadd.s32 $0xFFFFFFFF  }
0xa6: {  	s26 =	simm.s32 $execute0_lowered;
	[smem:$0x3FD2] =	sst s25  }
0xa7: {  	s6 =	sshll.u32 s26, $0x1;
	_ =	strace $0x8000004C;
	[dreg:$0x1] =	wrdreg $0xFFFFFFFF  }
0xa8: {  	s28 =	simm.s32 $_size_execute0_lowered;
	s4 =	sadd.s32 s4, s6;
	[dreg:$0x0] =	wrdreg $0x0  }
0xa9: {  	s6 =	sshll.u32 s28, $0x1;
	[dreg:$0x2] =	wrdreg s4  }
0xaa: {  	[dreg:$0x3] =	wrdreg s6  }
0xab: {  	[dreg:$0x4] =	wrdreg $0xC0  }
0xac: {  	_ =	task [dreg:s8], $0x5FFFF  }
0xad: {  	[dreg:$0x1] =	wrdreg $0xFFFFFFFF  }
0xae: {  	[dreg:$0x0] =	wrdreg $0x60  }
0xaf: {  	[dreg:$0x2] =	wrdreg s18  }
0xb0: {  	[dreg:$0x3] =	wrdreg s2  }
0xb1: {  	[dreg:$0x4] =	wrdreg s24  }
0xb2: {  	[dreg:$0x5] =	wrdreg $0xA9000  }
0xb3: {  	[dreg:$0x6] =	wrdreg $0x9  }
0xb4: {  	_ =	task.clear_ibuf [dreg:s8], $0x7FFFF;
	_ =	strace $0x9000004C  }
0xb5: {  	s29 =	simm.s32 $0x9;
	_ =	strace $0x8000004E  }
0xb6: {  	_ =	swait.ge [sflag:s29], $0x1  }
0xb7: {  	[sflag:s29] =	ssyncadd.s32 $0xFFFFFFFF  }
0xb8: {  	_ =	strace $0x9000004E  }
0xb9: {  	_ =	sfence  }
0xba: {  	s30 =	sld [smem:$0x0];
	_ =	sdelay $0x2  }
0xbb: {  	s31 =	sshll.u32 s1, $0xD;
	s1 =	sshrl.u32 s1, $0x2  }
0xbc: {  	s3 =	sand.u32 $0x4000, s31;
	s1 =	sadd.s32 s1, s30  }
0xbd: {  	s0 =	sor.u32 s3, s0;
	s1 =	sshll.u32 s1, $0x11  }
0xbe: {  	s0 =	sor.u32 s1, s0  }
0xbf: {  	s0 =	sadd.s32 $0x8F2B, s0  }
0xc0: {  	[sflag:s0] =	ssyncadd.remote.s32 $0x1  }
0xc1: {  	_ =	sfence.sel $0xFFFF  }
0xc2: {  	[dreg:$0x0] =	wrdreg $0xFFFFFFFF;
	(pc) =	sbr.abs _section_cstart, $3  }
0xc3: {  	[dreg:$0x1] =	wrdreg $0xFFFFFFFF  }
0xc4: {  	_ =	task.clear_ibuf [dreg:s8], $0x2FFFF;
	_ =	strace $0x9FFFFFFF  }
0xc5: {  	(tm) =	ssettm $0x7FFFFFFF  }
tec
execute0_lowered:
.L_overlay_start_1:
0x0: {  	(tag) =	ssettag $0x1  }
0x1: {  	s0 =	rddreg [dreg:$0x0]  }
0x2: {  	s1 =	rddreg [dreg:$0x1]  }
0x3: {  	s5 =	rddreg [dreg:$0x2]  }
0x4: {  	s2 =	srdreg.scid;
	s3 =	rddreg [dreg:$0x3]  }
0x5: {  	s19 =	stileid.u32;
	s4 =	simm.s32 $0x0;
	s28 =	simm.s32 $0x2  }
0x6: {  	s29 =	simm.s32 $0x4;
	s30 =	simm.s32 $0x0;
	s7 =	smul.u32 $0x14000, s19  }
0x7: {  	s8 =	sand.u32 $0x1, s2;
	[smem:$0x7FF] =	sst s4;
	s9 =	smul.u32 $0x50000, s19  }
0x8: {  	s16 =	smul.u32 $0x2800, s19;
	s11 =	sadd.s32 $0x13600, s1;
	s18 =	sadd.s32 $0x10, s1  }
0x9: {  	s6 =	smul.u32 $0x140000, s8;
	_ =	strace $0x8000004D;
	s20 =	ssub.s32 $0x2, s8  }
0xa: {  	s22 =	sshll.u32 s8, $0x4;
	s15 =	smul.u32 $0x28000, s8;
	s21 =	sshrl.u32 s20, $0x1  }
0xb: {  	s23 =	sshrl.u32 s9, $0x2;
	s6 =	sadd.s32 s7, s6;
	s14 =	ssub.s32 s20, s21  }
0xc: {  	s16 =	sadd.s32 s16, s15;
	s15 =	simm.s32 $0x240;
	s20 =	simm.s32 $0x5  }
0xd: {  	s21 =	simm.s32 $0xA800;
	s6 =	sshrl.u32 s6, $0x3;
	s14 =	smax.u32 s14, $0x1  }
0xe: {  	s17 =	sor.u32 $0x180, s16;
	s26 =	sor.u32 $0x100, s16;
	s13 =	sadd.s32 s6, s5  }
0xf: {  	s6 =	sor.u32 s19, s22;
	s5 =	sadd.s32 s23, s3;
	s17 =	sshrl.u32 s17, $0x2  }
0x10: {  	s19 =	sor.u32 $0x80, s16;
	s31 =	sshrl.u32 s26, $0x2;
	s22 =	simm.s32 $0x80  }
0x11: {  	s23 =	simm.s32 $0x6800;
	s26 =	simm.s32 $0x3;
	p0 =	seq.s32 s6, $0x1F  }
0x12: {  	s12 =	smul.u32 $0xA00, s6;
	s24 =	sadd.s32 $0x4000, s5;
	s7 =	sadd.s32 $0x8000, s5  }
0x13: {  	s8 =	sadd.s32 $0xC000, s5;
	s9 =	sadd.s32 $0x10000, s5;
	s13 =	sadd.s32 $0x2000, s13  }
0x14: {  	s25 =	sshrl.u32 s19, $0x2;
	s19 =	simm.s32 $0x2800;
	[dreg:$0x5] =	wrdreg s24  }
0x15: {  	s15 =	simm.s32 @!p0 $0x9C0;
	s24 =	simm.s32 $0xA880;
	s10 =	sadd.s32 s1, s12  }
0x16: {  	s12 =	sadd.s32 s12, s18;
	s1 =	sadd.s32 s17, s1;
	s17 =	sadd.s32 s25, s18  }
0x17: {  	v0 =	vimm.f32 $0.0e+00;
	s18 =	sadd.s32 s31, s18;
	s25 =	simm.s32 $0x1;
	s16 =	sadd.s32 $0xFFFFFFD0, s1  }
.LBB2_1:
0x18: {  	s1 =	simm.s32 $0x0;
	s31 =	simm.s32 $0x200  }
.LBB2_2:
0x19: {  	p1 =	sne.s32 s31, $0xFE00;
	[tilespmem:s1+$0x2870] =	vst v0  }
0x1a: {  	[tilespmem:s1+$0x2800] =	vst v0  }
0x1b: {  	[tilespmem:s1+$0x2810] =	vst v0  }
.Ltmp0:
0x1c: {  	[tilespmem:s1+$0x2820] =	vst v0;
	(pc) =	sbr.rel @p1 .LBB2_2-.Ltmp0, $4  }
0x1d: {  	[tilespmem:s1+$0x2830] =	vst v0  }
0x1e: {  	[tilespmem:s1+$0x2840] =	vst v0  }
0x1f: {  	[tilespmem:s1+$0x2850] =	vst v0  }
0x20: {  	[tilespmem:s1+$0x2860] =	vst v0;
	s1 =	sshra.s32 s31, $0x2;
	s31 =	sadd.s32 $0x200, s31  }
0x21: {  	[tilespmem:s1+$0x2870] =	vst v0  }
0x22: {  	[tilespmem:s1+$0x2800] =	vst v0  }
0x23: {  	[tilespmem:s1+$0x2810] =	vst v0  }
0x24: {  	[tilespmem:s1+$0x2820] =	vst v0  }
0x25: {  	[tilespmem:s1+$0x2830] =	vst v0  }
0x26: {  	[tilespmem:s1+$0x2840] =	vst v0  }
0x27: {  	[tilespmem:s1+$0x2850] =	vst v0  }
0x28: {  	[tilespmem:s1+$0x2860] =	vst v0  }
0x29: {  	[spmem:s5] =	stream.linear.scatter [tilespmem:s19], [sflag:$0x5], $0x4000, $0x38;
	[tilespmem:$0x1E900] =	vst v63  }
0x2a: {  	_ =	swait.ge [sflag:s20], $0x4000  }
0x2b: {  	[sflag:s20] =	ssyncset.done $0x0  }
0x2c: {  	s6 =	rddreg [dreg:$0x5];
	[sflag:s20] =	ssyncadd.s32 $0xFFFFC000  }
0x2d: {  	[spmem:s6] =	stream.linear.scatter [tilespmem:s19], [sflag:$0x5], $0x4000, $0x38;
	[tilespmem:$0x1E900] =	vst v63  }
0x2e: {  	_ =	swait.ge [sflag:s20], $0x4000  }
0x2f: {  	[sflag:s20] =	ssyncset.done $0x0  }
0x30: {  	[sflag:s20] =	ssyncadd.s32 $0xFFFFC000  }
0x31: {  	[spmem:s7] =	stream.linear.scatter [tilespmem:s19], [sflag:$0x5], $0x4000, $0x38;
	[tilespmem:$0x1E900] =	vst v63  }
0x32: {  	_ =	swait.ge [sflag:s20], $0x4000  }
0x33: {  	[sflag:s20] =	ssyncset.done $0x0  }
0x34: {  	[sflag:s20] =	ssyncadd.s32 $0xFFFFC000  }
0x35: {  	[spmem:s8] =	stream.linear.scatter [tilespmem:s19], [sflag:$0x5], $0x4000, $0x38;
	[tilespmem:$0x1E900] =	vst v63  }
0x36: {  	_ =	swait.ge [sflag:s20], $0x4000  }
0x37: {  	[sflag:s20] =	ssyncset.done $0x0  }
0x38: {  	[sflag:s20] =	ssyncadd.s32 $0xFFFFC000  }
0x39: {  	[spmem:s9] =	stream.linear.scatter [tilespmem:s19], [sflag:$0x5], $0x4000, $0x38;
	[tilespmem:$0x1E900] =	vst v63  }
0x3a: {  	_ =	swait.ge [sflag:s20], $0x4000  }
0x3b: {  	s1 =	simm.s32 @p0 $0x80;
	[sflag:s20] =	ssyncset.done $0x0  }
0x3c: {  	s31 =	simm.s32 @p0 $0x100;
	s2 =	simm.s32 @p0 $0x0;
	[sflag:s20] =	ssyncadd.s32 $0xFFFFC000  }
0x3d: {  	[tilespmem:s2], [sflag:$0x5] =	stream.strided.gather @p0 [hbm4b:s11+s1], $0xA00, s31, s1, $0x38;
	[tilespmem:$0x1E900] =	vst v63  }
0x3e: {  	s1 =	simm.s32 @p0 $0x5  }
0x3f: {  	_ =	swait.ge @p0 [sflag:s1], $0xA00  }
0x40: {  	s2 =	simm.s32 @!p0 $0x100;
	[sflag:s1] =	ssyncset.done @p0 $0x0  }
0x41: {  	s31 =	simm.s32 @!p0 $0x0;
	[sflag:s1] =	ssyncadd.s32 @p0 $0xFFFFF600;
	s1 =	simm.s32 @!p0 $0x80  }
0x42: {  	[tilespmem:s31], [sflag:$0x5] =	stream.strided.gather @!p0 [hbm4b:s10+s1], $0x2800, s2, s1, $0x38;
	[tilespmem:$0x1E900] =	vst v63  }
0x43: {  	s1 =	simm.s32 @!p0 $0x5  }
0x44: {  	_ =	swait.ge @!p0 [sflag:s1], $0x2800  }
0x45: {  	[sflag:s1] =	ssyncset.done @!p0 $0x0  }
0x46: {  	[sflag:s1] =	ssyncadd.s32 @!p0 $0xFFFFD800  }
0x47: {  	s31 =	simm.s32 $0x80;
	s2 =	simm.s32 $0x0;
	[bflag:$0x0] =	sbarrier.arrive $0xFFFF  }
0x48: {  	[tilespmem:s19], [sflag:$0x1] =	stream.indirect.gather [hbm4b:s0+s31], $0x80, s2, s31, $0xb8;
	[tilespmem:$0x1E900] =	vst v63  }
0x49: {  	_ = 	snop  }
0x4a: {  	[tilespmem:s21], [sflag:$0x3] =	stream.linear.gather [hbm4b:s12+s2], $0x80, $0x38;
	[tilespmem:$0x1E900] =	vst v63  }
0x4b: {  	_ = 	snop  }
0x4c: {  	[tilespmem:s23], [sflag:$0x2] =	stream.indirect.gather [hbm4b:s0+s22], $0x80, s31, s22, $0xb8;
	[tilespmem:$0x1E900] =	vst v63  }
0x4d: {  	s6 =	sadd.s32 $0x0, s17  }
0x4e: {  	[tilespmem:s24], [sflag:$0x4] =	stream.linear.gather [hbm4b:s6+s4], $0x80, $0x38;
	[tilespmem:$0x1E900] =	vst v63  }
0x4f: {  	_ =	swait.ge [sflag:s25], $0x4000  }
0x50: {  	[sflag:s25] =	ssyncset.done $0x0  }
0x51: {  	[sflag:s25] =	ssyncadd.s32 $0xFFFFC000  }
0x52: {  	_ =	swait.ge [sflag:s26], $0x80  }
0x53: {  	[sflag:s26] =	ssyncset.done $0x0  }
0x54: {  	[sflag:s26] =	ssyncadd.s32 $0xFFFFFF80  }
0x55: {  	[spmem:s3] =	stream.indirect.scatter.add.f32 [tilespmem:s19], [sflag:$0x5], $0x80, s21, s22, $0xb8;
	[tilespmem:$0x1E900] =	vst v63  }
0x56: {  	_ =	swait.ge [sflag:s20], $0x4000  }
0x57: {  	[sflag:s20] =	ssyncset.done $0x0  }
0x58: {  	s2 =	simm.s32 $0x100;
	[sflag:s20] =	ssyncadd.s32 $0xFFFFC000  }
0x59: {  	[tilespmem:s19], [sflag:$0x1] =	stream.indirect.gather [hbm4b:s0+s22], $0x80, s2, s22, $0xb8;
	[tilespmem:$0x1E900] =	vst v63  }
0x5a: {  	s6 =	sadd.s32 $0x0, s18  }
0x5b: {  	[tilespmem:s21], [sflag:$0x3] =	stream.linear.gather [hbm4b:s6+s4], $0x80, $0x38;
	[tilespmem:$0x1E900] =	vst v63  }
0x5c: {  	_ =	swait.ge [sflag:s28], $0x4000  }
0x5d: {  	[sflag:s28] =	ssyncset.done $0x0  }
0x5e: {  	[sflag:s28] =	ssyncadd.s32 $0xFFFFC000  }
0x5f: {  	p1 =	sne.s32 s15, $0x40;
	_ =	swait.ge [sflag:s29], $0x80  }
.Ltmp1:
0x60: {  	[sflag:s29] =	ssyncset.done $0x0;
	(pc) =	sbr.rel @!p1 .LBB2_5-.Ltmp1, $4  }
0x61: {  	[sflag:s29] =	ssyncadd.s32 $0xFFFFFF80  }
0x62: {  	[spmem:s3] =	stream.indirect.scatter.add.f32 [tilespmem:s23], [sflag:$0x5], $0x80, s24, s22, $0xb8;
	[tilespmem:$0x1E900] =	vst v63  }
0x63: {  	_ =	swait.ge [sflag:s20], $0x4000  }
0x64: {  	s1 =	simm.s32 $0x40;
	[sflag:s20] =	ssyncset.done $0x0  }
.LBB2_4:
0x65: {  	[sflag:s20] =	ssyncadd.s32 $0xFFFFC000  }
0x66: {  	s31 =	sadd.s32 $0x100, s31;
	s2 =	smov.u32 s1;
	s1 =	sadd.s32 $0x40, s1  }
0x67: {  	[tilespmem:s23], [sflag:$0x2] =	stream.indirect.gather [hbm4b:s0+s22], $0x80, s31, s22, $0xb8;
	[tilespmem:$0x1E900] =	vst v63  }
0x68: {  	s6 =	sadd.s32 s2, s17;
	p1 =	sne.s32 s15, s1  }
0x69: {  	[tilespmem:s24], [sflag:$0x4] =	stream.linear.gather [hbm4b:s6+s4], $0x80, $0x38;
	[tilespmem:$0x1E900] =	vst v63  }
0x6a: {  	_ =	swait.ge [sflag:s25], $0x4000  }
0x6b: {  	[sflag:s25] =	ssyncset.done $0x0  }
0x6c: {  	[sflag:s25] =	ssyncadd.s32 $0xFFFFC000  }
0x6d: {  	_ =	swait.ge [sflag:s26], $0x80  }
0x6e: {  	[sflag:s26] =	ssyncset.done $0x0  }
0x6f: {  	[sflag:s26] =	ssyncadd.s32 $0xFFFFFF80  }
0x70: {  	[spmem:s3] =	stream.indirect.scatter.add.f32 [tilespmem:s19], [sflag:$0x5], $0x80, s21, s22, $0xb8;
	[tilespmem:$0x1E900] =	vst v63  }
0x71: {  	_ =	swait.ge [sflag:s20], $0x4000  }
0x72: {  	[sflag:s20] =	ssyncset.done $0x0  }
0x73: {  	s6 =	sadd.s32 $0x80, s31;
	[sflag:s20] =	ssyncadd.s32 $0xFFFFC000  }
0x74: {  	[tilespmem:s19], [sflag:$0x1] =	stream.indirect.gather [hbm4b:s0+s22], $0x80, s6, s22, $0xb8;
	[tilespmem:$0x1E900] =	vst v63  }
0x75: {  	s2 =	sadd.s32 s2, s18  }
0x76: {  	[tilespmem:s21], [sflag:$0x3] =	stream.linear.gather [hbm4b:s2+s4], $0x80, $0x38;
	[tilespmem:$0x1E900] =	vst v63  }
0x77: {  	_ =	swait.ge [sflag:s28], $0x4000  }
0x78: {  	[sflag:s28] =	ssyncset.done $0x0  }
0x79: {  	[sflag:s28] =	ssyncadd.s32 $0xFFFFC000  }
0x7a: {  	_ =	swait.ge [sflag:s29], $0x80  }
.Ltmp2:
0x7b: {  	[sflag:s29] =	ssyncset.done $0x0;
	(pc) =	sbr.rel @p1 .LBB2_4-.Ltmp2, $4  }
0x7c: {  	[sflag:s29] =	ssyncadd.s32 $0xFFFFFF80  }
0x7d: {  	[spmem:s3] =	stream.indirect.scatter.add.f32 [tilespmem:s23], [sflag:$0x5], $0x80, s24, s22, $0xb8;
	[tilespmem:$0x1E900] =	vst v63  }
0x7e: {  	_ =	swait.ge [sflag:s20], $0x4000  }
0x7f: {  	[sflag:s20] =	ssyncset.done $0x0  }
.LBB2_5:
0x80: {  	[sflag:s20] =	ssyncadd.s32 $0xFFFFC000;
	s2 =	sadd.s32 $0x100, s31  }
0x81: {  	[tilespmem:s23], [sflag:$0x2] =	stream.indirect.gather [hbm4b:s0+s22], $0x80, s2, s22, $0xb8;
	[tilespmem:$0x1E900] =	vst v63  }
0x82: {  	s1 =	sadd.s32 s1, s16  }
0x83: {  	[tilespmem:s24], [sflag:$0x4] =	stream.linear.gather [hbm4b:s1+s4], $0x80, $0x38;
	[tilespmem:$0x1E900] =	vst v63  }
0x84: {  	_ =	swait.ge [sflag:s25], $0x4000  }
0x85: {  	[sflag:s25] =	ssyncset.done $0x0  }
0x86: {  	[sflag:s25] =	ssyncadd.s32 $0xFFFFC000  }
0x87: {  	_ =	swait.ge [sflag:s26], $0x80  }
0x88: {  	[sflag:s26] =	ssyncset.done $0x0  }
0x89: {  	[sflag:s26] =	ssyncadd.s32 $0xFFFFFF80  }
0x8a: {  	[spmem:s3] =	stream.indirect.scatter.add.f32 [tilespmem:s19], [sflag:$0x5], $0x80, s21, s22, $0xb8;
	[tilespmem:$0x1E900] =	vst v63  }
0x8b: {  	_ =	swait.ge [sflag:s20], $0x4000  }
0x8c: {  	[sflag:s20] =	ssyncset.done $0x0  }
0x8d: {  	[sflag:s20] =	ssyncadd.s32 $0xFFFFC000  }
0x8e: {  	_ =	swait.ge [sflag:s28], $0x4000  }
0x8f: {  	[sflag:s28] =	ssyncset.done $0x0  }
0x90: {  	[sflag:s28] =	ssyncadd.s32 $0xFFFFC000  }
0x91: {  	_ =	swait.ge [sflag:s29], $0x80  }
0x92: {  	[sflag:s29] =	ssyncset.done $0x0  }
0x93: {  	[sflag:s29] =	ssyncadd.s32 $0xFFFFFF80  }
0x94: {  	[spmem:s3] =	stream.indirect.scatter.add.f32 [tilespmem:s23], [sflag:$0x5], $0x80, s24, s22, $0xb8;
	[tilespmem:$0x1E900] =	vst v63  }
0x95: {  	s6 =	stileid.u32;
	_ =	swait.ge [sflag:s20], $0x4000  }
0x96: {  	s31 =	sshrl.u32 s5, $0x3;
	s30 =	sadd.s32 $0x1, s30;
	[sflag:s20] =	ssyncset.done $0x0  }
0x97: {  	p1 =	sne.s32 s30, s14;
	s1 =	sshll.u32 s6, $0x6;
	[sflag:s20] =	ssyncadd.s32 $0xFFFFC000  }
.Ltmp3:
0x98: {  	s1 =	sor.u32 $0x1C05, s1;
	[bflag:$0x0] =	sbarrier.arrive $0xFFFF;
	(pc) =	sbr.rel @p1 .LBB2_1-.Ltmp3, $4  }
0x99: {  	[hbm:s13], [sflag:s1] =	dma.local [spmem:s31], $0x2800  }
0x9a: {  	_ =	swait.ge [sflag:s20], $0x2800  }
0x9b: {  	[sflag:s20] =	ssyncset.done $0x0  }
0x9c: {  	[sflag:s20] =	ssyncadd.s32 $0xFFFFD800  }
0x9d: {  	_ =	sfence.sel $0x180000  }
0x9e: {  	[bflag:$0x0] =	sbarrier.arrive $0xFFFF  }
0x9f: {  	_ =	strace $0x9000004D  }
0xa0: {  	s0 =	stileid.u32;
	[bflag:$0x2] =	sbarrier.arrive $0xFFFF  }
0xa1: {  	p0 =	sne.s32 s0, $0x0;
	s0 =	rddreg [dreg:$0x4]  }
0xa2: {  	s0 =	sadd.s32 @!p0 $0x100000, s0  }
0xa3: {  	[sflag:s0] =	ssyncadd.tile.s32 @!p0 $0x1;
	_ =	shalt  }
.Lfunc_end2:
_tile_overlayer_lowered:
.L_overlay_start_2:
0xa4: {  	(tag) =	ssettag $0x2  }
0xa5: {  	s0 =	rddreg [dreg:$0x0];
	s2 =	stileid.u32  }
0xa6: {  	s1 =	rddreg [dreg:$0x1];
	p0 =	sne.s32 s2, $0x0  }
0xa7: {  	s3 =	rddreg [dreg:$0x2];
	[bflag:$0x3] =	sbarrier.arrive $0xFFFF;
	s2 =	simm.s32 @!p0 $0x1C05  }
0xa8: {  	[timem:s3], [sflag:s2] =	dma.local @!p0 [hbm:s0], s1  }
0xa9: {  	s0 =	simm.s32 @!p0 $0x5  }
0xaa: {  	_ =	swait.ge @!p0 [sflag:s0], s1  }
0xab: {  	s1 =	ssub.s32 @!p0 $0x0, s1;
	[sflag:s0] =	ssyncset.done @!p0 $0x0  }
0xac: {  	[sflag:s0] =	ssyncadd.s32 @!p0 s1  }
0xad: {  	[bflag:$0x3] =	sbarrier.arrive $0xFFFF  }
0xae: {  	_ =	shalt  }

// kernel: kernel.9.cloned.1.call-start
scs
__scs_entry_jumppad:
0x0: {  	(pc) =	sbr.rel $0x88, $3  }
0x1: {  	(tag) =	ssettag $0x0;
	lr =	simm.s32 $0x1  }
0x2: {  	[smem:$0x3F9B] =	sst lr;
	_ =	strace $0xD0000000  }
0x3: {  	_ = 	snop  }
0x4: {  	_ = 	snop  }
0x5: {  	_ = 	snop  }
0x6: {  	_ = 	snop  }
0x7: {  	_ = 	snop  }
__scs_overlays_trampoline_lowered:
0x8: {  	[smem:$0x3FAA] =	sst s0  }
0x9: {  	[smem:$0x3FAB] =	sst s1  }
0xa: {  	[smem:$0x3FAC] =	sst s2  }
0xb: {  	[smem:$0x3FAD] =	sst s3  }
0xc: {  	[smem:$0x3FAE] =	sst s4  }
0xd: {  	[smem:$0x3FAF] =	sst s5  }
0xe: {  	[smem:$0x3FB0] =	sst s6  }
0xf: {  	[smem:$0x3FB1] =	sst s7  }
0x10: {  	[smem:$0x3FB2] =	sst s8  }
0x11: {  	[smem:$0x3FB3] =	sst s9;
	s0 =	simm.s32 @!p0 $0x0  }
0x12: {  	s1 =	sld [smem:$0x3F99];
	s0 =	simm.s32 @p0 $0x1  }
0x13: {  	[smem:$0x3FB4] =	sst s0;
	s0 =	simm.s32 @!p1 $0x0  }
0x14: {  	s2 =	sld [smem:$0x3F98];
	s0 =	simm.s32 @p1 $0x1  }
0x15: {  	[smem:$0x3FB5] =	sst s0;
	s0 =	simm.s32 @!p2 $0x0  }
0x16: {  	s3 =	sld [smem:$0x3FDB];
	s0 =	simm.s32 @p2 $0x1  }
0x17: {  	s4 =	simm.s32 $0x1BF5;
	[smem:$0x3FB7] =	sst s0  }
0x18: {  	s0 =	sld [smem:$0x3F9A];
	_ =	swait.ge [sflag:s4], $0x0  }
0x19: {  	s7 =	sld [smem:$0x3F9B]  }
0x1a: {  	s8 =	sadd.s32 $0xFFFFE003, lr  }
0x1b: {  	s9 =	sadd.s32 $0xFFFFFEF7, lr;
	s5 =	simm.s32 $0xFFFFFFFF;
	p2 =	slt.u32 s8, $0xFFFFF086  }
0x1c: {  	p1 =	slt.u32 s9, $0xF7A;
	s5 =	simm.s32 @!p2 $0x0  }
0x1d: {  	s5 =	simm.s32 @p1 $0x1;
	p0 =	seq.s32 s7, s2  }
0x1e: {  	s7 =	smul.u32 @!p0 $0xF7A, s2;
	p2 =	seq.s32 @!p0 s5, $0x0  }
0x1f: {  	s9 =	smul.u32 $0xF7A, s1;
	s8 =	simm.s32 @!p0 $0x1BF5;
	p2 =	por !p2, p0  }
0x20: {  	[sflag:s8] =	ssyncset.s32 @!p0 $0xFFFFF086;
	s6 =	sadd.s32 @!p0 s3, s7;
	s7 =	simm.s32 @!p0 $0x108  }
0x21: {  	s3 =	sadd.s32 s3, s9;
	s6 =	sadd.s32 @!p0 $0x88, s6;
	s7 =	simm.s32 @p2 $0x1082  }
0x22: {  	[simem:s7], [sflag:s8] =	dma.local @!p0 [hbm:s6], $0xF7A  }
0x23: {  	s9 =	sor.u32 $0xD0000000, s2;
	s6 =	simm.s32 $0x108;
	_ =	swait.ge @!p0 [sflag:s8], $0x0  }
0x24: {  	s3 =	sadd.s32 $0x88, s3;
	s6 =	simm.s32 @!p1 $0x1082;
	[sflag:s4] =	ssyncset.s32 $0xFFFFF086  }
0x25: {  	[simem:s6], [sflag:s4] =	dma.local [hbm:s3], $0xF7A  }
0x26: {  	[smem:$0x3F9B] =	sst s1;
	(tag) =	ssettag s2;
	_ =	strace s9  }
0x27: {  	s1 =	sld [smem:$0x3FAB]  }
0x28: {  	s2 =	sld [smem:$0x3FAC]  }
0x29: {  	s4 =	sld [smem:$0x3FAE]  }
0x2a: {  	p0 =	seq.s32 s5, $0x0;
	s5 =	sld [smem:$0x3FAF]  }
0x2b: {  	s6 =	sld [smem:$0x3FB0]  }
0x2c: {  	s7 =	sld [smem:$0x3FB1]  }
0x2d: {  	s3 =	simm.s32 $0x108;
	s8 =	sld [smem:$0x3FB2]  }
0x2e: {  	s3 =	simm.s32 @!p0 $0x1082;
	s9 =	sld [smem:$0x3FB3]  }
0x2f: {  	lr =	sadd.s32 s0, s3;
	s0 =	sld [smem:$0x3FAA]  }
0x30: {  	s3 =	sld [smem:$0x3FAD]  }
0x31: {  	[smem:$0x3FB6] =	sst s10  }
0x32: {  	s10 =	sld [smem:$0x3FB4];
	_ =	sdelay $0x3  }
0x33: {  	p0 =	seq.s32 s10, $0x1;
	s10 =	sld [smem:$0x3FB6];
	_ =	sdelay $0x3  }
0x34: {  	[smem:$0x3FB6] =	sst s10  }
0x35: {  	s10 =	sld [smem:$0x3FB5];
	_ =	sdelay $0x3  }
0x36: {  	p1 =	seq.s32 s10, $0x1;
	s10 =	sld [smem:$0x3FB6];
	_ =	sdelay $0x3  }
0x37: {  	[smem:$0x3FB6] =	sst s10  }
0x38: {  	s10 =	sld [smem:$0x3FB7]  }
0x39: {  	_ = 	snop;
	(pc) =	sbr.ind lr, $3  }
0x3a: {  	_ = 	snop  }
0x3b: {  	_ = 	snop  }
0x3c: {  	p2 =	seq.s32 s10, $0x1;
	s10 =	sld [smem:$0x3FB6]  }
0x3d: {  	_ =	shalt  }
0x3e: {  	_ =	shalt  }
0x3f: {  	_ =	shalt  }
0x40: {  	_ =	shalt  }
0x41: {  	_ =	shalt  }
0x42: {  	_ =	shalt  }
0x43: {  	_ =	shalt  }
0x44: {  	_ =	shalt  }
0x45: {  	_ =	shalt  }
0x46: {  	_ =	shalt  }
0x47: {  	_ =	shalt  }
0x48: {  	_ =	shalt  }
0x49: {  	_ =	shalt  }
0x4a: {  	_ =	shalt  }
0x4b: {  	_ =	shalt  }
0x4c: {  	_ =	shalt  }
0x4d: {  	_ =	shalt  }
0x4e: {  	_ =	shalt  }
0x4f: {  	_ =	shalt  }
0x50: {  	_ =	shalt  }
0x51: {  	_ =	shalt  }
0x52: {  	_ =	shalt  }
0x53: {  	_ =	shalt  }
0x54: {  	_ =	shalt  }
0x55: {  	_ =	shalt  }
0x56: {  	_ =	shalt  }
0x57: {  	_ =	shalt  }
0x58: {  	_ =	shalt  }
0x59: {  	_ =	shalt  }
0x5a: {  	_ =	shalt  }
0x5b: {  	_ =	shalt  }
0x5c: {  	_ =	shalt  }
0x5d: {  	_ =	shalt  }
0x5e: {  	_ =	shalt  }
0x5f: {  	_ =	shalt  }
0x60: {  	_ =	shalt  }
0x61: {  	_ =	shalt  }
0x62: {  	_ =	shalt  }
0x63: {  	_ =	shalt  }
0x64: {  	_ =	shalt  }
0x65: {  	_ =	shalt  }
0x66: {  	_ =	shalt  }
0x67: {  	_ =	shalt  }
0x68: {  	_ =	shalt  }
0x69: {  	_ =	shalt  }
0x6a: {  	_ =	shalt  }
0x6b: {  	_ =	shalt  }
0x6c: {  	_ =	shalt  }
0x6d: {  	_ =	shalt  }
0x6e: {  	_ =	shalt  }
0x6f: {  	_ =	shalt  }
0x70: {  	_ =	shalt  }
0x71: {  	_ =	shalt  }
0x72: {  	_ =	shalt  }
0x73: {  	_ =	shalt  }
0x74: {  	_ =	shalt  }
0x75: {  	_ =	shalt  }
0x76: {  	_ =	shalt  }
0x77: {  	_ =	shalt  }
0x78: {  	_ =	shalt  }
0x79: {  	_ =	shalt  }
0x7a: {  	_ =	shalt  }
0x7b: {  	_ =	shalt  }
0x7c: {  	_ =	shalt  }
0x7d: {  	_ =	shalt  }
0x7e: {  	_ =	shalt  }
0x7f: {  	_ =	shalt  }
0x80: {  	_ =	shalt  }
0x81: {  	_ =	shalt  }
0x82: {  	_ =	shalt  }
0x83: {  	_ =	shalt  }
0x84: {  	_ =	shalt  }
0x85: {  	_ =	shalt  }
0x86: {  	_ =	shalt  }
0x87: {  	_ =	shalt  }
.Lfunc_end0:
.L_simem_size_0:
called_computation_lowered:
.L_overlay_start_0:
0x88: {  	s2 =	sld [smem:$0x3FD9]  }
0x89: {  	s3 =	sld [smem:$0x3FFE];
	_ =	sdelay $0x1  }
0x8a: {  	s1 =	srdreg.scid  }
0x8b: {  	s0 =	sand.u32 $0x1, s1  }
0x8c: {  	s17 =	sshll.u32 s0, $0xA;
	s2 =	sadd.s32 s3, s2  }
0x8d: {  	s2 =	sadd.s32 s2, s17  }
0x8e: {  	[smem:$0x3FC2] =	sst s2  }
0x8f: {  	_ = 	snop  }
0x90: {  	s2 =	sld [smem:$0x3FC8];
	(tm) =	ssettm $0x1  }
0x91: {  	s18 =	sld [smem:$0x3FFB];
	_ =	sdelay $0x3  }
0x92: {  	_ =	strace s18  }
0x93: {  	s3 =	sld [smem:$0x3FFC];
	_ =	sdelay $0x3  }
0x94: {  	_ =	strace s3  }
0x95: {  	s3 =	sld [smem:$0x3FFD];
	_ =	sdelay $0x3  }
0x96: {  	_ =	strace s3  }
0x97: {  	_ =	strace $0x8FFFFFFF  }
0x98: {  	s19 =	sld [smem:$0x3FDB];
	_ =	sdelay $0x1  }
0x99: {  	s4 =	simm.s32 $_scs_section_size  }
0x9a: {  	s5 =	simm.s32 $_size__tile_overlayer_lowered;
	s6 =	simm.s32 $_tile_overlayer_lowered  }
0x9b: {  	s22 =	simm.s32 $0x1BFF;
	s21 =	sshll.u32 s6, $0x1;
	s3 =	sadd.s32 s4, s19  }
0x9c: {  	s7 =	simm.s32 $0x0;
	s20 =	sshll.u32 s5, $0x1;
	s5 =	sadd.s32 s21, s3  }
0x9d: {  	[timem:s7], [sflag:s22] =	dma.local [hbm:s5], s20  }
0x9e: {  	_ =	swait.ge [sflag:s22], s20  }
0x9f: {  	s4 =	ssub.s32 $0x0, s20;
	[sflag:s22] =	ssyncset.done $0x0  }
0xa0: {  	[sflag:s22] =	ssyncadd.s32 s4;
	_ =	sdelay $0x1  }
0xa1: {  	s23 =	simm.s32 $0x1B8B  }
0xa2: {  	_ =	swait.ge [sflag:s23], $0x1  }
0xa3: {  	[sflag:s23] =	ssyncset.done $0x0  }
0xa4: {  	s25 =	simm.s32 $0x1B8E;
	s24 =	sld [smem:$0x3FFE];
	[sflag:s23] =	ssyncadd.s32 $0xFFFFFFFF  }
0xa5: {  	s26 =	simm.s32 $execute0_lowered;
	[smem:$0x3FD2] =	sst s25  }
0xa6: {  	s5 =	sshll.u32 s26, $0x1;
	_ =	strace $0x80000046;
	[dreg:$0x1] =	wrdreg $0xFFFFFFFF  }
0xa7: {  	s28 =	simm.s32 $_size_execute0_lowered;
	s3 =	sadd.s32 s3, s5;
	[dreg:$0x0] =	wrdreg $0x0  }
0xa8: {  	s5 =	sshll.u32 s28, $0x1;
	[dreg:$0x2] =	wrdreg s3  }
0xa9: {  	[dreg:$0x3] =	wrdreg s5  }
0xaa: {  	[dreg:$0x4] =	wrdreg $0xC0  }
0xab: {  	_ =	task [dreg:s7], $0x5FFFF  }
0xac: {  	[dreg:$0x1] =	wrdreg $0xFFFFFFFF  }
0xad: {  	[dreg:$0x0] =	wrdreg $0x60  }
0xae: {  	[dreg:$0x2] =	wrdreg s2  }
0xaf: {  	[dreg:$0x3] =	wrdreg s24  }
0xb0: {  	[dreg:$0x4] =	wrdreg $0x41000  }
0xb1: {  	[dreg:$0x5] =	wrdreg $0x9  }
0xb2: {  	_ =	task.clear_ibuf [dreg:s7], $0x6FFFF;
	_ =	strace $0x90000046  }
0xb3: {  	s29 =	simm.s32 $0x9;
	_ =	strace $0x80000048  }
0xb4: {  	_ =	swait.ge [sflag:s29], $0x1  }
0xb5: {  	[sflag:s29] =	ssyncadd.s32 $0xFFFFFFFF  }
0xb6: {  	_ =	strace $0x90000048  }
0xb7: {  	_ =	sfence  }
0xb8: {  	s30 =	sld [smem:$0x0];
	_ =	sdelay $0x2  }
0xb9: {  	s31 =	sshll.u32 s1, $0xD;
	s1 =	sshrl.u32 s1, $0x2  }
0xba: {  	s3 =	sand.u32 $0x4000, s31;
	s1 =	sadd.s32 s1, s30  }
0xbb: {  	s0 =	sor.u32 s3, s0;
	s1 =	sshll.u32 s1, $0x11  }
0xbc: {  	s0 =	sor.u32 s1, s0  }
0xbd: {  	s0 =	sadd.s32 $0x8F2B, s0  }
0xbe: {  	[sflag:s0] =	ssyncadd.remote.s32 $0x1  }
0xbf: {  	_ =	sfence.sel $0xFFFF  }
0xc0: {  	[dreg:$0x0] =	wrdreg $0xFFFFFFFF;
	(pc) =	sbr.abs _section_cstart, $3  }
0xc1: {  	[dreg:$0x1] =	wrdreg $0xFFFFFFFF  }
0xc2: {  	_ =	task.clear_ibuf [dreg:s7], $0x2FFFF;
	_ =	strace $0x9FFFFFFF  }
0xc3: {  	(tm) =	ssettm $0x7FFFFFFF  }
tec
execute0_lowered:
.L_overlay_start_1:
0x0: {  	(tag) =	ssettag $0x1  }
0x1: {  	s13 =	rddreg [dreg:$0x0]  }
0x2: {  	s4 =	rddreg [dreg:$0x1]  }
0x3: {  	s0 =	srdreg.scid;
	s2 =	rddreg [dreg:$0x2]  }
0x4: {  	s1 =	stileid.u32;
	s3 =	simm.s32 $0x0;
	s18 =	simm.s32 $0x4080  }
0x5: {  	s19 =	simm.s32 $0x1;
	s20 =	simm.s32 $0x80;
	s7 =	smul.u32 $0x14000, s1  }
0x6: {  	s21 =	simm.s32 $0x2;
	s22 =	simm.s32 $0x0;
	s8 =	smul.u32 $0x50000, s1  }
0x7: {  	s5 =	sand.u32 $0x1, s0;
	s0 =	rddreg [dreg:$0x3];
	s14 =	smul.u32 $0x2800, s1  }
0x8: {  	[smem:$0x7FF] =	sst s3;
	s15 =	sadd.s32 $0x10, s13;
	s6 =	smul.u32 $0x140000, s5  }
0x9: {  	_ =	strace $0x80000047;
	s26 =	sshll.u32 s5, $0x4;
	s28 =	ssub.s32 $0x2, s5  }
0xa: {  	s11 =	smul.u32 $0x28000, s5;
	s29 =	sor.u32 s1, s26;
	s30 =	sshrl.u32 s28, $0x1  }
0xb: {  	s8 =	sshrl.u32 s8, $0x2;
	s6 =	sadd.s32 s7, s6;
	s9 =	smul.u32 $0xA00, s29  }
0xc: {  	s12 =	ssub.s32 s28, s30;
	p0 =	seq.s32 s29, $0x1F;
	s14 =	sadd.s32 s14, s11  }
0xd: {  	s11 =	simm.s32 $0x9;
	s6 =	sshrl.u32 s6, $0x3;
	s16 =	sor.u32 $0x180, s14  }
0xe: {  	s12 =	smax.u32 s12, $0x1;
	s11 =	simm.s32 @!p0 $0x27;
	s31 =	sor.u32 $0x100, s14  }
0xf: {  	s14 =	sor.u32 $0x80, s14;
	s10 =	sadd.s32 s6, s4;
	s4 =	sadd.s32 s8, s2  }
0x10: {  	s9 =	sadd.s32 s9, s15;
	s16 =	sshrl.u32 s16, $0x2;
	s17 =	sshrl.u32 s14, $0x2  }
0x11: {  	s5 =	sadd.s32 $0x4000, s4;
	s6 =	sadd.s32 $0x8000, s4;
	s7 =	sadd.s32 $0xC000, s4  }
0x12: {  	s8 =	sadd.s32 $0x10000, s4;
	s13 =	sadd.s32 s16, s13;
	s16 =	sshrl.u32 s31, $0x2  }
0x13: {  	s10 =	sadd.s32 $0x2000, s10;
	s13 =	ssub.s32 $0x30, s13;
	s14 =	sadd.s32 s16, s15  }
0x14: {  	v0 =	vimm.f32 $0.0e+00;
	v1 =	vimm.f32 $1.000000000e+00;
	s15 =	sadd.s32 s17, s15;
	s16 =	simm.s32 $0x3;
	s17 =	simm.s32 $0x4000  }
.LBB2_1:
0x15: {  	s23 =	simm.s32 $0x200;
	s24 =	simm.s32 $0x0  }
.LBB2_2:
0x16: {  	p0 =	sne.s32 s23, $0xFE00;
	[tilespmem:s24+$0x0] =	vst v0;
	s25 =	smov.u32 s23;
	s23 =	sadd.s32 $0x200, s23  }
.Ltmp0:
0x17: {  	[tilespmem:s24+$0x10] =	vst v0;
	(pc) =	sbr.rel @p0 .LBB2_2-.Ltmp0, $2  }
0x18: {  	_ =	sdelay $0x2  }
0x19: {  	s24 =	sshra.s32 s25, $0x2  }
0x1a: {  	[tilespmem:s24+$0x0] =	vst v0  }
0x1b: {  	[tilespmem:s24+$0x10] =	vst v0;
	s23 =	simm.s32 $0x0  }
0x1c: {  	[spmem:s4] =	stream.linear.scatter [tilespmem:s23], [sflag:$0x3], $0x4000, $0x38;
	[tilespmem:$0x9100] =	vst v63  }
0x1d: {  	_ =	swait.ge [sflag:s16], $0x4000  }
0x1e: {  	[sflag:s16] =	ssyncset.done $0x0  }
0x1f: {  	[sflag:s16] =	ssyncadd.s32 $0xFFFFC000  }
0x20: {  	[spmem:s5] =	stream.linear.scatter [tilespmem:s23], [sflag:$0x3], $0x4000, $0x38;
	[tilespmem:$0x9100] =	vst v63  }
0x21: {  	_ =	swait.ge [sflag:s16], $0x4000  }
0x22: {  	[sflag:s16] =	ssyncset.done $0x0  }
0x23: {  	[sflag:s16] =	ssyncadd.s32 $0xFFFFC000  }
0x24: {  	[spmem:s6] =	stream.linear.scatter [tilespmem:s23], [sflag:$0x3], $0x4000, $0x38;
	[tilespmem:$0x9100] =	vst v63  }
0x25: {  	_ =	swait.ge [sflag:s16], $0x4000  }
0x26: {  	[sflag:s16] =	ssyncset.done $0x0  }
0x27: {  	[sflag:s16] =	ssyncadd.s32 $0xFFFFC000  }
0x28: {  	[spmem:s7] =	stream.linear.scatter [tilespmem:s23], [sflag:$0x3], $0x4000, $0x38;
	[tilespmem:$0x9100] =	vst v63  }
0x29: {  	_ =	swait.ge [sflag:s16], $0x4000  }
0x2a: {  	[sflag:s16] =	ssyncset.done $0x0  }
0x2b: {  	[sflag:s16] =	ssyncadd.s32 $0xFFFFC000  }
0x2c: {  	[spmem:s8] =	stream.linear.scatter [tilespmem:s23], [sflag:$0x3], $0x4000, $0x38;
	[tilespmem:$0x9100] =	vst v63  }
0x2d: {  	_ =	swait.ge [sflag:s16], $0x4000  }
0x2e: {  	[sflag:s16] =	ssyncset.done $0x0  }
0x2f: {  	s24 =	simm.s32 $0x0;
	s23 =	simm.s32 $0x200;
	[sflag:s16] =	ssyncadd.s32 $0xFFFFC000  }
.LBB2_4:
0x30: {  	p0 =	sne.s32 s23, $0xFE00;
	[tilespmem:s24+$0x0] =	vst v1;
	s25 =	smov.u32 s23;
	s23 =	sadd.s32 $0x200, s23  }
.Ltmp1:
0x31: {  	[tilespmem:s24+$0x10] =	vst v1;
	(pc) =	sbr.rel @p0 .LBB2_4-.Ltmp1, $2  }
0x32: {  	_ =	sdelay $0x2  }
0x33: {  	s24 =	sshra.s32 s25, $0x2  }
0x34: {  	[tilespmem:s24+$0x0] =	vst v1  }
0x35: {  	[tilespmem:s24+$0x10] =	vst v1  }
0x36: {  	[bflag:$0x0] =	sbarrier.arrive $0xFFFF  }
0x37: {  	[tilespmem:s17], [sflag:$0x1] =	stream.linear.gather [hbm4b:s9+s3], $0x80, $0x38;
	[tilespmem:$0x9100] =	vst v63  }
0x38: {  	_ = 	snop  }
0x39: {  	[tilespmem:s18], [sflag:$0x2] =	stream.linear.gather [hbm4b:s15+s3], $0x80, $0x38;
	[tilespmem:$0x9100] =	vst v63  }
0x3a: {  	_ =	swait.ge [sflag:s19], $0x80  }
0x3b: {  	[sflag:s19] =	ssyncset.done $0x0  }
0x3c: {  	[sflag:s19] =	ssyncadd.s32 $0xFFFFFF80  }
0x3d: {  	[spmem:s2] =	stream.indirect.scatter.add.f32 [tilespmem:s3], [sflag:$0x3], $0x20, s17, s20, $0xb8;
	[tilespmem:$0x9100] =	vst v63  }
0x3e: {  	_ =	swait.ge [sflag:s16], $0x1000  }
0x3f: {  	[sflag:s16] =	ssyncset.done $0x0  }
0x40: {  	[sflag:s16] =	ssyncadd.s32 $0xFFFFF000  }
0x41: {  	[tilespmem:s17], [sflag:$0x1] =	stream.linear.gather [hbm4b:s14+s3], $0x80, $0x38;
	[tilespmem:$0x9100] =	vst v63  }
0x42: {  	p0 =	sne.s32 s11, $0x1;
	_ =	swait.ge [sflag:s21], $0x80  }
.Ltmp2:
0x43: {  	[sflag:s21] =	ssyncset.done $0x0;
	(pc) =	sbr.rel @!p0 .LBB2_7-.Ltmp2, $4  }
0x44: {  	[sflag:s21] =	ssyncadd.s32 $0xFFFFFF80  }
0x45: {  	[spmem:s2] =	stream.indirect.scatter.add.f32 [tilespmem:s3], [sflag:$0x3], $0x20, s18, s20, $0xb8;
	[tilespmem:$0x9100] =	vst v63  }
0x46: {  	s23 =	sadd.s32 $0xFFFFFFFF, s11;
	s25 =	sadd.s32 $0x40, s15;
	_ =	swait.ge [sflag:s16], $0x1000  }
0x47: {  	s24 =	smov.u32 s13;
	s26 =	smov.u32 s14;
	[sflag:s16] =	ssyncset.done $0x0  }
.LBB2_6:
0x48: {  	[sflag:s16] =	ssyncadd.s32 $0xFFFFF000;
	s24 =	sadd.s32 $0xFFFFFFC0, s24;
	s26 =	sadd.s32 $0x40, s26  }
0x49: {  	[tilespmem:s18], [sflag:$0x2] =	stream.linear.gather [hbm4b:s25+s3], $0x80, $0x38;
	[tilespmem:$0x9100] =	vst v63  }
0x4a: {  	p0 =	sne.s32 s23, $0x1;
	s23 =	sadd.s32 $0xFFFFFFFF, s23;
	_ =	swait.ge [sflag:s19], $0x80  }
0x4b: {  	[sflag:s19] =	ssyncset.done $0x0  }
0x4c: {  	[sflag:s19] =	ssyncadd.s32 $0xFFFFFF80  }
0x4d: {  	[spmem:s2] =	stream.indirect.scatter.add.f32 [tilespmem:s3], [sflag:$0x3], $0x20, s17, s20, $0xb8;
	[tilespmem:$0x9100] =	vst v63  }
0x4e: {  	_ =	swait.ge [sflag:s16], $0x1000  }
0x4f: {  	[sflag:s16] =	ssyncset.done $0x0  }
0x50: {  	[sflag:s16] =	ssyncadd.s32 $0xFFFFF000  }
0x51: {  	[tilespmem:s17], [sflag:$0x1] =	stream.linear.gather [hbm4b:s26+s3], $0x80, $0x38;
	[tilespmem:$0x9100] =	vst v63  }
0x52: {  	_ =	swait.ge [sflag:s21], $0x80  }
.Ltmp3:
0x53: {  	[sflag:s21] =	ssyncset.done $0x0;
	(pc) =	sbr.rel @p0 .LBB2_6-.Ltmp3, $4  }
0x54: {  	[sflag:s21] =	ssyncadd.s32 $0xFFFFFF80  }
0x55: {  	[spmem:s2] =	stream.indirect.scatter.add.f32 [tilespmem:s3], [sflag:$0x3], $0x20, s18, s20, $0xb8;
	[tilespmem:$0x9100] =	vst v63  }
0x56: {  	_ =	swait.ge [sflag:s16], $0x1000  }
0x57: {  	s25 =	sadd.s32 $0x40, s25;
	[sflag:s16] =	ssyncset.done $0x0  }
.LBB2_7:
0x58: {  	s23 =	sadd.s32 $0xFFFFFFC0, s24  }
0x59: {  	[sflag:s16] =	ssyncadd.s32 $0xFFFFF000;
	s23 =	ssub.s32 $0x0, s23  }
0x5a: {  	[tilespmem:s18], [sflag:$0x2] =	stream.linear.gather [hbm4b:s23+s3], $0x80, $0x38;
	[tilespmem:$0x9100] =	vst v63  }
0x5b: {  	_ =	swait.ge [sflag:s19], $0x80  }
0x5c: {  	[sflag:s19] =	ssyncset.done $0x0  }
0x5d: {  	[sflag:s19] =	ssyncadd.s32 $0xFFFFFF80  }
0x5e: {  	[spmem:s2] =	stream.indirect.scatter.add.f32 [tilespmem:s3], [sflag:$0x3], $0x20, s17, s20, $0xb8;
	[tilespmem:$0x9100] =	vst v63  }
0x5f: {  	_ =	swait.ge [sflag:s16], $0x1000  }
0x60: {  	[sflag:s16] =	ssyncset.done $0x0  }
0x61: {  	[sflag:s16] =	ssyncadd.s32 $0xFFFFF000  }
0x62: {  	_ =	swait.ge [sflag:s21], $0x80  }
0x63: {  	[sflag:s21] =	ssyncset.done $0x0  }
0x64: {  	[sflag:s21] =	ssyncadd.s32 $0xFFFFFF80  }
0x65: {  	[spmem:s2] =	stream.indirect.scatter.add.f32 [tilespmem:s3], [sflag:$0x3], $0x20, s18, s20, $0xb8;
	[tilespmem:$0x9100] =	vst v63  }
0x66: {  	_ =	swait.ge [sflag:s16], $0x1000  }
0x67: {  	s30 =	sshll.u32 s1, $0x6;
	s22 =	sadd.s32 $0x1, s22;
	[sflag:s16] =	ssyncset.done $0x0  }
0x68: {  	s31 =	sshrl.u32 s4, $0x3;
	p0 =	sne.s32 s22, s12;
	[sflag:s16] =	ssyncadd.s32 $0xFFFFF000  }
.Ltmp4:
0x69: {  	s23 =	sor.u32 $0x1C03, s30;
	[bflag:$0x0] =	sbarrier.arrive $0xFFFF;
	(pc) =	sbr.rel @p0 .LBB2_1-.Ltmp4, $4  }
0x6a: {  	[hbm:s10], [sflag:s23] =	dma.local [spmem:s31], $0x2800  }
0x6b: {  	_ =	swait.ge [sflag:s16], $0x2800  }
0x6c: {  	[sflag:s16] =	ssyncset.done $0x0  }
0x6d: {  	[sflag:s16] =	ssyncadd.s32 $0xFFFFD800  }
0x6e: {  	_ =	sfence.sel $0x180000  }
0x6f: {  	[bflag:$0x0] =	sbarrier.arrive $0xFFFF  }
0x70: {  	p0 =	sne.s32 s1, $0x0;
	_ =	strace $0x90000047  }
0x71: {  	s0 =	sadd.s32 @!p0 $0x100000, s0;
	[bflag:$0x2] =	sbarrier.arrive $0xFFFF  }
0x72: {  	[sflag:s0] =	ssyncadd.tile.s32 @!p0 $0x1;
	_ =	shalt  }
.Lfunc_end2:
_tile_overlayer_lowered:
.L_overlay_start_2:
0x73: {  	(tag) =	ssettag $0x2  }
0x74: {  	s0 =	rddreg [dreg:$0x0];
	s2 =	stileid.u32  }
0x75: {  	s1 =	rddreg [dreg:$0x1];
	p0 =	sne.s32 s2, $0x0  }
0x76: {  	s3 =	rddreg [dreg:$0x2];
	[bflag:$0x3] =	sbarrier.arrive $0xFFFF;
	s2 =	simm.s32 @!p0 $0x1C03  }
0x77: {  	[timem:s3], [sflag:s2] =	dma.local @!p0 [hbm:s0], s1  }
0x78: {  	s0 =	simm.s32 @!p0 $0x3  }
0x79: {  	_ =	swait.ge @!p0 [sflag:s0], s1  }
0x7a: {  	s1 =	ssub.s32 @!p0 $0x0, s1;
	[sflag:s0] =	ssyncset.done @!p0 $0x0  }
0x7b: {  	[sflag:s0] =	ssyncadd.s32 @!p0 s1  }
0x7c: {  	[bflag:$0x3] =	sbarrier.arrive $0xFFFF  }
0x7d: {  	_ =	shalt  }

</sc_bundles>
